<compile_context>
chip_gen: v7x
topology: tpu7x:2x2x1
jax: 0.10.2.dev20260603
libtpu: 0.0.44.dev20260713+nightly
codegen_flags: <defaults>
</compile_context>

<pallas_src>
import jax
import jax.numpy as jnp
from jax import lax
from jax.experimental import pallas as pl
from jax.experimental.pallas import tpu as pltpu
from jax.experimental.pallas import tpu_sc as plsc

NUM_CODEBOOKS = 8
CODEBOOK_SIZE = 1024
CODEBOOK_DIM = 128
N_FRAMES = 131072

L = 16
NW = 32
FRAMES_PER_W = N_FRAMES // NW
CHUNK_F = 32
NCH = FRAMES_PER_W // CHUNK_F
ROWS = CHUNK_F * NUM_CODEBOOKS
IDX_ROWS = ROWS // 128


def _body(table_hbm, idx_hbm, out_hbm,
          raw0, raw1, idx0, idx1, rows0, rows1, acc0, acc1,
          gsem0, gsem1, osem0, osem1):
    raw = (raw0, raw1)
    idx = (idx0, idx1)
    rows = (rows0, rows1)
    acc = (acc0, acc1)
    gsem = (gsem0, gsem1)
    osem = (osem0, osem1)

    wid = lax.axis_index("s") * 2 + lax.axis_index("c")
    f0 = wid * FRAMES_PER_W
    offs = (lax.iota(jnp.int32, L) % NUM_CODEBOOKS) * CODEBOOK_SIZE

    def prep(ch, b):
        fbase = f0 + ch * CHUNK_F
        pltpu.sync_copy(idx_hbm.at[pl.ds(fbase * NUM_CODEBOOKS, ROWS)], raw[b])
        for i in range(IDX_ROWS):
            for j in range(128 // L):
                idx[b][i, pl.ds(j * L, L)] = (
                    raw[b][pl.ds(i * 128 + j * L, L)] + offs)
        for k in range(IDX_ROWS):
            pltpu.async_copy(table_hbm.at[idx[b].at[k]],
                             rows[b].at[pl.ds(k * 128, 128)], gsem[b])

    def drain_gather(b):
        pltpu.make_async_copy(table_hbm.at[pl.ds(0, ROWS)], rows[b],
                              gsem[b]).wait()

    def drain_out(b):
        pltpu.make_async_copy(acc[b], out_hbm.at[pl.ds(0, CHUNK_F)],
                              osem[b]).wait()

    def compute(b):
        def frame_body(f, _):
            r = f * NUM_CODEBOOKS
            for d in range(CODEBOOK_DIM // L):
                sl = pl.ds(d * L, L)
                a = rows[b][r, sl]
                for l in range(1, NUM_CODEBOOKS):
                    a = a + rows[b][r + l, sl]
                acc[b][f, sl] = a
            return 0

        lax.fori_loop(0, CHUNK_F, frame_body, 0)

    prep(0, 0)
    prep(1, 1)

    def pair_body(p, _):
        g = p * 2
        for b in range(2):
            ch = g + b
            drain_gather(b)
            compute(b)

            @pl.when(ch >= 2)
            def _():
                drain_out(b)

            pltpu.async_copy(acc[b],
                             out_hbm.at[pl.ds(f0 + ch * CHUNK_F, CHUNK_F)],
                             osem[b])

            @pl.when(ch + 2 < NCH)
            def _():
                prep(ch + 2, b)

        return 0

    lax.fori_loop(0, NCH // 2, pair_body, 0)
    drain_out(0)
    drain_out(1)


@jax.jit
def _dequant(table, idx_flat):
    mesh = plsc.VectorSubcoreMesh(core_axis_name="c", subcore_axis_name="s")
    f = pl.kernel(
        _body,
        mesh=mesh,
        out_type=jax.ShapeDtypeStruct((N_FRAMES, CODEBOOK_DIM), jnp.float32),
        scratch_types=[
            pltpu.VMEM((ROWS,), jnp.int32),
            pltpu.VMEM((ROWS,), jnp.int32),
            pltpu.VMEM((IDX_ROWS, 128), jnp.int32),
            pltpu.VMEM((IDX_ROWS, 128), jnp.int32),
            pltpu.VMEM((ROWS, CODEBOOK_DIM), jnp.float32),
            pltpu.VMEM((ROWS, CODEBOOK_DIM), jnp.float32),
            pltpu.VMEM((CHUNK_F, CODEBOOK_DIM), jnp.float32),
            pltpu.VMEM((CHUNK_F, CODEBOOK_DIM), jnp.float32),
            pltpu.SemaphoreType.DMA,
            pltpu.SemaphoreType.DMA,
            pltpu.SemaphoreType.DMA,
            pltpu.SemaphoreType.DMA,
        ],
    )
    return f(table, idx_flat)


def kernel(x, codebooks):
    table = codebooks.reshape(NUM_CODEBOOKS * CODEBOOK_SIZE, CODEBOOK_DIM)
    idx_flat = x.reshape(N_FRAMES * NUM_CODEBOOKS)
    return _dequant(table, idx_flat)

# --- scband reference (transcript-rebuilt; emitter-appended) ---
"""Pipeline reference for scband-codec-embedder-85263690760975 (READ-ONLY COPY).

The authoritative reference and input builder live on the scoring server;
editing this copy changes nothing except your own understanding.
"""

import jax, jax.numpy as jnp
import numpy as np

NUM_CODEBOOKS = 8
CODEBOOK_SIZE = 1024
CODEBOOK_DIM = 128
N_FRAMES = 131072


def setup_inputs(seed: int = 0) -> dict:
    key = jax.random.key(seed)
    k1, k2 = jax.random.split(key)
    # forward arg: audio codes (B*T, C)
    x = jax.random.randint(k1, (N_FRAMES, NUM_CODEBOOKS), 0, CODEBOOK_SIZE, dtype=jnp.int32)
    # learned parameter: per-level RVQ codebooks, shape (C, K, D)
    codebooks = jax.random.normal(k2, (NUM_CODEBOOKS, CODEBOOK_SIZE, CODEBOOK_DIM), dtype=jnp.float32) * 0.02
    return {"x": x, "codebooks": codebooks}


def reference(x, codebooks):
    """Faithful translation of CodecEmbedder.forward.

    Original: tokens = x.permute(1,0).unsqueeze(0)  -> (1, C, T)
              emb = codec.dequantize(tokens, len)   -> (1, D, T)
              rearrange('B D T -> (B T) D')         -> (B*T, D)
    RVQ dequantize = sum over code levels of per-level codebook lookups.
    """
    tokens = jnp.transpose(x)  # (C, N)  (the permute(1,0); batch dim of 1 elided)

    def lookup(cb, idx):
        return jnp.take(cb, idx, axis=0)  # (N, D)

    per_level = jax.vmap(lookup)(codebooks, tokens)  # (C, N, D)
    embeddings = jnp.sum(per_level, axis=0)  # (N, D) == rearrange('B D T -> (B T) D') with B=1
    return embeddings

if __name__ == "__main__":
    import jax
    _d = setup_inputs()
    print(jax.jit(kernel)(*tuple(_d.values())))

</pallas_src>

<mosaic_0001>
#map = affine_map<(d0, d1) -> (0, 0)>
#map1 = affine_map<(d0, d1) -> (0)>
module attributes {stable_mosaic.version = 14 : i64} {
  func.func @_body(%arg0: i32, %arg1: i32, %arg2: memref<8192x128xf32, #tpu.memory_space<hbm>>, %arg3: memref<1048576xi32, #tpu.memory_space<hbm>>, %arg4: memref<131072x128xf32, #tpu.memory_space<hbm>>, %arg5: memref<256xi32, #tpu.memory_space<vmem>>, %arg6: memref<256xi32, #tpu.memory_space<vmem>>, %arg7: memref<2x128xi32, #tpu.memory_space<vmem>>, %arg8: memref<2x128xi32, #tpu.memory_space<vmem>>, %arg9: memref<256x128xf32, #tpu.memory_space<vmem>>, %arg10: memref<256x128xf32, #tpu.memory_space<vmem>>, %arg11: memref<32x128xf32, #tpu.memory_space<vmem>>, %arg12: memref<32x128xf32, #tpu.memory_space<vmem>>, %arg13: memref<!tpu.dma_semaphore, #tpu.memory_space<semaphore_mem>>, %arg14: memref<!tpu.dma_semaphore, #tpu.memory_space<semaphore_mem>>, %arg15: memref<!tpu.dma_semaphore, #tpu.memory_space<semaphore_mem>>, %arg16: memref<!tpu.dma_semaphore, #tpu.memory_space<semaphore_mem>>) attributes {dimension_semantics = [#tpu.dimension_semantics<core_parallel>, #tpu.dimension_semantics<subcore_parallel>], iteration_bounds = array<i64: 2, 16>, scalar_prefetch = 0 : i64, scratch_operands = 12 : i64, tpu.core_type = #tpu.core_type<sc_vector_subcore>, window_params = [{transform_indices = #map}, {transform_indices = #map1}, {transform_indices = #map}]} {
    %mul3A = arith.constant 2 : i32
    %mul3A_0 = arith.muli %arg1, %mul3A : i32
    %add3A = arith.addi %mul3A_0, %arg0 : i32
    %mul3A_1 = arith.constant 4096 : i32
    %mul3A_2 = arith.muli %add3A, %mul3A_1 : i32
    %iota3A = tpu.iota {dimensions = array<i32: 0>} : vector<16xi32>
    %jit3A = arith.constant 8 : i32
    %eq3A = arith.constant 0 : i32
    %eq3A_3 = arith.cmpi eq, %jit3A, %eq3A : i32
    %jit3A_4 = arith.constant 1 : i32
    %select_n3A = arith.select %eq3A_3, %jit3A_4, %jit3A : i32
    %rem3A = vector.broadcast %select_n3A : i32 to vector<16xi32>
    %rem3A_5 = arith.remsi %iota3A, %rem3A : vector<16xi32>
    %ne3A = arith.constant 0 : i32
    %ne3A_6 = vector.broadcast %ne3A : i32 to vector<16xi32>
    %ne3A_7 = arith.cmpi ne, %rem3A_5, %ne3A_6 : vector<16xi32>
    %lt3A = arith.constant 0 : i32
    %lt3A_8 = vector.broadcast %lt3A : i32 to vector<16xi32>
    %lt3A_9 = arith.cmpi slt, %rem3A_5, %lt3A_8 : vector<16xi32>
    %lt3A_10 = arith.constant 0 : i32
    %lt3A_11 = arith.cmpi slt, %select_n3A, %lt3A_10 : i32
    %ne3A_12 = vector.broadcast %lt3A_11 : i1 to vector<16xi1>
    %ne3A_13 = vector.broadcast %ne3A_12 : vector<16xi1> to vector<16xi1>
    %ne3A_14 = arith.xori %lt3A_9, %ne3A_13 : vector<16xi1>
    %and3A = arith.andi %ne3A_14, %ne3A_7 : vector<16xi1>
    %add3A_15 = vector.broadcast %select_n3A : i32 to vector<16xi32>
    %add3A_16 = arith.addi %rem3A_5, %add3A_15 : vector<16xi32>
    %select_n3A_17 = arith.select %and3A, %add3A_16, %rem3A_5 : vector<16xi1>, vector<16xi32>
    %mul3A_18 = arith.constant 1024 : i32
    %mul3A_19 = vector.broadcast %mul3A_18 : i32 to vector<16xi32>
    %mul3A_20 = arith.muli %select_n3A_17, %mul3A_19 : vector<16xi32>
    %add3A_21 = arith.constant 0 : i32
    %add3A_22 = arith.addi %mul3A_2, %add3A_21 : i32
    %mul3A_23 = arith.constant 8 : i32
    %mul3A_24 = arith.muli %add3A_22, %mul3A_23 : i32
    "tpu.region"() ({
      %run_scoped3A = tpu.sem_alloc : memref<!tpu.dma_semaphore, #tpu.memory_space<semaphore_mem>>
      %dma_start3A_403 = tpu.memref_slice %arg3[%mul3A_24] : memref<1048576xi32, #tpu.memory_space<hbm>> -> memref<256xi32, #tpu.memory_space<hbm>>
      %dma_start3A_404 = tpu.memref_slice %arg3[%mul3A_24] : memref<1048576xi32, #tpu.memory_space<hbm>> -> memref<256xi32, #tpu.memory_space<hbm>>
      tpu.enqueue_dma source(%dma_start3A_404 : memref<256xi32, #tpu.memory_space<hbm>>) target(%arg5 : memref<256xi32, #tpu.memory_space<vmem>>) target_semaphore(%run_scoped3A : memref<!tpu.dma_semaphore, #tpu.memory_space<semaphore_mem>>)
      %dma_wait3A_405 = tpu.memref_slice %arg3[%mul3A_24] : memref<1048576xi32, #tpu.memory_space<hbm>> -> memref<256xi32, #tpu.memory_space<hbm>>
      %dma_wait3A_406 = tpu.memref_slice %arg3[%mul3A_24] : memref<1048576xi32, #tpu.memory_space<hbm>> -> memref<256xi32, #tpu.memory_space<hbm>>
      tpu.wait_dma2 semaphore(%run_scoped3A : memref<!tpu.dma_semaphore, #tpu.memory_space<semaphore_mem>>) src(%dma_wait3A_406 : memref<256xi32, #tpu.memory_space<hbm>>) dst(%arg5 : memref<256xi32, #tpu.memory_space<vmem>>)
      tpu.yield
    }) : () -> ()
    %get3A = arith.constant 0 : index
    %get3A_25 = tpu.vector_load %arg5[%get3A] {strides = array<i32>} : memref<256xi32, #tpu.memory_space<vmem>>, vector<16xi32>,
    %get3A_26 = vector.shape_cast %get3A_25 : vector<16xi32> to vector<16xi32>
    %add3A_27 = arith.addi %get3A_26, %mul3A_20 : vector<16xi32>
    %swap3A = arith.constant 0 : i32
    %swap3A_28 = arith.index_cast %swap3A : i32 to index
    %swap3A_29 = arith.constant 0 : index
    %swap3A_30 = tpu.vector_load %arg7[%swap3A_28, %swap3A_29] {strides = array<i32>} : memref<2x128xi32, #tpu.memory_space<vmem>>, vector<1x16xi32>,
    %swap3A_31 = vector.shape_cast %swap3A_30 : vector<1x16xi32> to vector<16xi32>
    %swap3A_32 = vector.shape_cast %add3A_27 : vector<16xi32> to vector<1x16xi32>
    tpu.vector_store %arg7[%swap3A_28, %swap3A_29], %swap3A_32 {strides = array<i32>} : memref<2x128xi32, #tpu.memory_space<vmem>>, vector<1x16xi32>,
    %get3A_33 = arith.constant 16 : index
    %get3A_34 = tpu.vector_load %arg5[%get3A_33] {strides = array<i32>} : memref<256xi32, #tpu.memory_space<vmem>>, vector<16xi32>,
    %get3A_35 = vector.shape_cast %get3A_34 : vector<16xi32> to vector<16xi32>
    %add3A_36 = arith.addi %get3A_35, %mul3A_20 : vector<16xi32>
    %swap3A_37 = arith.constant 0 : i32
    %swap3A_38 = arith.index_cast %swap3A_37 : i32 to index
    %swap3A_39 = arith.constant 16 : index
    %swap3A_40 = tpu.vector_load %arg7[%swap3A_38, %swap3A_39] {strides = array<i32>} : memref<2x128xi32, #tpu.memory_space<vmem>>, vector<1x16xi32>,
    %swap3A_41 = vector.shape_cast %swap3A_40 : vector<1x16xi32> to vector<16xi32>
    %swap3A_42 = vector.shape_cast %add3A_36 : vector<16xi32> to vector<1x16xi32>
    tpu.vector_store %arg7[%swap3A_38, %swap3A_39], %swap3A_42 {strides = array<i32>} : memref<2x128xi32, #tpu.memory_space<vmem>>, vector<1x16xi32>,
    %get3A_43 = arith.constant 32 : index
    %get3A_44 = tpu.vector_load %arg5[%get3A_43] {strides = array<i32>} : memref<256xi32, #tpu.memory_space<vmem>>, vector<16xi32>,
    %get3A_45 = vector.shape_cast %get3A_44 : vector<16xi32> to vector<16xi32>
    %add3A_46 = arith.addi %get3A_45, %mul3A_20 : vector<16xi32>
    %swap3A_47 = arith.constant 0 : i32
    %swap3A_48 = arith.index_cast %swap3A_47 : i32 to index
    %swap3A_49 = arith.constant 32 : index
    %swap3A_50 = tpu.vector_load %arg7[%swap3A_48, %swap3A_49] {strides = array<i32>} : memref<2x128xi32, #tpu.memory_space<vmem>>, vector<1x16xi32>,
    %swap3A_51 = vector.shape_cast %swap3A_50 : vector<1x16xi32> to vector<16xi32>
    %swap3A_52 = vector.shape_cast %add3A_46 : vector<16xi32> to vector<1x16xi32>
    tpu.vector_store %arg7[%swap3A_48, %swap3A_49], %swap3A_52 {strides = array<i32>} : memref<2x128xi32, #tpu.memory_space<vmem>>, vector<1x16xi32>,
    %get3A_53 = arith.constant 48 : index
    %get3A_54 = tpu.vector_load %arg5[%get3A_53] {strides = array<i32>} : memref<256xi32, #tpu.memory_space<vmem>>, vector<16xi32>,
    %get3A_55 = vector.shape_cast %get3A_54 : vector<16xi32> to vector<16xi32>
    %add3A_56 = arith.addi %get3A_55, %mul3A_20 : vector<16xi32>
    %swap3A_57 = arith.constant 0 : i32
    %swap3A_58 = arith.index_cast %swap3A_57 : i32 to index
    %swap3A_59 = arith.constant 48 : index
    %swap3A_60 = tpu.vector_load %arg7[%swap3A_58, %swap3A_59] {strides = array<i32>} : memref<2x128xi32, #tpu.memory_space<vmem>>, vector<1x16xi32>,
    %swap3A_61 = vector.shape_cast %swap3A_60 : vector<1x16xi32> to vector<16xi32>
    %swap3A_62 = vector.shape_cast %add3A_56 : vector<16xi32> to vector<1x16xi32>
    tpu.vector_store %arg7[%swap3A_58, %swap3A_59], %swap3A_62 {strides = array<i32>} : memref<2x128xi32, #tpu.memory_space<vmem>>, vector<1x16xi32>,
    %get3A_63 = arith.constant 64 : index
    %get3A_64 = tpu.vector_load %arg5[%get3A_63] {strides = array<i32>} : memref<256xi32, #tpu.memory_space<vmem>>, vector<16xi32>,
    %get3A_65 = vector.shape_cast %get3A_64 : vector<16xi32> to vector<16xi32>
    %add3A_66 = arith.addi %get3A_65, %mul3A_20 : vector<16xi32>
    %swap3A_67 = arith.constant 0 : i32
    %swap3A_68 = arith.index_cast %swap3A_67 : i32 to index
    %swap3A_69 = arith.constant 64 : index
    %swap3A_70 = tpu.vector_load %arg7[%swap3A_68, %swap3A_69] {strides = array<i32>} : memref<2x128xi32, #tpu.memory_space<vmem>>, vector<1x16xi32>,
    %swap3A_71 = vector.shape_cast %swap3A_70 : vector<1x16xi32> to vector<16xi32>
    %swap3A_72 = vector.shape_cast %add3A_66 : vector<16xi32> to vector<1x16xi32>
    tpu.vector_store %arg7[%swap3A_68, %swap3A_69], %swap3A_72 {strides = array<i32>} : memref<2x128xi32, #tpu.memory_space<vmem>>, vector<1x16xi32>,
    %get3A_73 = arith.constant 80 : index
    %get3A_74 = tpu.vector_load %arg5[%get3A_73] {strides = array<i32>} : memref<256xi32, #tpu.memory_space<vmem>>, vector<16xi32>,
    %get3A_75 = vector.shape_cast %get3A_74 : vector<16xi32> to vector<16xi32>
    %add3A_76 = arith.addi %get3A_75, %mul3A_20 : vector<16xi32>
    %swap3A_77 = arith.constant 0 : i32
    %swap3A_78 = arith.index_cast %swap3A_77 : i32 to index
    %swap3A_79 = arith.constant 80 : index
    %swap3A_80 = tpu.vector_load %arg7[%swap3A_78, %swap3A_79] {strides = array<i32>} : memref<2x128xi32, #tpu.memory_space<vmem>>, vector<1x16xi32>,
    %swap3A_81 = vector.shape_cast %swap3A_80 : vector<1x16xi32> to vector<16xi32>
    %swap3A_82 = vector.shape_cast %add3A_76 : vector<16xi32> to vector<1x16xi32>
    tpu.vector_store %arg7[%swap3A_78, %swap3A_79], %swap3A_82 {strides = array<i32>} : memref<2x128xi32, #tpu.memory_space<vmem>>, vector<1x16xi32>,
    %get3A_83 = arith.constant 96 : index
    %get3A_84 = tpu.vector_load %arg5[%get3A_83] {strides = array<i32>} : memref<256xi32, #tpu.memory_space<vmem>>, vector<16xi32>,
    %get3A_85 = vector.shape_cast %get3A_84 : vector<16xi32> to vector<16xi32>
    %add3A_86 = arith.addi %get3A_85, %mul3A_20 : vector<16xi32>
    %swap3A_87 = arith.constant 0 : i32
    %swap3A_88 = arith.index_cast %swap3A_87 : i32 to index
    %swap3A_89 = arith.constant 96 : index
    %swap3A_90 = tpu.vector_load %arg7[%swap3A_88, %swap3A_89] {strides = array<i32>} : memref<2x128xi32, #tpu.memory_space<vmem>>, vector<1x16xi32>,
    %swap3A_91 = vector.shape_cast %swap3A_90 : vector<1x16xi32> to vector<16xi32>
    %swap3A_92 = vector.shape_cast %add3A_86 : vector<16xi32> to vector<1x16xi32>
    tpu.vector_store %arg7[%swap3A_88, %swap3A_89], %swap3A_92 {strides = array<i32>} : memref<2x128xi32, #tpu.memory_space<vmem>>, vector<1x16xi32>,
    %get3A_93 = arith.constant 112 : index
    %get3A_94 = tpu.vector_load %arg5[%get3A_93] {strides = array<i32>} : memref<256xi32, #tpu.memory_space<vmem>>, vector<16xi32>,
    %get3A_95 = vector.shape_cast %get3A_94 : vector<16xi32> to vector<16xi32>
    %add3A_96 = arith.addi %get3A_95, %mul3A_20 : vector<16xi32>
    %swap3A_97 = arith.constant 0 : i32
    %swap3A_98 = arith.index_cast %swap3A_97 : i32 to index
    %swap3A_99 = arith.constant 112 : index
    %swap3A_100 = tpu.vector_load %arg7[%swap3A_98, %swap3A_99] {strides = array<i32>} : memref<2x128xi32, #tpu.memory_space<vmem>>, vector<1x16xi32>,
    %swap3A_101 = vector.shape_cast %swap3A_100 : vector<1x16xi32> to vector<16xi32>
    %swap3A_102 = vector.shape_cast %add3A_96 : vector<16xi32> to vector<1x16xi32>
    tpu.vector_store %arg7[%swap3A_98, %swap3A_99], %swap3A_102 {strides = array<i32>} : memref<2x128xi32, #tpu.memory_space<vmem>>, vector<1x16xi32>,
    %get3A_103 = arith.constant 128 : index
    %get3A_104 = tpu.vector_load %arg5[%get3A_103] {strides = array<i32>} : memref<256xi32, #tpu.memory_space<vmem>>, vector<16xi32>,
    %get3A_105 = vector.shape_cast %get3A_104 : vector<16xi32> to vector<16xi32>
    %add3A_106 = arith.addi %get3A_105, %mul3A_20 : vector<16xi32>
    %swap3A_107 = arith.constant 1 : i32
    %swap3A_108 = arith.index_cast %swap3A_107 : i32 to index
    %swap3A_109 = arith.constant 0 : index
    %swap3A_110 = tpu.vector_load %arg7[%swap3A_108, %swap3A_109] {strides = array<i32>} : memref<2x128xi32, #tpu.memory_space<vmem>>, vector<1x16xi32>,
    %swap3A_111 = vector.shape_cast %swap3A_110 : vector<1x16xi32> to vector<16xi32>
    %swap3A_112 = vector.shape_cast %add3A_106 : vector<16xi32> to vector<1x16xi32>
    tpu.vector_store %arg7[%swap3A_108, %swap3A_109], %swap3A_112 {strides = array<i32>} : memref<2x128xi32, #tpu.memory_space<vmem>>, vector<1x16xi32>,
    %get3A_113 = arith.constant 144 : index
    %get3A_114 = tpu.vector_load %arg5[%get3A_113] {strides = array<i32>} : memref<256xi32, #tpu.memory_space<vmem>>, vector<16xi32>,
    %get3A_115 = vector.shape_cast %get3A_114 : vector<16xi32> to vector<16xi32>
    %add3A_116 = arith.addi %get3A_115, %mul3A_20 : vector<16xi32>
    %swap3A_117 = arith.constant 1 : i32
    %swap3A_118 = arith.index_cast %swap3A_117 : i32 to index
    %swap3A_119 = arith.constant 16 : index
    %swap3A_120 = tpu.vector_load %arg7[%swap3A_118, %swap3A_119] {strides = array<i32>} : memref<2x128xi32, #tpu.memory_space<vmem>>, vector<1x16xi32>,
    %swap3A_121 = vector.shape_cast %swap3A_120 : vector<1x16xi32> to vector<16xi32>
    %swap3A_122 = vector.shape_cast %add3A_116 : vector<16xi32> to vector<1x16xi32>
    tpu.vector_store %arg7[%swap3A_118, %swap3A_119], %swap3A_122 {strides = array<i32>} : memref<2x128xi32, #tpu.memory_space<vmem>>, vector<1x16xi32>,
    %get3A_123 = arith.constant 160 : index
    %get3A_124 = tpu.vector_load %arg5[%get3A_123] {strides = array<i32>} : memref<256xi32, #tpu.memory_space<vmem>>, vector<16xi32>,
    %get3A_125 = vector.shape_cast %get3A_124 : vector<16xi32> to vector<16xi32>
    %add3A_126 = arith.addi %get3A_125, %mul3A_20 : vector<16xi32>
    %swap3A_127 = arith.constant 1 : i32
    %swap3A_128 = arith.index_cast %swap3A_127 : i32 to index
    %swap3A_129 = arith.constant 32 : index
    %swap3A_130 = tpu.vector_load %arg7[%swap3A_128, %swap3A_129] {strides = array<i32>} : memref<2x128xi32, #tpu.memory_space<vmem>>, vector<1x16xi32>,
    %swap3A_131 = vector.shape_cast %swap3A_130 : vector<1x16xi32> to vector<16xi32>
    %swap3A_132 = vector.shape_cast %add3A_126 : vector<16xi32> to vector<1x16xi32>
    tpu.vector_store %arg7[%swap3A_128, %swap3A_129], %swap3A_132 {strides = array<i32>} : memref<2x128xi32, #tpu.memory_space<vmem>>, vector<1x16xi32>,
    %get3A_133 = arith.constant 176 : index
    %get3A_134 = tpu.vector_load %arg5[%get3A_133] {strides = array<i32>} : memref<256xi32, #tpu.memory_space<vmem>>, vector<16xi32>,
    %get3A_135 = vector.shape_cast %get3A_134 : vector<16xi32> to vector<16xi32>
    %add3A_136 = arith.addi %get3A_135, %mul3A_20 : vector<16xi32>
    %swap3A_137 = arith.constant 1 : i32
    %swap3A_138 = arith.index_cast %swap3A_137 : i32 to index
    %swap3A_139 = arith.constant 48 : index
    %swap3A_140 = tpu.vector_load %arg7[%swap3A_138, %swap3A_139] {strides = array<i32>} : memref<2x128xi32, #tpu.memory_space<vmem>>, vector<1x16xi32>,
    %swap3A_141 = vector.shape_cast %swap3A_140 : vector<1x16xi32> to vector<16xi32>
    %swap3A_142 = vector.shape_cast %add3A_136 : vector<16xi32> to vector<1x16xi32>
    tpu.vector_store %arg7[%swap3A_138, %swap3A_139], %swap3A_142 {strides = array<i32>} : memref<2x128xi32, #tpu.memory_space<vmem>>, vector<1x16xi32>,
    %get3A_143 = arith.constant 192 : index
    %get3A_144 = tpu.vector_load %arg5[%get3A_143] {strides = array<i32>} : memref<256xi32, #tpu.memory_space<vmem>>, vector<16xi32>,
    %get3A_145 = vector.shape_cast %get3A_144 : vector<16xi32> to vector<16xi32>
    %add3A_146 = arith.addi %get3A_145, %mul3A_20 : vector<16xi32>
    %swap3A_147 = arith.constant 1 : i32
    %swap3A_148 = arith.index_cast %swap3A_147 : i32 to index
    %swap3A_149 = arith.constant 64 : index
    %swap3A_150 = tpu.vector_load %arg7[%swap3A_148, %swap3A_149] {strides = array<i32>} : memref<2x128xi32, #tpu.memory_space<vmem>>, vector<1x16xi32>,
    %swap3A_151 = vector.shape_cast %swap3A_150 : vector<1x16xi32> to vector<16xi32>
    %swap3A_152 = vector.shape_cast %add3A_146 : vector<16xi32> to vector<1x16xi32>
    tpu.vector_store %arg7[%swap3A_148, %swap3A_149], %swap3A_152 {strides = array<i32>} : memref<2x128xi32, #tpu.memory_space<vmem>>, vector<1x16xi32>,
    %get3A_153 = arith.constant 208 : index
    %get3A_154 = tpu.vector_load %arg5[%get3A_153] {strides = array<i32>} : memref<256xi32, #tpu.memory_space<vmem>>, vector<16xi32>,
    %get3A_155 = vector.shape_cast %get3A_154 : vector<16xi32> to vector<16xi32>
    %add3A_156 = arith.addi %get3A_155, %mul3A_20 : vector<16xi32>
    %swap3A_157 = arith.constant 1 : i32
    %swap3A_158 = arith.index_cast %swap3A_157 : i32 to index
    %swap3A_159 = arith.constant 80 : index
    %swap3A_160 = tpu.vector_load %arg7[%swap3A_158, %swap3A_159] {strides = array<i32>} : memref<2x128xi32, #tpu.memory_space<vmem>>, vector<1x16xi32>,
    %swap3A_161 = vector.shape_cast %swap3A_160 : vector<1x16xi32> to vector<16xi32>
    %swap3A_162 = vector.shape_cast %add3A_156 : vector<16xi32> to vector<1x16xi32>
    tpu.vector_store %arg7[%swap3A_158, %swap3A_159], %swap3A_162 {strides = array<i32>} : memref<2x128xi32, #tpu.memory_space<vmem>>, vector<1x16xi32>,
    %get3A_163 = arith.constant 224 : index
    %get3A_164 = tpu.vector_load %arg5[%get3A_163] {strides = array<i32>} : memref<256xi32, #tpu.memory_space<vmem>>, vector<16xi32>,
    %get3A_165 = vector.shape_cast %get3A_164 : vector<16xi32> to vector<16xi32>
    %add3A_166 = arith.addi %get3A_165, %mul3A_20 : vector<16xi32>
    %swap3A_167 = arith.constant 1 : i32
    %swap3A_168 = arith.index_cast %swap3A_167 : i32 to index
    %swap3A_169 = arith.constant 96 : index
    %swap3A_170 = tpu.vector_load %arg7[%swap3A_168, %swap3A_169] {strides = array<i32>} : memref<2x128xi32, #tpu.memory_space<vmem>>, vector<1x16xi32>,
    %swap3A_171 = vector.shape_cast %swap3A_170 : vector<1x16xi32> to vector<16xi32>
    %swap3A_172 = vector.shape_cast %add3A_166 : vector<16xi32> to vector<1x16xi32>
    tpu.vector_store %arg7[%swap3A_168, %swap3A_169], %swap3A_172 {strides = array<i32>} : memref<2x128xi32, #tpu.memory_space<vmem>>, vector<1x16xi32>,
    %get3A_173 = arith.constant 240 : index
    %get3A_174 = tpu.vector_load %arg5[%get3A_173] {strides = array<i32>} : memref<256xi32, #tpu.memory_space<vmem>>, vector<16xi32>,
    %get3A_175 = vector.shape_cast %get3A_174 : vector<16xi32> to vector<16xi32>
    %add3A_176 = arith.addi %get3A_175, %mul3A_20 : vector<16xi32>
    %swap3A_177 = arith.constant 1 : i32
    %swap3A_178 = arith.index_cast %swap3A_177 : i32 to index
    %swap3A_179 = arith.constant 112 : index
    %swap3A_180 = tpu.vector_load %arg7[%swap3A_178, %swap3A_179] {strides = array<i32>} : memref<2x128xi32, #tpu.memory_space<vmem>>, vector<1x16xi32>,
    %swap3A_181 = vector.shape_cast %swap3A_180 : vector<1x16xi32> to vector<16xi32>
    %swap3A_182 = vector.shape_cast %add3A_176 : vector<16xi32> to vector<1x16xi32>
    tpu.vector_store %arg7[%swap3A_178, %swap3A_179], %swap3A_182 {strides = array<i32>} : memref<2x128xi32, #tpu.memory_space<vmem>>, vector<1x16xi32>,
    %dma_start3A = arith.constant 0 : i32
    %dma_start3A_183 = arith.constant 0 : i32
    %dma_start3A_184 = arith.constant 0 : i32
    %dma_start3A_185 = tpu.memref_slice %arg9[%dma_start3A_183, %dma_start3A_184] : memref<256x128xf32, #tpu.memory_space<vmem>> -> memref<128x128xf32, #tpu.memory_space<vmem>>
    %dma_start3A_186 = arith.constant 0 : i32
    %dma_start3A_187 = tpu.memref_slice %arg7[%dma_start3A, %dma_start3A_186] : memref<2x128xi32, #tpu.memory_space<vmem>> -> memref<1x128xi32, #tpu.memory_space<vmem>>
    %dma_start3A_188 = tpu.memref_squeeze %dma_start3A_187 : memref<1x128xi32, #tpu.memory_space<vmem>> -> memref<128xi32, #tpu.memory_space<vmem>>
    %dma_start3A_189 = arith.constant 0 : i32
    %dma_start3A_190 = arith.constant 0 : i32
    %dma_start3A_191 = tpu.memref_slice %arg2[%dma_start3A_189, %dma_start3A_190] : memref<8192x128xf32, #tpu.memory_space<hbm>> -> memref<8192x128xf32, #tpu.memory_space<hbm>>
    tpu.enqueue_indirect_dma source(%dma_start3A_191 : memref<8192x128xf32, #tpu.memory_space<hbm>>) target(%dma_start3A_185 : memref<128x128xf32, #tpu.memory_space<vmem>>) offsets(%dma_start3A_188 : memref<128xi32, #tpu.memory_space<vmem>>) semaphore(%arg13 : memref<!tpu.dma_semaphore, #tpu.memory_space<semaphore_mem>>)
    %dma_start3A_192 = arith.constant 1 : i32
    %dma_start3A_193 = arith.constant 128 : i32
    %dma_start3A_194 = arith.constant 0 : i32
    %dma_start3A_195 = tpu.memref_slice %arg9[%dma_start3A_193, %dma_start3A_194] : memref<256x128xf32, #tpu.memory_space<vmem>> -> memref<128x128xf32, #tpu.memory_space<vmem>>
    %dma_start3A_196 = arith.constant 0 : i32
    %dma_start3A_197 = tpu.memref_slice %arg7[%dma_start3A_192, %dma_start3A_196] : memref<2x128xi32, #tpu.memory_space<vmem>> -> memref<1x128xi32, #tpu.memory_space<vmem>>
    %dma_start3A_198 = tpu.memref_squeeze %dma_start3A_197 : memref<1x128xi32, #tpu.memory_space<vmem>> -> memref<128xi32, #tpu.memory_space<vmem>>
    %dma_start3A_199 = arith.constant 0 : i32
    %dma_start3A_200 = arith.constant 0 : i32
    %dma_start3A_201 = tpu.memref_slice %arg2[%dma_start3A_199, %dma_start3A_200] : memref<8192x128xf32, #tpu.memory_space<hbm>> -> memref<8192x128xf32, #tpu.memory_space<hbm>>
    tpu.enqueue_indirect_dma source(%dma_start3A_201 : memref<8192x128xf32, #tpu.memory_space<hbm>>) target(%dma_start3A_195 : memref<128x128xf32, #tpu.memory_space<vmem>>) offsets(%dma_start3A_198 : memref<128xi32, #tpu.memory_space<vmem>>) semaphore(%arg13 : memref<!tpu.dma_semaphore, #tpu.memory_space<semaphore_mem>>)
    %add3A_202 = arith.constant 32 : i32
    %add3A_203 = arith.addi %mul3A_2, %add3A_202 : i32
    %mul3A_204 = arith.constant 8 : i32
    %mul3A_205 = arith.muli %add3A_203, %mul3A_204 : i32
    "tpu.region"() ({
      %run_scoped3A = tpu.sem_alloc : memref<!tpu.dma_semaphore, #tpu.memory_space<semaphore_mem>>
      %dma_start3A_403 = tpu.memref_slice %arg3[%mul3A_205] : memref<1048576xi32, #tpu.memory_space<hbm>> -> memref<256xi32, #tpu.memory_space<hbm>>
      %dma_start3A_404 = tpu.memref_slice %arg3[%mul3A_205] : memref<1048576xi32, #tpu.memory_space<hbm>> -> memref<256xi32, #tpu.memory_space<hbm>>
      tpu.enqueue_dma source(%dma_start3A_404 : memref<256xi32, #tpu.memory_space<hbm>>) target(%arg6 : memref<256xi32, #tpu.memory_space<vmem>>) target_semaphore(%run_scoped3A : memref<!tpu.dma_semaphore, #tpu.memory_space<semaphore_mem>>)
      %dma_wait3A_405 = tpu.memref_slice %arg3[%mul3A_205] : memref<1048576xi32, #tpu.memory_space<hbm>> -> memref<256xi32, #tpu.memory_space<hbm>>
      %dma_wait3A_406 = tpu.memref_slice %arg3[%mul3A_205] : memref<1048576xi32, #tpu.memory_space<hbm>> -> memref<256xi32, #tpu.memory_space<hbm>>
      tpu.wait_dma2 semaphore(%run_scoped3A : memref<!tpu.dma_semaphore, #tpu.memory_space<semaphore_mem>>) src(%dma_wait3A_406 : memref<256xi32, #tpu.memory_space<hbm>>) dst(%arg6 : memref<256xi32, #tpu.memory_space<vmem>>)
      tpu.yield
    }) : () -> ()
    %get3A_206 = arith.constant 0 : index
    %get3A_207 = tpu.vector_load %arg6[%get3A_206] {strides = array<i32>} : memref<256xi32, #tpu.memory_space<vmem>>, vector<16xi32>,
    %get3A_208 = vector.shape_cast %get3A_207 : vector<16xi32> to vector<16xi32>
    %add3A_209 = arith.addi %get3A_208, %mul3A_20 : vector<16xi32>
    %swap3A_210 = arith.constant 0 : i32
    %swap3A_211 = arith.index_cast %swap3A_210 : i32 to index
    %swap3A_212 = arith.constant 0 : index
    %swap3A_213 = tpu.vector_load %arg8[%swap3A_211, %swap3A_212] {strides = array<i32>} : memref<2x128xi32, #tpu.memory_space<vmem>>, vector<1x16xi32>,
    %swap3A_214 = vector.shape_cast %swap3A_213 : vector<1x16xi32> to vector<16xi32>
    %swap3A_215 = vector.shape_cast %add3A_209 : vector<16xi32> to vector<1x16xi32>
    tpu.vector_store %arg8[%swap3A_211, %swap3A_212], %swap3A_215 {strides = array<i32>} : memref<2x128xi32, #tpu.memory_space<vmem>>, vector<1x16xi32>,
    %get3A_216 = arith.constant 16 : index
    %get3A_217 = tpu.vector_load %arg6[%get3A_216] {strides = array<i32>} : memref<256xi32, #tpu.memory_space<vmem>>, vector<16xi32>,
    %get3A_218 = vector.shape_cast %get3A_217 : vector<16xi32> to vector<16xi32>
    %add3A_219 = arith.addi %get3A_218, %mul3A_20 : vector<16xi32>
    %swap3A_220 = arith.constant 0 : i32
    %swap3A_221 = arith.index_cast %swap3A_220 : i32 to index
    %swap3A_222 = arith.constant 16 : index
    %swap3A_223 = tpu.vector_load %arg8[%swap3A_221, %swap3A_222] {strides = array<i32>} : memref<2x128xi32, #tpu.memory_space<vmem>>, vector<1x16xi32>,
    %swap3A_224 = vector.shape_cast %swap3A_223 : vector<1x16xi32> to vector<16xi32>
    %swap3A_225 = vector.shape_cast %add3A_219 : vector<16xi32> to vector<1x16xi32>
    tpu.vector_store %arg8[%swap3A_221, %swap3A_222], %swap3A_225 {strides = array<i32>} : memref<2x128xi32, #tpu.memory_space<vmem>>, vector<1x16xi32>,
    %get3A_226 = arith.constant 32 : index
    %get3A_227 = tpu.vector_load %arg6[%get3A_226] {strides = array<i32>} : memref<256xi32, #tpu.memory_space<vmem>>, vector<16xi32>,
    %get3A_228 = vector.shape_cast %get3A_227 : vector<16xi32> to vector<16xi32>
    %add3A_229 = arith.addi %get3A_228, %mul3A_20 : vector<16xi32>
    %swap3A_230 = arith.constant 0 : i32
    %swap3A_231 = arith.index_cast %swap3A_230 : i32 to index
    %swap3A_232 = arith.constant 32 : index
    %swap3A_233 = tpu.vector_load %arg8[%swap3A_231, %swap3A_232] {strides = array<i32>} : memref<2x128xi32, #tpu.memory_space<vmem>>, vector<1x16xi32>,
    %swap3A_234 = vector.shape_cast %swap3A_233 : vector<1x16xi32> to vector<16xi32>
    %swap3A_235 = vector.shape_cast %add3A_229 : vector<16xi32> to vector<1x16xi32>
    tpu.vector_store %arg8[%swap3A_231, %swap3A_232], %swap3A_235 {strides = array<i32>} : memref<2x128xi32, #tpu.memory_space<vmem>>, vector<1x16xi32>,
    %get3A_236 = arith.constant 48 : index
    %get3A_237 = tpu.vector_load %arg6[%get3A_236] {strides = array<i32>} : memref<256xi32, #tpu.memory_space<vmem>>, vector<16xi32>,
    %get3A_238 = vector.shape_cast %get3A_237 : vector<16xi32> to vector<16xi32>
    %add3A_239 = arith.addi %get3A_238, %mul3A_20 : vector<16xi32>
    %swap3A_240 = arith.constant 0 : i32
    %swap3A_241 = arith.index_cast %swap3A_240 : i32 to index
    %swap3A_242 = arith.constant 48 : index
    %swap3A_243 = tpu.vector_load %arg8[%swap3A_241, %swap3A_242] {strides = array<i32>} : memref<2x128xi32, #tpu.memory_space<vmem>>, vector<1x16xi32>,
    %swap3A_244 = vector.shape_cast %swap3A_243 : vector<1x16xi32> to vector<16xi32>
    %swap3A_245 = vector.shape_cast %add3A_239 : vector<16xi32> to vector<1x16xi32>
    tpu.vector_store %arg8[%swap3A_241, %swap3A_242], %swap3A_245 {strides = array<i32>} : memref<2x128xi32, #tpu.memory_space<vmem>>, vector<1x16xi32>,
    %get3A_246 = arith.constant 64 : index
    %get3A_247 = tpu.vector_load %arg6[%get3A_246] {strides = array<i32>} : memref<256xi32, #tpu.memory_space<vmem>>, vector<16xi32>,
    %get3A_248 = vector.shape_cast %get3A_247 : vector<16xi32> to vector<16xi32>
    %add3A_249 = arith.addi %get3A_248, %mul3A_20 : vector<16xi32>
    %swap3A_250 = arith.constant 0 : i32
    %swap3A_251 = arith.index_cast %swap3A_250 : i32 to index
    %swap3A_252 = arith.constant 64 : index
    %swap3A_253 = tpu.vector_load %arg8[%swap3A_251, %swap3A_252] {strides = array<i32>} : memref<2x128xi32, #tpu.memory_space<vmem>>, vector<1x16xi32>,
    %swap3A_254 = vector.shape_cast %swap3A_253 : vector<1x16xi32> to vector<16xi32>
    %swap3A_255 = vector.shape_cast %add3A_249 : vector<16xi32> to vector<1x16xi32>
    tpu.vector_store %arg8[%swap3A_251, %swap3A_252], %swap3A_255 {strides = array<i32>} : memref<2x128xi32, #tpu.memory_space<vmem>>, vector<1x16xi32>,
    %get3A_256 = arith.constant 80 : index
    %get3A_257 = tpu.vector_load %arg6[%get3A_256] {strides = array<i32>} : memref<256xi32, #tpu.memory_space<vmem>>, vector<16xi32>,
    %get3A_258 = vector.shape_cast %get3A_257 : vector<16xi32> to vector<16xi32>
    %add3A_259 = arith.addi %get3A_258, %mul3A_20 : vector<16xi32>
    %swap3A_260 = arith.constant 0 : i32
    %swap3A_261 = arith.index_cast %swap3A_260 : i32 to index
    %swap3A_262 = arith.constant 80 : index
    %swap3A_263 = tpu.vector_load %arg8[%swap3A_261, %swap3A_262] {strides = array<i32>} : memref<2x128xi32, #tpu.memory_space<vmem>>, vector<1x16xi32>,
    %swap3A_264 = vector.shape_cast %swap3A_263 : vector<1x16xi32> to vector<16xi32>
    %swap3A_265 = vector.shape_cast %add3A_259 : vector<16xi32> to vector<1x16xi32>
    tpu.vector_store %arg8[%swap3A_261, %swap3A_262], %swap3A_265 {strides = array<i32>} : memref<2x128xi32, #tpu.memory_space<vmem>>, vector<1x16xi32>,
    %get3A_266 = arith.constant 96 : index
    %get3A_267 = tpu.vector_load %arg6[%get3A_266] {strides = array<i32>} : memref<256xi32, #tpu.memory_space<vmem>>, vector<16xi32>,
    %get3A_268 = vector.shape_cast %get3A_267 : vector<16xi32> to vector<16xi32>
    %add3A_269 = arith.addi %get3A_268, %mul3A_20 : vector<16xi32>
    %swap3A_270 = arith.constant 0 : i32
    %swap3A_271 = arith.index_cast %swap3A_270 : i32 to index
    %swap3A_272 = arith.constant 96 : index
    %swap3A_273 = tpu.vector_load %arg8[%swap3A_271, %swap3A_272] {strides = array<i32>} : memref<2x128xi32, #tpu.memory_space<vmem>>, vector<1x16xi32>,
    %swap3A_274 = vector.shape_cast %swap3A_273 : vector<1x16xi32> to vector<16xi32>
    %swap3A_275 = vector.shape_cast %add3A_269 : vector<16xi32> to vector<1x16xi32>
    tpu.vector_store %arg8[%swap3A_271, %swap3A_272], %swap3A_275 {strides = array<i32>} : memref<2x128xi32, #tpu.memory_space<vmem>>, vector<1x16xi32>,
    %get3A_276 = arith.constant 112 : index
    %get3A_277 = tpu.vector_load %arg6[%get3A_276] {strides = array<i32>} : memref<256xi32, #tpu.memory_space<vmem>>, vector<16xi32>,
    %get3A_278 = vector.shape_cast %get3A_277 : vector<16xi32> to vector<16xi32>
    %add3A_279 = arith.addi %get3A_278, %mul3A_20 : vector<16xi32>
    %swap3A_280 = arith.constant 0 : i32
    %swap3A_281 = arith.index_cast %swap3A_280 : i32 to index
    %swap3A_282 = arith.constant 112 : index
    %swap3A_283 = tpu.vector_load %arg8[%swap3A_281, %swap3A_282] {strides = array<i32>} : memref<2x128xi32, #tpu.memory_space<vmem>>, vector<1x16xi32>,
    %swap3A_284 = vector.shape_cast %swap3A_283 : vector<1x16xi32> to vector<16xi32>
    %swap3A_285 = vector.shape_cast %add3A_279 : vector<16xi32> to vector<1x16xi32>
    tpu.vector_store %arg8[%swap3A_281, %swap3A_282], %swap3A_285 {strides = array<i32>} : memref<2x128xi32, #tpu.memory_space<vmem>>, vector<1x16xi32>,
    %get3A_286 = arith.constant 128 : index
    %get3A_287 = tpu.vector_load %arg6[%get3A_286] {strides = array<i32>} : memref<256xi32, #tpu.memory_space<vmem>>, vector<16xi32>,
    %get3A_288 = vector.shape_cast %get3A_287 : vector<16xi32> to vector<16xi32>
    %add3A_289 = arith.addi %get3A_288, %mul3A_20 : vector<16xi32>
    %swap3A_290 = arith.constant 1 : i32
    %swap3A_291 = arith.index_cast %swap3A_290 : i32 to index
    %swap3A_292 = arith.constant 0 : index
    %swap3A_293 = tpu.vector_load %arg8[%swap3A_291, %swap3A_292] {strides = array<i32>} : memref<2x128xi32, #tpu.memory_space<vmem>>, vector<1x16xi32>,
    %swap3A_294 = vector.shape_cast %swap3A_293 : vector<1x16xi32> to vector<16xi32>
    %swap3A_295 = vector.shape_cast %add3A_289 : vector<16xi32> to vector<1x16xi32>
    tpu.vector_store %arg8[%swap3A_291, %swap3A_292], %swap3A_295 {strides = array<i32>} : memref<2x128xi32, #tpu.memory_space<vmem>>, vector<1x16xi32>,
    %get3A_296 = arith.constant 144 : index
    %get3A_297 = tpu.vector_load %arg6[%get3A_296] {strides = array<i32>} : memref<256xi32, #tpu.memory_space<vmem>>, vector<16xi32>,
    %get3A_298 = vector.shape_cast %get3A_297 : vector<16xi32> to vector<16xi32>
    %add3A_299 = arith.addi %get3A_298, %mul3A_20 : vector<16xi32>
    %swap3A_300 = arith.constant 1 : i32
    %swap3A_301 = arith.index_cast %swap3A_300 : i32 to index
    %swap3A_302 = arith.constant 16 : index
    %swap3A_303 = tpu.vector_load %arg8[%swap3A_301, %swap3A_302] {strides = array<i32>} : memref<2x128xi32, #tpu.memory_space<vmem>>, vector<1x16xi32>,
    %swap3A_304 = vector.shape_cast %swap3A_303 : vector<1x16xi32> to vector<16xi32>
    %swap3A_305 = vector.shape_cast %add3A_299 : vector<16xi32> to vector<1x16xi32>
    tpu.vector_store %arg8[%swap3A_301, %swap3A_302], %swap3A_305 {strides = array<i32>} : memref<2x128xi32, #tpu.memory_space<vmem>>, vector<1x16xi32>,
    %get3A_306 = arith.constant 160 : index
    %get3A_307 = tpu.vector_load %arg6[%get3A_306] {strides = array<i32>} : memref<256xi32, #tpu.memory_space<vmem>>, vector<16xi32>,
    %get3A_308 = vector.shape_cast %get3A_307 : vector<16xi32> to vector<16xi32>
    %add3A_309 = arith.addi %get3A_308, %mul3A_20 : vector<16xi32>
    %swap3A_310 = arith.constant 1 : i32
    %swap3A_311 = arith.index_cast %swap3A_310 : i32 to index
    %swap3A_312 = arith.constant 32 : index
    %swap3A_313 = tpu.vector_load %arg8[%swap3A_311, %swap3A_312] {strides = array<i32>} : memref<2x128xi32, #tpu.memory_space<vmem>>, vector<1x16xi32>,
    %swap3A_314 = vector.shape_cast %swap3A_313 : vector<1x16xi32> to vector<16xi32>
    %swap3A_315 = vector.shape_cast %add3A_309 : vector<16xi32> to vector<1x16xi32>
    tpu.vector_store %arg8[%swap3A_311, %swap3A_312], %swap3A_315 {strides = array<i32>} : memref<2x128xi32, #tpu.memory_space<vmem>>, vector<1x16xi32>,
    %get3A_316 = arith.constant 176 : index
    %get3A_317 = tpu.vector_load %arg6[%get3A_316] {strides = array<i32>} : memref<256xi32, #tpu.memory_space<vmem>>, vector<16xi32>,
    %get3A_318 = vector.shape_cast %get3A_317 : vector<16xi32> to vector<16xi32>
    %add3A_319 = arith.addi %get3A_318, %mul3A_20 : vector<16xi32>
    %swap3A_320 = arith.constant 1 : i32
    %swap3A_321 = arith.index_cast %swap3A_320 : i32 to index
    %swap3A_322 = arith.constant 48 : index
    %swap3A_323 = tpu.vector_load %arg8[%swap3A_321, %swap3A_322] {strides = array<i32>} : memref<2x128xi32, #tpu.memory_space<vmem>>, vector<1x16xi32>,
    %swap3A_324 = vector.shape_cast %swap3A_323 : vector<1x16xi32> to vector<16xi32>
    %swap3A_325 = vector.shape_cast %add3A_319 : vector<16xi32> to vector<1x16xi32>
    tpu.vector_store %arg8[%swap3A_321, %swap3A_322], %swap3A_325 {strides = array<i32>} : memref<2x128xi32, #tpu.memory_space<vmem>>, vector<1x16xi32>,
    %get3A_326 = arith.constant 192 : index
    %get3A_327 = tpu.vector_load %arg6[%get3A_326] {strides = array<i32>} : memref<256xi32, #tpu.memory_space<vmem>>, vector<16xi32>,
    %get3A_328 = vector.shape_cast %get3A_327 : vector<16xi32> to vector<16xi32>
    %add3A_329 = arith.addi %get3A_328, %mul3A_20 : vector<16xi32>
    %swap3A_330 = arith.constant 1 : i32
    %swap3A_331 = arith.index_cast %swap3A_330 : i32 to index
    %swap3A_332 = arith.constant 64 : index
    %swap3A_333 = tpu.vector_load %arg8[%swap3A_331, %swap3A_332] {strides = array<i32>} : memref<2x128xi32, #tpu.memory_space<vmem>>, vector<1x16xi32>,
    %swap3A_334 = vector.shape_cast %swap3A_333 : vector<1x16xi32> to vector<16xi32>
    %swap3A_335 = vector.shape_cast %add3A_329 : vector<16xi32> to vector<1x16xi32>
    tpu.vector_store %arg8[%swap3A_331, %swap3A_332], %swap3A_335 {strides = array<i32>} : memref<2x128xi32, #tpu.memory_space<vmem>>, vector<1x16xi32>,
    %get3A_336 = arith.constant 208 : index
    %get3A_337 = tpu.vector_load %arg6[%get3A_336] {strides = array<i32>} : memref<256xi32, #tpu.memory_space<vmem>>, vector<16xi32>,
    %get3A_338 = vector.shape_cast %get3A_337 : vector<16xi32> to vector<16xi32>
    %add3A_339 = arith.addi %get3A_338, %mul3A_20 : vector<16xi32>
    %swap3A_340 = arith.constant 1 : i32
    %swap3A_341 = arith.index_cast %swap3A_340 : i32 to index
    %swap3A_342 = arith.constant 80 : index
    %swap3A_343 = tpu.vector_load %arg8[%swap3A_341, %swap3A_342] {strides = array<i32>} : memref<2x128xi32, #tpu.memory_space<vmem>>, vector<1x16xi32>,
    %swap3A_344 = vector.shape_cast %swap3A_343 : vector<1x16xi32> to vector<16xi32>
    %swap3A_345 = vector.shape_cast %add3A_339 : vector<16xi32> to vector<1x16xi32>
    tpu.vector_store %arg8[%swap3A_341, %swap3A_342], %swap3A_345 {strides = array<i32>} : memref<2x128xi32, #tpu.memory_space<vmem>>, vector<1x16xi32>,
    %get3A_346 = arith.constant 224 : index
    %get3A_347 = tpu.vector_load %arg6[%get3A_346] {strides = array<i32>} : memref<256xi32, #tpu.memory_space<vmem>>, vector<16xi32>,
    %get3A_348 = vector.shape_cast %get3A_347 : vector<16xi32> to vector<16xi32>
    %add3A_349 = arith.addi %get3A_348, %mul3A_20 : vector<16xi32>
    %swap3A_350 = arith.constant 1 : i32
    %swap3A_351 = arith.index_cast %swap3A_350 : i32 to index
    %swap3A_352 = arith.constant 96 : index
    %swap3A_353 = tpu.vector_load %arg8[%swap3A_351, %swap3A_352] {strides = array<i32>} : memref<2x128xi32, #tpu.memory_space<vmem>>, vector<1x16xi32>,
    %swap3A_354 = vector.shape_cast %swap3A_353 : vector<1x16xi32> to vector<16xi32>
    %swap3A_355 = vector.shape_cast %add3A_349 : vector<16xi32> to vector<1x16xi32>
    tpu.vector_store %arg8[%swap3A_351, %swap3A_352], %swap3A_355 {strides = array<i32>} : memref<2x128xi32, #tpu.memory_space<vmem>>, vector<1x16xi32>,
    %get3A_356 = arith.constant 240 : index
    %get3A_357 = tpu.vector_load %arg6[%get3A_356] {strides = array<i32>} : memref<256xi32, #tpu.memory_space<vmem>>, vector<16xi32>,
    %get3A_358 = vector.shape_cast %get3A_357 : vector<16xi32> to vector<16xi32>
    %add3A_359 = arith.addi %get3A_358, %mul3A_20 : vector<16xi32>
    %swap3A_360 = arith.constant 1 : i32
    %swap3A_361 = arith.index_cast %swap3A_360 : i32 to index
    %swap3A_362 = arith.constant 112 : index
    %swap3A_363 = tpu.vector_load %arg8[%swap3A_361, %swap3A_362] {strides = array<i32>} : memref<2x128xi32, #tpu.memory_space<vmem>>, vector<1x16xi32>,
    %swap3A_364 = vector.shape_cast %swap3A_363 : vector<1x16xi32> to vector<16xi32>
    %swap3A_365 = vector.shape_cast %add3A_359 : vector<16xi32> to vector<1x16xi32>
    tpu.vector_store %arg8[%swap3A_361, %swap3A_362], %swap3A_365 {strides = array<i32>} : memref<2x128xi32, #tpu.memory_space<vmem>>, vector<1x16xi32>,
    %dma_start3A_366 = arith.constant 0 : i32
    %dma_start3A_367 = arith.constant 0 : i32
    %dma_start3A_368 = arith.constant 0 : i32
    %dma_start3A_369 = tpu.memref_slice %arg10[%dma_start3A_367, %dma_start3A_368] : memref<256x128xf32, #tpu.memory_space<vmem>> -> memref<128x128xf32, #tpu.memory_space<vmem>>
    %dma_start3A_370 = arith.constant 0 : i32
    %dma_start3A_371 = tpu.memref_slice %arg8[%dma_start3A_366, %dma_start3A_370] : memref<2x128xi32, #tpu.memory_space<vmem>> -> memref<1x128xi32, #tpu.memory_space<vmem>>
    %dma_start3A_372 = tpu.memref_squeeze %dma_start3A_371 : memref<1x128xi32, #tpu.memory_space<vmem>> -> memref<128xi32, #tpu.memory_space<vmem>>
    %dma_start3A_373 = arith.constant 0 : i32
    %dma_start3A_374 = arith.constant 0 : i32
    %dma_start3A_375 = tpu.memref_slice %arg2[%dma_start3A_373, %dma_start3A_374] : memref<8192x128xf32, #tpu.memory_space<hbm>> -> memref<8192x128xf32, #tpu.memory_space<hbm>>
    tpu.enqueue_indirect_dma source(%dma_start3A_375 : memref<8192x128xf32, #tpu.memory_space<hbm>>) target(%dma_start3A_369 : memref<128x128xf32, #tpu.memory_space<vmem>>) offsets(%dma_start3A_372 : memref<128xi32, #tpu.memory_space<vmem>>) semaphore(%arg14 : memref<!tpu.dma_semaphore, #tpu.memory_space<semaphore_mem>>)
    %dma_start3A_376 = arith.constant 1 : i32
    %dma_start3A_377 = arith.constant 128 : i32
    %dma_start3A_378 = arith.constant 0 : i32
    %dma_start3A_379 = tpu.memref_slice %arg10[%dma_start3A_377, %dma_start3A_378] : memref<256x128xf32, #tpu.memory_space<vmem>> -> memref<128x128xf32, #tpu.memory_space<vmem>>
    %dma_start3A_380 = arith.constant 0 : i32
    %dma_start3A_381 = tpu.memref_slice %arg8[%dma_start3A_376, %dma_start3A_380] : memref<2x128xi32, #tpu.memory_space<vmem>> -> memref<1x128xi32, #tpu.memory_space<vmem>>
    %dma_start3A_382 = tpu.memref_squeeze %dma_start3A_381 : memref<1x128xi32, #tpu.memory_space<vmem>> -> memref<128xi32, #tpu.memory_space<vmem>>
    %dma_start3A_383 = arith.constant 0 : i32
    %dma_start3A_384 = arith.constant 0 : i32
    %dma_start3A_385 = tpu.memref_slice %arg2[%dma_start3A_383, %dma_start3A_384] : memref<8192x128xf32, #tpu.memory_space<hbm>> -> memref<8192x128xf32, #tpu.memory_space<hbm>>
    tpu.enqueue_indirect_dma source(%dma_start3A_385 : memref<8192x128xf32, #tpu.memory_space<hbm>>) target(%dma_start3A_379 : memref<128x128xf32, #tpu.memory_space<vmem>>) offsets(%dma_start3A_382 : memref<128xi32, #tpu.memory_space<vmem>>) semaphore(%arg14 : memref<!tpu.dma_semaphore, #tpu.memory_space<semaphore_mem>>)
    %scan3A = arith.constant 0 : i32
    %scan3A_386 = arith.constant 0 : i32
    %scan3A_387 = arith.constant 64 : i32
    %scan3A_388 = arith.addi %scan3A_386, %scan3A_387 : i32
    %scan3A_389 = arith.constant 1 : i32
    %scan3A_390 = scf.for %scan3A_403 = %scan3A_386 to %scan3A_388 step %scan3A_389 iter_args(%scan3A_404 = %scan3A) -> (i32)  : i32 {
      %mul3A_405 = arith.constant 2 : i32
      %mul3A_406 = arith.muli %scan3A_403, %mul3A_405 : i32
      %add3A_407 = arith.constant 0 : i32
      %add3A_408 = arith.addi %mul3A_406, %add3A_407 : i32
      %dma_wait3A_409 = arith.constant 0 : i32
      %dma_wait3A_410 = arith.constant 0 : i32
      %dma_wait3A_411 = tpu.memref_slice %arg2[%dma_wait3A_409, %dma_wait3A_410] : memref<8192x128xf32, #tpu.memory_space<hbm>> -> memref<256x128xf32, #tpu.memory_space<hbm>>
      %dma_wait3A_412 = arith.constant 0 : i32
      %dma_wait3A_413 = arith.constant 0 : i32
      %dma_wait3A_414 = tpu.memref_slice %arg2[%dma_wait3A_412, %dma_wait3A_413] : memref<8192x128xf32, #tpu.memory_space<hbm>> -> memref<256x128xf32, #tpu.memory_space<hbm>>
      tpu.wait_dma2 semaphore(%arg13 : memref<!tpu.dma_semaphore, #tpu.memory_space<semaphore_mem>>) src(%dma_wait3A_414 : memref<256x128xf32, #tpu.memory_space<hbm>>) dst(%arg9 : memref<256x128xf32, #tpu.memory_space<vmem>>)
      %scan3A_415 = arith.constant 0 : i32
      %scan3A_416 = arith.constant 0 : i32
      %scan3A_417 = arith.constant 32 : i32
      %scan3A_418 = arith.addi %scan3A_416, %scan3A_417 : i32
      %scan3A_419 = arith.constant 1 : i32
      %scan3A_420 = scf.for %scan3A_473 = %scan3A_416 to %scan3A_418 step %scan3A_419 iter_args(%scan3A_474 = %scan3A_415) -> (i32)  : i32 {
        %mul3A_475 = arith.constant 8 : i32
        %mul3A_476 = arith.muli %scan3A_473, %mul3A_475 : i32
        %get3A_477 = arith.index_cast %mul3A_476 : i32 to index
        %get3A_478 = arith.constant 0 : index
        %get3A_479 = tpu.vector_load %arg9[%get3A_477, %get3A_478] {strides = array<i32>} : memref<256x128xf32, #tpu.memory_space<vmem>>, vector<1x16xf32>,
        %get3A_480 = vector.shape_cast %get3A_479 : vector<1x16xf32> to vector<16xf32>
        %add3A_481 = arith.constant 1 : i32
        %add3A_482 = arith.addi %mul3A_476, %add3A_481 : i32
        %get3A_483 = arith.index_cast %add3A_482 : i32 to index
        %get3A_484 = arith.constant 0 : index
        %get3A_485 = tpu.vector_load %arg9[%get3A_483, %get3A_484] {strides = array<i32>} : memref<256x128xf32, #tpu.memory_space<vmem>>, vector<1x16xf32>,
        %get3A_486 = vector.shape_cast %get3A_485 : vector<1x16xf32> to vector<16xf32>
        %add3A_487 = arith.addf %get3A_480, %get3A_486 : vector<16xf32>
        %add3A_488 = arith.constant 2 : i32
        %add3A_489 = arith.addi %mul3A_476, %add3A_488 : i32
        %get3A_490 = arith.index_cast %add3A_489 : i32 to index
        %get3A_491 = arith.constant 0 : index
        %get3A_492 = tpu.vector_load %arg9[%get3A_490, %get3A_491] {strides = array<i32>} : memref<256x128xf32, #tpu.memory_space<vmem>>, vector<1x16xf32>,
        %get3A_493 = vector.shape_cast %get3A_492 : vector<1x16xf32> to vector<16xf32>
        %add3A_494 = arith.addf %add3A_487, %get3A_493 : vector<16xf32>
        %add3A_495 = arith.constant 3 : i32
        %add3A_496 = arith.addi %mul3A_476, %add3A_495 : i32
        %get3A_497 = arith.index_cast %add3A_496 : i32 to index
        %get3A_498 = arith.constant 0 : index
        %get3A_499 = tpu.vector_load %arg9[%get3A_497, %get3A_498] {strides = array<i32>} : memref<256x128xf32, #tpu.memory_space<vmem>>, vector<1x16xf32>,
        %get3A_500 = vector.shape_cast %get3A_499 : vector<1x16xf32> to vector<16xf32>
        %add3A_501 = arith.addf %add3A_494, %get3A_500 : vector<16xf32>
        %add3A_502 = arith.constant 4 : i32
        %add3A_503 = arith.addi %mul3A_476, %add3A_502 : i32
        %get3A_504 = arith.index_cast %add3A_503 : i32 to index
        %get3A_505 = arith.constant 0 : index
        %get3A_506 = tpu.vector_load %arg9[%get3A_504, %get3A_505] {strides = array<i32>} : memref<256x128xf32, #tpu.memory_space<vmem>>, vector<1x16xf32>,
        %get3A_507 = vector.shape_cast %get3A_506 : vector<1x16xf32> to vector<16xf32>
        %add3A_508 = arith.addf %add3A_501, %get3A_507 : vector<16xf32>
        %add3A_509 = arith.constant 5 : i32
        %add3A_510 = arith.addi %mul3A_476, %add3A_509 : i32
        %get3A_511 = arith.index_cast %add3A_510 : i32 to index
        %get3A_512 = arith.constant 0 : index
        %get3A_513 = tpu.vector_load %arg9[%get3A_511, %get3A_512] {strides = array<i32>} : memref<256x128xf32, #tpu.memory_space<vmem>>, vector<1x16xf32>,
        %get3A_514 = vector.shape_cast %get3A_513 : vector<1x16xf32> to vector<16xf32>
        %add3A_515 = arith.addf %add3A_508, %get3A_514 : vector<16xf32>
        %add3A_516 = arith.constant 6 : i32
        %add3A_517 = arith.addi %mul3A_476, %add3A_516 : i32
        %get3A_518 = arith.index_cast %add3A_517 : i32 to index
        %get3A_519 = arith.constant 0 : index
        %get3A_520 = tpu.vector_load %arg9[%get3A_518, %get3A_519] {strides = array<i32>} : memref<256x128xf32, #tpu.memory_space<vmem>>, vector<1x16xf32>,
        %get3A_521 = vector.shape_cast %get3A_520 : vector<1x16xf32> to vector<16xf32>
        %add3A_522 = arith.addf %add3A_515, %get3A_521 : vector<16xf32>
        %add3A_523 = arith.constant 7 : i32
        %add3A_524 = arith.addi %mul3A_476, %add3A_523 : i32
        %get3A_525 = arith.index_cast %add3A_524 : i32 to index
        %get3A_526 = arith.constant 0 : index
        %get3A_527 = tpu.vector_load %arg9[%get3A_525, %get3A_526] {strides = array<i32>} : memref<256x128xf32, #tpu.memory_space<vmem>>, vector<1x16xf32>,
        %get3A_528 = vector.shape_cast %get3A_527 : vector<1x16xf32> to vector<16xf32>
        %add3A_529 = arith.addf %add3A_522, %get3A_528 : vector<16xf32>
        %swap3A_530 = arith.index_cast %scan3A_473 : i32 to index
        %swap3A_531 = arith.constant 0 : index
        %swap3A_532 = tpu.vector_load %arg11[%swap3A_530, %swap3A_531] {strides = array<i32>} : memref<32x128xf32, #tpu.memory_space<vmem>>, vector<1x16xf32>,
        %swap3A_533 = vector.shape_cast %swap3A_532 : vector<1x16xf32> to vector<16xf32>
        %swap3A_534 = vector.shape_cast %add3A_529 : vector<16xf32> to vector<1x16xf32>
        tpu.vector_store %arg11[%swap3A_530, %swap3A_531], %swap3A_534 {strides = array<i32>} : memref<32x128xf32, #tpu.memory_space<vmem>>, vector<1x16xf32>,
        %get3A_535 = arith.index_cast %mul3A_476 : i32 to index
        %get3A_536 = arith.constant 16 : index
        %get3A_537 = tpu.vector_load %arg9[%get3A_535, %get3A_536] {strides = array<i32>} : memref<256x128xf32, #tpu.memory_space<vmem>>, vector<1x16xf32>,
        %get3A_538 = vector.shape_cast %get3A_537 : vector<1x16xf32> to vector<16xf32>
        %add3A_539 = arith.constant 1 : i32
        %add3A_540 = arith.addi %mul3A_476, %add3A_539 : i32
        %get3A_541 = arith.index_cast %add3A_540 : i32 to index
        %get3A_542 = arith.constant 16 : index
        %get3A_543 = tpu.vector_load %arg9[%get3A_541, %get3A_542] {strides = array<i32>} : memref<256x128xf32, #tpu.memory_space<vmem>>, vector<1x16xf32>,
        %get3A_544 = vector.shape_cast %get3A_543 : vector<1x16xf32> to vector<16xf32>
        %add3A_545 = arith.addf %get3A_538, %get3A_544 : vector<16xf32>
        %add3A_546 = arith.constant 2 : i32
        %add3A_547 = arith.addi %mul3A_476, %add3A_546 : i32
        %get3A_548 = arith.index_cast %add3A_547 : i32 to index
        %get3A_549 = arith.constant 16 : index
        %get3A_550 = tpu.vector_load %arg9[%get3A_548, %get3A_549] {strides = array<i32>} : memref<256x128xf32, #tpu.memory_space<vmem>>, vector<1x16xf32>,
        %get3A_551 = vector.shape_cast %get3A_550 : vector<1x16xf32> to vector<16xf32>
        %add3A_552 = arith.addf %add3A_545, %get3A_551 : vector<16xf32>
        %add3A_553 = arith.constant 3 : i32
        %add3A_554 = arith.addi %mul3A_476, %add3A_553 : i32
        %get3A_555 = arith.index_cast %add3A_554 : i32 to index
        %get3A_556 = arith.constant 16 : index
        %get3A_557 = tpu.vector_load %arg9[%get3A_555, %get3A_556] {strides = array<i32>} : memref<256x128xf32, #tpu.memory_space<vmem>>, vector<1x16xf32>,
        %get3A_558 = vector.shape_cast %get3A_557 : vector<1x16xf32> to vector<16xf32>
        %add3A_559 = arith.addf %add3A_552, %get3A_558 : vector<16xf32>
        %add3A_560 = arith.constant 4 : i32
        %add3A_561 = arith.addi %mul3A_476, %add3A_560 : i32
        %get3A_562 = arith.index_cast %add3A_561 : i32 to index
        %get3A_563 = arith.constant 16 : index
        %get3A_564 = tpu.vector_load %arg9[%get3A_562, %get3A_563] {strides = array<i32>} : memref<256x128xf32, #tpu.memory_space<vmem>>, vector<1x16xf32>,
        %get3A_565 = vector.shape_cast %get3A_564 : vector<1x16xf32> to vector<16xf32>
        %add3A_566 = arith.addf %add3A_559, %get3A_565 : vector<16xf32>
        %add3A_567 = arith.constant 5 : i32
        %add3A_568 = arith.addi %mul3A_476, %add3A_567 : i32
        %get3A_569 = arith.index_cast %add3A_568 : i32 to index
        %get3A_570 = arith.constant 16 : index
        %get3A_571 = tpu.vector_load %arg9[%get3A_569, %get3A_570] {strides = array<i32>} : memref<256x128xf32, #tpu.memory_space<vmem>>, vector<1x16xf32>,
        %get3A_572 = vector.shape_cast %get3A_571 : vector<1x16xf32> to vector<16xf32>
        %add3A_573 = arith.addf %add3A_566, %get3A_572 : vector<16xf32>
        %add3A_574 = arith.constant 6 : i32
        %add3A_575 = arith.addi %mul3A_476, %add3A_574 : i32
        %get3A_576 = arith.index_cast %add3A_575 : i32 to index
        %get3A_577 = arith.constant 16 : index
        %get3A_578 = tpu.vector_load %arg9[%get3A_576, %get3A_577] {strides = array<i32>} : memref<256x128xf32, #tpu.memory_space<vmem>>, vector<1x16xf32>,
        %get3A_579 = vector.shape_cast %get3A_578 : vector<1x16xf32> to vector<16xf32>
        %add3A_580 = arith.addf %add3A_573, %get3A_579 : vector<16xf32>
        %add3A_581 = arith.constant 7 : i32
        %add3A_582 = arith.addi %mul3A_476, %add3A_581 : i32
        %get3A_583 = arith.index_cast %add3A_582 : i32 to index
        %get3A_584 = arith.constant 16 : index
        %get3A_585 = tpu.vector_load %arg9[%get3A_583, %get3A_584] {strides = array<i32>} : memref<256x128xf32, #tpu.memory_space<vmem>>, vector<1x16xf32>,
        %get3A_586 = vector.shape_cast %get3A_585 : vector<1x16xf32> to vector<16xf32>
        %add3A_587 = arith.addf %add3A_580, %get3A_586 : vector<16xf32>
        %swap3A_588 = arith.index_cast %scan3A_473 : i32 to index
        %swap3A_589 = arith.constant 16 : index
        %swap3A_590 = tpu.vector_load %arg11[%swap3A_588, %swap3A_589] {strides = array<i32>} : memref<32x128xf32, #tpu.memory_space<vmem>>, vector<1x16xf32>,
        %swap3A_591 = vector.shape_cast %swap3A_590 : vector<1x16xf32> to vector<16xf32>
        %swap3A_592 = vector.shape_cast %add3A_587 : vector<16xf32> to vector<1x16xf32>
        tpu.vector_store %arg11[%swap3A_588, %swap3A_589], %swap3A_592 {strides = array<i32>} : memref<32x128xf32, #tpu.memory_space<vmem>>, vector<1x16xf32>,
        %get3A_593 = arith.index_cast %mul3A_476 : i32 to index
        %get3A_594 = arith.constant 32 : index
        %get3A_595 = tpu.vector_load %arg9[%get3A_593, %get3A_594] {strides = array<i32>} : memref<256x128xf32, #tpu.memory_space<vmem>>, vector<1x16xf32>,
        %get3A_596 = vector.shape_cast %get3A_595 : vector<1x16xf32> to vector<16xf32>
        %add3A_597 = arith.constant 1 : i32
        %add3A_598 = arith.addi %mul3A_476, %add3A_597 : i32
        %get3A_599 = arith.index_cast %add3A_598 : i32 to index
        %get3A_600 = arith.constant 32 : index
        %get3A_601 = tpu.vector_load %arg9[%get3A_599, %get3A_600] {strides = array<i32>} : memref<256x128xf32, #tpu.memory_space<vmem>>, vector<1x16xf32>,
        %get3A_602 = vector.shape_cast %get3A_601 : vector<1x16xf32> to vector<16xf32>
        %add3A_603 = arith.addf %get3A_596, %get3A_602 : vector<16xf32>
        %add3A_604 = arith.constant 2 : i32
        %add3A_605 = arith.addi %mul3A_476, %add3A_604 : i32
        %get3A_606 = arith.index_cast %add3A_605 : i32 to index
        %get3A_607 = arith.constant 32 : index
        %get3A_608 = tpu.vector_load %arg9[%get3A_606, %get3A_607] {strides = array<i32>} : memref<256x128xf32, #tpu.memory_space<vmem>>, vector<1x16xf32>,
        %get3A_609 = vector.shape_cast %get3A_608 : vector<1x16xf32> to vector<16xf32>
        %add3A_610 = arith.addf %add3A_603, %get3A_609 : vector<16xf32>
        %add3A_611 = arith.constant 3 : i32
        %add3A_612 = arith.addi %mul3A_476, %add3A_611 : i32
        %get3A_613 = arith.index_cast %add3A_612 : i32 to index
        %get3A_614 = arith.constant 32 : index
        %get3A_615 = tpu.vector_load %arg9[%get3A_613, %get3A_614] {strides = array<i32>} : memref<256x128xf32, #tpu.memory_space<vmem>>, vector<1x16xf32>,
        %get3A_616 = vector.shape_cast %get3A_615 : vector<1x16xf32> to vector<16xf32>
        %add3A_617 = arith.addf %add3A_610, %get3A_616 : vector<16xf32>
        %add3A_618 = arith.constant 4 : i32
        %add3A_619 = arith.addi %mul3A_476, %add3A_618 : i32
        %get3A_620 = arith.index_cast %add3A_619 : i32 to index
        %get3A_621 = arith.constant 32 : index
        %get3A_622 = tpu.vector_load %arg9[%get3A_620, %get3A_621] {strides = array<i32>} : memref<256x128xf32, #tpu.memory_space<vmem>>, vector<1x16xf32>,
        %get3A_623 = vector.shape_cast %get3A_622 : vector<1x16xf32> to vector<16xf32>
        %add3A_624 = arith.addf %add3A_617, %get3A_623 : vector<16xf32>
        %add3A_625 = arith.constant 5 : i32
        %add3A_626 = arith.addi %mul3A_476, %add3A_625 : i32
        %get3A_627 = arith.index_cast %add3A_626 : i32 to index
        %get3A_628 = arith.constant 32 : index
        %get3A_629 = tpu.vector_load %arg9[%get3A_627, %get3A_628] {strides = array<i32>} : memref<256x128xf32, #tpu.memory_space<vmem>>, vector<1x16xf32>,
        %get3A_630 = vector.shape_cast %get3A_629 : vector<1x16xf32> to vector<16xf32>
        %add3A_631 = arith.addf %add3A_624, %get3A_630 : vector<16xf32>
        %add3A_632 = arith.constant 6 : i32
        %add3A_633 = arith.addi %mul3A_476, %add3A_632 : i32
        %get3A_634 = arith.index_cast %add3A_633 : i32 to index
        %get3A_635 = arith.constant 32 : index
        %get3A_636 = tpu.vector_load %arg9[%get3A_634, %get3A_635] {strides = array<i32>} : memref<256x128xf32, #tpu.memory_space<vmem>>, vector<1x16xf32>,
        %get3A_637 = vector.shape_cast %get3A_636 : vector<1x16xf32> to vector<16xf32>
        %add3A_638 = arith.addf %add3A_631, %get3A_637 : vector<16xf32>
        %add3A_639 = arith.constant 7 : i32
        %add3A_640 = arith.addi %mul3A_476, %add3A_639 : i32
        %get3A_641 = arith.index_cast %add3A_640 : i32 to index
        %get3A_642 = arith.constant 32 : index
        %get3A_643 = tpu.vector_load %arg9[%get3A_641, %get3A_642] {strides = array<i32>} : memref<256x128xf32, #tpu.memory_space<vmem>>, vector<1x16xf32>,
        %get3A_644 = vector.shape_cast %get3A_643 : vector<1x16xf32> to vector<16xf32>
        %add3A_645 = arith.addf %add3A_638, %get3A_644 : vector<16xf32>
        %swap3A_646 = arith.index_cast %scan3A_473 : i32 to index
        %swap3A_647 = arith.constant 32 : index
        %swap3A_648 = tpu.vector_load %arg11[%swap3A_646, %swap3A_647] {strides = array<i32>} : memref<32x128xf32, #tpu.memory_space<vmem>>, vector<1x16xf32>,
        %swap3A_649 = vector.shape_cast %swap3A_648 : vector<1x16xf32> to vector<16xf32>
        %swap3A_650 = vector.shape_cast %add3A_645 : vector<16xf32> to vector<1x16xf32>
        tpu.vector_store %arg11[%swap3A_646, %swap3A_647], %swap3A_650 {strides = array<i32>} : memref<32x128xf32, #tpu.memory_space<vmem>>, vector<1x16xf32>,
        %get3A_651 = arith.index_cast %mul3A_476 : i32 to index
        %get3A_652 = arith.constant 48 : index
        %get3A_653 = tpu.vector_load %arg9[%get3A_651, %get3A_652] {strides = array<i32>} : memref<256x128xf32, #tpu.memory_space<vmem>>, vector<1x16xf32>,
        %get3A_654 = vector.shape_cast %get3A_653 : vector<1x16xf32> to vector<16xf32>
        %add3A_655 = arith.constant 1 : i32
        %add3A_656 = arith.addi %mul3A_476, %add3A_655 : i32
        %get3A_657 = arith.index_cast %add3A_656 : i32 to index
        %get3A_658 = arith.constant 48 : index
        %get3A_659 = tpu.vector_load %arg9[%get3A_657, %get3A_658] {strides = array<i32>} : memref<256x128xf32, #tpu.memory_space<vmem>>, vector<1x16xf32>,
        %get3A_660 = vector.shape_cast %get3A_659 : vector<1x16xf32> to vector<16xf32>
        %add3A_661 = arith.addf %get3A_654, %get3A_660 : vector<16xf32>
        %add3A_662 = arith.constant 2 : i32
        %add3A_663 = arith.addi %mul3A_476, %add3A_662 : i32
        %get3A_664 = arith.index_cast %add3A_663 : i32 to index
        %get3A_665 = arith.constant 48 : index
        %get3A_666 = tpu.vector_load %arg9[%get3A_664, %get3A_665] {strides = array<i32>} : memref<256x128xf32, #tpu.memory_space<vmem>>, vector<1x16xf32>,
        %get3A_667 = vector.shape_cast %get3A_666 : vector<1x16xf32> to vector<16xf32>
        %add3A_668 = arith.addf %add3A_661, %get3A_667 : vector<16xf32>
        %add3A_669 = arith.constant 3 : i32
        %add3A_670 = arith.addi %mul3A_476, %add3A_669 : i32
        %get3A_671 = arith.index_cast %add3A_670 : i32 to index
        %get3A_672 = arith.constant 48 : index
        %get3A_673 = tpu.vector_load %arg9[%get3A_671, %get3A_672] {strides = array<i32>} : memref<256x128xf32, #tpu.memory_space<vmem>>, vector<1x16xf32>,
        %get3A_674 = vector.shape_cast %get3A_673 : vector<1x16xf32> to vector<16xf32>
        %add3A_675 = arith.addf %add3A_668, %get3A_674 : vector<16xf32>
        %add3A_676 = arith.constant 4 : i32
        %add3A_677 = arith.addi %mul3A_476, %add3A_676 : i32
        %get3A_678 = arith.index_cast %add3A_677 : i32 to index
        %get3A_679 = arith.constant 48 : index
        %get3A_680 = tpu.vector_load %arg9[%get3A_678, %get3A_679] {strides = array<i32>} : memref<256x128xf32, #tpu.memory_space<vmem>>, vector<1x16xf32>,
        %get3A_681 = vector.shape_cast %get3A_680 : vector<1x16xf32> to vector<16xf32>
        %add3A_682 = arith.addf %add3A_675, %get3A_681 : vector<16xf32>
        %add3A_683 = arith.constant 5 : i32
        %add3A_684 = arith.addi %mul3A_476, %add3A_683 : i32
        %get3A_685 = arith.index_cast %add3A_684 : i32 to index
        %get3A_686 = arith.constant 48 : index
        %get3A_687 = tpu.vector_load %arg9[%get3A_685, %get3A_686] {strides = array<i32>} : memref<256x128xf32, #tpu.memory_space<vmem>>, vector<1x16xf32>,
        %get3A_688 = vector.shape_cast %get3A_687 : vector<1x16xf32> to vector<16xf32>
        %add3A_689 = arith.addf %add3A_682, %get3A_688 : vector<16xf32>
        %add3A_690 = arith.constant 6 : i32
        %add3A_691 = arith.addi %mul3A_476, %add3A_690 : i32
        %get3A_692 = arith.index_cast %add3A_691 : i32 to index
        %get3A_693 = arith.constant 48 : index
        %get3A_694 = tpu.vector_load %arg9[%get3A_692, %get3A_693] {strides = array<i32>} : memref<256x128xf32, #tpu.memory_space<vmem>>, vector<1x16xf32>,
        %get3A_695 = vector.shape_cast %get3A_694 : vector<1x16xf32> to vector<16xf32>
        %add3A_696 = arith.addf %add3A_689, %get3A_695 : vector<16xf32>
        %add3A_697 = arith.constant 7 : i32
        %add3A_698 = arith.addi %mul3A_476, %add3A_697 : i32
        %get3A_699 = arith.index_cast %add3A_698 : i32 to index
        %get3A_700 = arith.constant 48 : index
        %get3A_701 = tpu.vector_load %arg9[%get3A_699, %get3A_700] {strides = array<i32>} : memref<256x128xf32, #tpu.memory_space<vmem>>, vector<1x16xf32>,
        %get3A_702 = vector.shape_cast %get3A_701 : vector<1x16xf32> to vector<16xf32>
        %add3A_703 = arith.addf %add3A_696, %get3A_702 : vector<16xf32>
        %swap3A_704 = arith.index_cast %scan3A_473 : i32 to index
        %swap3A_705 = arith.constant 48 : index
        %swap3A_706 = tpu.vector_load %arg11[%swap3A_704, %swap3A_705] {strides = array<i32>} : memref<32x128xf32, #tpu.memory_space<vmem>>, vector<1x16xf32>,
        %swap3A_707 = vector.shape_cast %swap3A_706 : vector<1x16xf32> to vector<16xf32>
        %swap3A_708 = vector.shape_cast %add3A_703 : vector<16xf32> to vector<1x16xf32>
        tpu.vector_store %arg11[%swap3A_704, %swap3A_705], %swap3A_708 {strides = array<i32>} : memref<32x128xf32, #tpu.memory_space<vmem>>, vector<1x16xf32>,
        %get3A_709 = arith.index_cast %mul3A_476 : i32 to index
        %get3A_710 = arith.constant 64 : index
        %get3A_711 = tpu.vector_load %arg9[%get3A_709, %get3A_710] {strides = array<i32>} : memref<256x128xf32, #tpu.memory_space<vmem>>, vector<1x16xf32>,
        %get3A_712 = vector.shape_cast %get3A_711 : vector<1x16xf32> to vector<16xf32>
        %add3A_713 = arith.constant 1 : i32
        %add3A_714 = arith.addi %mul3A_476, %add3A_713 : i32
        %get3A_715 = arith.index_cast %add3A_714 : i32 to index
        %get3A_716 = arith.constant 64 : index
        %get3A_717 = tpu.vector_load %arg9[%get3A_715, %get3A_716] {strides = array<i32>} : memref<256x128xf32, #tpu.memory_space<vmem>>, vector<1x16xf32>,
        %get3A_718 = vector.shape_cast %get3A_717 : vector<1x16xf32> to vector<16xf32>
        %add3A_719 = arith.addf %get3A_712, %get3A_718 : vector<16xf32>
        %add3A_720 = arith.constant 2 : i32
        %add3A_721 = arith.addi %mul3A_476, %add3A_720 : i32
        %get3A_722 = arith.index_cast %add3A_721 : i32 to index
        %get3A_723 = arith.constant 64 : index
        %get3A_724 = tpu.vector_load %arg9[%get3A_722, %get3A_723] {strides = array<i32>} : memref<256x128xf32, #tpu.memory_space<vmem>>, vector<1x16xf32>,
        %get3A_725 = vector.shape_cast %get3A_724 : vector<1x16xf32> to vector<16xf32>
        %add3A_726 = arith.addf %add3A_719, %get3A_725 : vector<16xf32>
        %add3A_727 = arith.constant 3 : i32
        %add3A_728 = arith.addi %mul3A_476, %add3A_727 : i32
        %get3A_729 = arith.index_cast %add3A_728 : i32 to index
        %get3A_730 = arith.constant 64 : index
        %get3A_731 = tpu.vector_load %arg9[%get3A_729, %get3A_730] {strides = array<i32>} : memref<256x128xf32, #tpu.memory_space<vmem>>, vector<1x16xf32>,
        %get3A_732 = vector.shape_cast %get3A_731 : vector<1x16xf32> to vector<16xf32>
        %add3A_733 = arith.addf %add3A_726, %get3A_732 : vector<16xf32>
        %add3A_734 = arith.constant 4 : i32
        %add3A_735 = arith.addi %mul3A_476, %add3A_734 : i32
        %get3A_736 = arith.index_cast %add3A_735 : i32 to index
        %get3A_737 = arith.constant 64 : index
        %get3A_738 = tpu.vector_load %arg9[%get3A_736, %get3A_737] {strides = array<i32>} : memref<256x128xf32, #tpu.memory_space<vmem>>, vector<1x16xf32>,
        %get3A_739 = vector.shape_cast %get3A_738 : vector<1x16xf32> to vector<16xf32>
        %add3A_740 = arith.addf %add3A_733, %get3A_739 : vector<16xf32>
        %add3A_741 = arith.constant 5 : i32
        %add3A_742 = arith.addi %mul3A_476, %add3A_741 : i32
        %get3A_743 = arith.index_cast %add3A_742 : i32 to index
        %get3A_744 = arith.constant 64 : index
        %get3A_745 = tpu.vector_load %arg9[%get3A_743, %get3A_744] {strides = array<i32>} : memref<256x128xf32, #tpu.memory_space<vmem>>, vector<1x16xf32>,
        %get3A_746 = vector.shape_cast %get3A_745 : vector<1x16xf32> to vector<16xf32>
        %add3A_747 = arith.addf %add3A_740, %get3A_746 : vector<16xf32>
        %add3A_748 = arith.constant 6 : i32
        %add3A_749 = arith.addi %mul3A_476, %add3A_748 : i32
        %get3A_750 = arith.index_cast %add3A_749 : i32 to index
        %get3A_751 = arith.constant 64 : index
        %get3A_752 = tpu.vector_load %arg9[%get3A_750, %get3A_751] {strides = array<i32>} : memref<256x128xf32, #tpu.memory_space<vmem>>, vector<1x16xf32>,
        %get3A_753 = vector.shape_cast %get3A_752 : vector<1x16xf32> to vector<16xf32>
        %add3A_754 = arith.addf %add3A_747, %get3A_753 : vector<16xf32>
        %add3A_755 = arith.constant 7 : i32
        %add3A_756 = arith.addi %mul3A_476, %add3A_755 : i32
        %get3A_757 = arith.index_cast %add3A_756 : i32 to index
        %get3A_758 = arith.constant 64 : index
        %get3A_759 = tpu.vector_load %arg9[%get3A_757, %get3A_758] {strides = array<i32>} : memref<256x128xf32, #tpu.memory_space<vmem>>, vector<1x16xf32>,
        %get3A_760 = vector.shape_cast %get3A_759 : vector<1x16xf32> to vector<16xf32>
        %add3A_761 = arith.addf %add3A_754, %get3A_760 : vector<16xf32>
        %swap3A_762 = arith.index_cast %scan3A_473 : i32 to index
        %swap3A_763 = arith.constant 64 : index
        %swap3A_764 = tpu.vector_load %arg11[%swap3A_762, %swap3A_763] {strides = array<i32>} : memref<32x128xf32, #tpu.memory_space<vmem>>, vector<1x16xf32>,
        %swap3A_765 = vector.shape_cast %swap3A_764 : vector<1x16xf32> to vector<16xf32>
        %swap3A_766 = vector.shape_cast %add3A_761 : vector<16xf32> to vector<1x16xf32>
        tpu.vector_store %arg11[%swap3A_762, %swap3A_763], %swap3A_766 {strides = array<i32>} : memref<32x128xf32, #tpu.memory_space<vmem>>, vector<1x16xf32>,
        %get3A_767 = arith.index_cast %mul3A_476 : i32 to index
        %get3A_768 = arith.constant 80 : index
        %get3A_769 = tpu.vector_load %arg9[%get3A_767, %get3A_768] {strides = array<i32>} : memref<256x128xf32, #tpu.memory_space<vmem>>, vector<1x16xf32>,
        %get3A_770 = vector.shape_cast %get3A_769 : vector<1x16xf32> to vector<16xf32>
        %add3A_771 = arith.constant 1 : i32
        %add3A_772 = arith.addi %mul3A_476, %add3A_771 : i32
        %get3A_773 = arith.index_cast %add3A_772 : i32 to index
        %get3A_774 = arith.constant 80 : index
        %get3A_775 = tpu.vector_load %arg9[%get3A_773, %get3A_774] {strides = array<i32>} : memref<256x128xf32, #tpu.memory_space<vmem>>, vector<1x16xf32>,
        %get3A_776 = vector.shape_cast %get3A_775 : vector<1x16xf32> to vector<16xf32>
        %add3A_777 = arith.addf %get3A_770, %get3A_776 : vector<16xf32>
        %add3A_778 = arith.constant 2 : i32
        %add3A_779 = arith.addi %mul3A_476, %add3A_778 : i32
        %get3A_780 = arith.index_cast %add3A_779 : i32 to index
        %get3A_781 = arith.constant 80 : index
        %get3A_782 = tpu.vector_load %arg9[%get3A_780, %get3A_781] {strides = array<i32>} : memref<256x128xf32, #tpu.memory_space<vmem>>, vector<1x16xf32>,
        %get3A_783 = vector.shape_cast %get3A_782 : vector<1x16xf32> to vector<16xf32>
        %add3A_784 = arith.addf %add3A_777, %get3A_783 : vector<16xf32>
        %add3A_785 = arith.constant 3 : i32
        %add3A_786 = arith.addi %mul3A_476, %add3A_785 : i32
        %get3A_787 = arith.index_cast %add3A_786 : i32 to index
        %get3A_788 = arith.constant 80 : index
        %get3A_789 = tpu.vector_load %arg9[%get3A_787, %get3A_788] {strides = array<i32>} : memref<256x128xf32, #tpu.memory_space<vmem>>, vector<1x16xf32>,
        %get3A_790 = vector.shape_cast %get3A_789 : vector<1x16xf32> to vector<16xf32>
        %add3A_791 = arith.addf %add3A_784, %get3A_790 : vector<16xf32>
        %add3A_792 = arith.constant 4 : i32
        %add3A_793 = arith.addi %mul3A_476, %add3A_792 : i32
        %get3A_794 = arith.index_cast %add3A_793 : i32 to index
        %get3A_795 = arith.constant 80 : index
        %get3A_796 = tpu.vector_load %arg9[%get3A_794, %get3A_795] {strides = array<i32>} : memref<256x128xf32, #tpu.memory_space<vmem>>, vector<1x16xf32>,
        %get3A_797 = vector.shape_cast %get3A_796 : vector<1x16xf32> to vector<16xf32>
        %add3A_798 = arith.addf %add3A_791, %get3A_797 : vector<16xf32>
        %add3A_799 = arith.constant 5 : i32
        %add3A_800 = arith.addi %mul3A_476, %add3A_799 : i32
        %get3A_801 = arith.index_cast %add3A_800 : i32 to index
        %get3A_802 = arith.constant 80 : index
        %get3A_803 = tpu.vector_load %arg9[%get3A_801, %get3A_802] {strides = array<i32>} : memref<256x128xf32, #tpu.memory_space<vmem>>, vector<1x16xf32>,
        %get3A_804 = vector.shape_cast %get3A_803 : vector<1x16xf32> to vector<16xf32>
        %add3A_805 = arith.addf %add3A_798, %get3A_804 : vector<16xf32>
        %add3A_806 = arith.constant 6 : i32
        %add3A_807 = arith.addi %mul3A_476, %add3A_806 : i32
        %get3A_808 = arith.index_cast %add3A_807 : i32 to index
        %get3A_809 = arith.constant 80 : index
        %get3A_810 = tpu.vector_load %arg9[%get3A_808, %get3A_809] {strides = array<i32>} : memref<256x128xf32, #tpu.memory_space<vmem>>, vector<1x16xf32>,
        %get3A_811 = vector.shape_cast %get3A_810 : vector<1x16xf32> to vector<16xf32>
        %add3A_812 = arith.addf %add3A_805, %get3A_811 : vector<16xf32>
        %add3A_813 = arith.constant 7 : i32
        %add3A_814 = arith.addi %mul3A_476, %add3A_813 : i32
        %get3A_815 = arith.index_cast %add3A_814 : i32 to index
        %get3A_816 = arith.constant 80 : index
        %get3A_817 = tpu.vector_load %arg9[%get3A_815, %get3A_816] {strides = array<i32>} : memref<256x128xf32, #tpu.memory_space<vmem>>, vector<1x16xf32>,
        %get3A_818 = vector.shape_cast %get3A_817 : vector<1x16xf32> to vector<16xf32>
        %add3A_819 = arith.addf %add3A_812, %get3A_818 : vector<16xf32>
        %swap3A_820 = arith.index_cast %scan3A_473 : i32 to index
        %swap3A_821 = arith.constant 80 : index
        %swap3A_822 = tpu.vector_load %arg11[%swap3A_820, %swap3A_821] {strides = array<i32>} : memref<32x128xf32, #tpu.memory_space<vmem>>, vector<1x16xf32>,
        %swap3A_823 = vector.shape_cast %swap3A_822 : vector<1x16xf32> to vector<16xf32>
        %swap3A_824 = vector.shape_cast %add3A_819 : vector<16xf32> to vector<1x16xf32>
        tpu.vector_store %arg11[%swap3A_820, %swap3A_821], %swap3A_824 {strides = array<i32>} : memref<32x128xf32, #tpu.memory_space<vmem>>, vector<1x16xf32>,
        %get3A_825 = arith.index_cast %mul3A_476 : i32 to index
        %get3A_826 = arith.constant 96 : index
        %get3A_827 = tpu.vector_load %arg9[%get3A_825, %get3A_826] {strides = array<i32>} : memref<256x128xf32, #tpu.memory_space<vmem>>, vector<1x16xf32>,
        %get3A_828 = vector.shape_cast %get3A_827 : vector<1x16xf32> to vector<16xf32>
        %add3A_829 = arith.constant 1 : i32
        %add3A_830 = arith.addi %mul3A_476, %add3A_829 : i32
        %get3A_831 = arith.index_cast %add3A_830 : i32 to index
        %get3A_832 = arith.constant 96 : index
        %get3A_833 = tpu.vector_load %arg9[%get3A_831, %get3A_832] {strides = array<i32>} : memref<256x128xf32, #tpu.memory_space<vmem>>, vector<1x16xf32>,
        %get3A_834 = vector.shape_cast %get3A_833 : vector<1x16xf32> to vector<16xf32>
        %add3A_835 = arith.addf %get3A_828, %get3A_834 : vector<16xf32>
        %add3A_836 = arith.constant 2 : i32
        %add3A_837 = arith.addi %mul3A_476, %add3A_836 : i32
        %get3A_838 = arith.index_cast %add3A_837 : i32 to index
        %get3A_839 = arith.constant 96 : index
        %get3A_840 = tpu.vector_load %arg9[%get3A_838, %get3A_839] {strides = array<i32>} : memref<256x128xf32, #tpu.memory_space<vmem>>, vector<1x16xf32>,
        %get3A_841 = vector.shape_cast %get3A_840 : vector<1x16xf32> to vector<16xf32>
        %add3A_842 = arith.addf %add3A_835, %get3A_841 : vector<16xf32>
        %add3A_843 = arith.constant 3 : i32
        %add3A_844 = arith.addi %mul3A_476, %add3A_843 : i32
        %get3A_845 = arith.index_cast %add3A_844 : i32 to index
        %get3A_846 = arith.constant 96 : index
        %get3A_847 = tpu.vector_load %arg9[%get3A_845, %get3A_846] {strides = array<i32>} : memref<256x128xf32, #tpu.memory_space<vmem>>, vector<1x16xf32>,
        %get3A_848 = vector.shape_cast %get3A_847 : vector<1x16xf32> to vector<16xf32>
        %add3A_849 = arith.addf %add3A_842, %get3A_848 : vector<16xf32>
        %add3A_850 = arith.constant 4 : i32
        %add3A_851 = arith.addi %mul3A_476, %add3A_850 : i32
        %get3A_852 = arith.index_cast %add3A_851 : i32 to index
        %get3A_853 = arith.constant 96 : index
        %get3A_854 = tpu.vector_load %arg9[%get3A_852, %get3A_853] {strides = array<i32>} : memref<256x128xf32, #tpu.memory_space<vmem>>, vector<1x16xf32>,
        %get3A_855 = vector.shape_cast %get3A_854 : vector<1x16xf32> to vector<16xf32>
        %add3A_856 = arith.addf %add3A_849, %get3A_855 : vector<16xf32>
        %add3A_857 = arith.constant 5 : i32
        %add3A_858 = arith.addi %mul3A_476, %add3A_857 : i32
        %get3A_859 = arith.index_cast %add3A_858 : i32 to index
        %get3A_860 = arith.constant 96 : index
        %get3A_861 = tpu.vector_load %arg9[%get3A_859, %get3A_860] {strides = array<i32>} : memref<256x128xf32, #tpu.memory_space<vmem>>, vector<1x16xf32>,
        %get3A_862 = vector.shape_cast %get3A_861 : vector<1x16xf32> to vector<16xf32>
        %add3A_863 = arith.addf %add3A_856, %get3A_862 : vector<16xf32>
        %add3A_864 = arith.constant 6 : i32
        %add3A_865 = arith.addi %mul3A_476, %add3A_864 : i32
        %get3A_866 = arith.index_cast %add3A_865 : i32 to index
        %get3A_867 = arith.constant 96 : index
        %get3A_868 = tpu.vector_load %arg9[%get3A_866, %get3A_867] {strides = array<i32>} : memref<256x128xf32, #tpu.memory_space<vmem>>, vector<1x16xf32>,
        %get3A_869 = vector.shape_cast %get3A_868 : vector<1x16xf32> to vector<16xf32>
        %add3A_870 = arith.addf %add3A_863, %get3A_869 : vector<16xf32>
        %add3A_871 = arith.constant 7 : i32
        %add3A_872 = arith.addi %mul3A_476, %add3A_871 : i32
        %get3A_873 = arith.index_cast %add3A_872 : i32 to index
        %get3A_874 = arith.constant 96 : index
        %get3A_875 = tpu.vector_load %arg9[%get3A_873, %get3A_874] {strides = array<i32>} : memref<256x128xf32, #tpu.memory_space<vmem>>, vector<1x16xf32>,
        %get3A_876 = vector.shape_cast %get3A_875 : vector<1x16xf32> to vector<16xf32>
        %add3A_877 = arith.addf %add3A_870, %get3A_876 : vector<16xf32>
        %swap3A_878 = arith.index_cast %scan3A_473 : i32 to index
        %swap3A_879 = arith.constant 96 : index
        %swap3A_880 = tpu.vector_load %arg11[%swap3A_878, %swap3A_879] {strides = array<i32>} : memref<32x128xf32, #tpu.memory_space<vmem>>, vector<1x16xf32>,
        %swap3A_881 = vector.shape_cast %swap3A_880 : vector<1x16xf32> to vector<16xf32>
        %swap3A_882 = vector.shape_cast %add3A_877 : vector<16xf32> to vector<1x16xf32>
        tpu.vector_store %arg11[%swap3A_878, %swap3A_879], %swap3A_882 {strides = array<i32>} : memref<32x128xf32, #tpu.memory_space<vmem>>, vector<1x16xf32>,
        %get3A_883 = arith.index_cast %mul3A_476 : i32 to index
        %get3A_884 = arith.constant 112 : index
        %get3A_885 = tpu.vector_load %arg9[%get3A_883, %get3A_884] {strides = array<i32>} : memref<256x128xf32, #tpu.memory_space<vmem>>, vector<1x16xf32>,
        %get3A_886 = vector.shape_cast %get3A_885 : vector<1x16xf32> to vector<16xf32>
        %add3A_887 = arith.constant 1 : i32
        %add3A_888 = arith.addi %mul3A_476, %add3A_887 : i32
        %get3A_889 = arith.index_cast %add3A_888 : i32 to index
        %get3A_890 = arith.constant 112 : index
        %get3A_891 = tpu.vector_load %arg9[%get3A_889, %get3A_890] {strides = array<i32>} : memref<256x128xf32, #tpu.memory_space<vmem>>, vector<1x16xf32>,
        %get3A_892 = vector.shape_cast %get3A_891 : vector<1x16xf32> to vector<16xf32>
        %add3A_893 = arith.addf %get3A_886, %get3A_892 : vector<16xf32>
        %add3A_894 = arith.constant 2 : i32
        %add3A_895 = arith.addi %mul3A_476, %add3A_894 : i32
        %get3A_896 = arith.index_cast %add3A_895 : i32 to index
        %get3A_897 = arith.constant 112 : index
        %get3A_898 = tpu.vector_load %arg9[%get3A_896, %get3A_897] {strides = array<i32>} : memref<256x128xf32, #tpu.memory_space<vmem>>, vector<1x16xf32>,
        %get3A_899 = vector.shape_cast %get3A_898 : vector<1x16xf32> to vector<16xf32>
        %add3A_900 = arith.addf %add3A_893, %get3A_899 : vector<16xf32>
        %add3A_901 = arith.constant 3 : i32
        %add3A_902 = arith.addi %mul3A_476, %add3A_901 : i32
        %get3A_903 = arith.index_cast %add3A_902 : i32 to index
        %get3A_904 = arith.constant 112 : index
        %get3A_905 = tpu.vector_load %arg9[%get3A_903, %get3A_904] {strides = array<i32>} : memref<256x128xf32, #tpu.memory_space<vmem>>, vector<1x16xf32>,
        %get3A_906 = vector.shape_cast %get3A_905 : vector<1x16xf32> to vector<16xf32>
        %add3A_907 = arith.addf %add3A_900, %get3A_906 : vector<16xf32>
        %add3A_908 = arith.constant 4 : i32
        %add3A_909 = arith.addi %mul3A_476, %add3A_908 : i32
        %get3A_910 = arith.index_cast %add3A_909 : i32 to index
        %get3A_911 = arith.constant 112 : index
        %get3A_912 = tpu.vector_load %arg9[%get3A_910, %get3A_911] {strides = array<i32>} : memref<256x128xf32, #tpu.memory_space<vmem>>, vector<1x16xf32>,
        %get3A_913 = vector.shape_cast %get3A_912 : vector<1x16xf32> to vector<16xf32>
        %add3A_914 = arith.addf %add3A_907, %get3A_913 : vector<16xf32>
        %add3A_915 = arith.constant 5 : i32
        %add3A_916 = arith.addi %mul3A_476, %add3A_915 : i32
        %get3A_917 = arith.index_cast %add3A_916 : i32 to index
        %get3A_918 = arith.constant 112 : index
        %get3A_919 = tpu.vector_load %arg9[%get3A_917, %get3A_918] {strides = array<i32>} : memref<256x128xf32, #tpu.memory_space<vmem>>, vector<1x16xf32>,
        %get3A_920 = vector.shape_cast %get3A_919 : vector<1x16xf32> to vector<16xf32>
        %add3A_921 = arith.addf %add3A_914, %get3A_920 : vector<16xf32>
        %add3A_922 = arith.constant 6 : i32
        %add3A_923 = arith.addi %mul3A_476, %add3A_922 : i32
        %get3A_924 = arith.index_cast %add3A_923 : i32 to index
        %get3A_925 = arith.constant 112 : index
        %get3A_926 = tpu.vector_load %arg9[%get3A_924, %get3A_925] {strides = array<i32>} : memref<256x128xf32, #tpu.memory_space<vmem>>, vector<1x16xf32>,
        %get3A_927 = vector.shape_cast %get3A_926 : vector<1x16xf32> to vector<16xf32>
        %add3A_928 = arith.addf %add3A_921, %get3A_927 : vector<16xf32>
        %add3A_929 = arith.constant 7 : i32
        %add3A_930 = arith.addi %mul3A_476, %add3A_929 : i32
        %get3A_931 = arith.index_cast %add3A_930 : i32 to index
        %get3A_932 = arith.constant 112 : index
        %get3A_933 = tpu.vector_load %arg9[%get3A_931, %get3A_932] {strides = array<i32>} : memref<256x128xf32, #tpu.memory_space<vmem>>, vector<1x16xf32>,
        %get3A_934 = vector.shape_cast %get3A_933 : vector<1x16xf32> to vector<16xf32>
        %add3A_935 = arith.addf %add3A_928, %get3A_934 : vector<16xf32>
        %swap3A_936 = arith.index_cast %scan3A_473 : i32 to index
        %swap3A_937 = arith.constant 112 : index
        %swap3A_938 = tpu.vector_load %arg11[%swap3A_936, %swap3A_937] {strides = array<i32>} : memref<32x128xf32, #tpu.memory_space<vmem>>, vector<1x16xf32>,
        %swap3A_939 = vector.shape_cast %swap3A_938 : vector<1x16xf32> to vector<16xf32>
        %swap3A_940 = vector.shape_cast %add3A_935 : vector<16xf32> to vector<1x16xf32>
        tpu.vector_store %arg11[%swap3A_936, %swap3A_937], %swap3A_940 {strides = array<i32>} : memref<32x128xf32, #tpu.memory_space<vmem>>, vector<1x16xf32>,
        %scan3A_941 = arith.constant 0 : i32
        scf.yield %scan3A_941 : i32
      }
      %scan3A_421 = arith.constant 32 : i32
      %ge3A = arith.constant 2 : i32
      %ge3A_422 = arith.cmpi sge, %add3A_408, %ge3A : i32
      %convert_element_type3A = arith.extui %ge3A_422 : i1 to i32
      %cond3A = arith.constant 0 : i32
      %cond3A_423 = arith.cmpi ne, %convert_element_type3A, %cond3A : i32
      scf.if %cond3A_423 {
        %dma_wait3A_473 = arith.constant 0 : i32
        %dma_wait3A_474 = arith.constant 0 : i32
        %dma_wait3A_475 = tpu.memref_slice %arg4[%dma_wait3A_473, %dma_wait3A_474] : memref<131072x128xf32, #tpu.memory_space<hbm>> -> memref<32x128xf32, #tpu.memory_space<hbm>>
        %dma_wait3A_476 = arith.constant 0 : i32
        %dma_wait3A_477 = arith.constant 0 : i32
        %dma_wait3A_478 = tpu.memref_slice %arg4[%dma_wait3A_476, %dma_wait3A_477] : memref<131072x128xf32, #tpu.memory_space<hbm>> -> memref<32x128xf32, #tpu.memory_space<hbm>>
        tpu.wait_dma2 semaphore(%arg15 : memref<!tpu.dma_semaphore, #tpu.memory_space<semaphore_mem>>) src(%arg11 : memref<32x128xf32, #tpu.memory_space<vmem>>) dst(%dma_wait3A_478 : memref<32x128xf32, #tpu.memory_space<hbm>>)
      } else {
      }
      %mul3A_424 = arith.constant 32 : i32
      %mul3A_425 = arith.muli %add3A_408, %mul3A_424 : i32
      %add3A_426 = arith.addi %mul3A_2, %mul3A_425 : i32
      %dma_start3A_427 = arith.constant 0 : i32
      %dma_start3A_428 = tpu.memref_slice %arg4[%add3A_426, %dma_start3A_427] : memref<131072x128xf32, #tpu.memory_space<hbm>> -> memref<32x128xf32, #tpu.memory_space<hbm>>
      %dma_start3A_429 = arith.constant 0 : i32
      %dma_start3A_430 = tpu.memref_slice %arg4[%add3A_426, %dma_start3A_429] : memref<131072x128xf32, #tpu.memory_space<hbm>> -> memref<32x128xf32, #tpu.memory_space<hbm>>
      tpu.enqueue_dma source(%arg11 : memref<32x128xf32, #tpu.memory_space<vmem>>) target(%dma_start3A_430 : memref<32x128xf32, #tpu.memory_space<hbm>>) target_semaphore(%arg15 : memref<!tpu.dma_semaphore, #tpu.memory_space<semaphore_mem>>)
      %add3A_431 = arith.constant 2 : i32
      %add3A_432 = arith.addi %add3A_408, %add3A_431 : i32
      %lt3A_433 = arith.constant 128 : i32
      %lt3A_434 = arith.cmpi slt, %add3A_432, %lt3A_433 : i32
      %convert_element_type3A_435 = arith.extui %lt3A_434 : i1 to i32
      %cond3A_436 = arith.constant 0 : i32
      %cond3A_437 = arith.cmpi ne, %convert_element_type3A_435, %cond3A_436 : i32
      scf.if %cond3A_437 {
        %add3A_473 = arith.constant 2 : i32
        %add3A_474 = arith.addi %add3A_408, %add3A_473 : i32
        %mul3A_475 = arith.constant 32 : i32
        %mul3A_476 = arith.muli %add3A_474, %mul3A_475 : i32
        %add3A_477 = arith.addi %mul3A_2, %mul3A_476 : i32
        %mul3A_478 = arith.constant 8 : i32
        %mul3A_479 = arith.muli %add3A_477, %mul3A_478 : i32
        "tpu.region"() ({
          %run_scoped3A = tpu.sem_alloc : memref<!tpu.dma_semaphore, #tpu.memory_space<semaphore_mem>>
          %dma_start3A_660 = tpu.memref_slice %arg3[%mul3A_479] : memref<1048576xi32, #tpu.memory_space<hbm>> -> memref<256xi32, #tpu.memory_space<hbm>>
          %dma_start3A_661 = tpu.memref_slice %arg3[%mul3A_479] : memref<1048576xi32, #tpu.memory_space<hbm>> -> memref<256xi32, #tpu.memory_space<hbm>>
          tpu.enqueue_dma source(%dma_start3A_661 : memref<256xi32, #tpu.memory_space<hbm>>) target(%arg5 : memref<256xi32, #tpu.memory_space<vmem>>) target_semaphore(%run_scoped3A : memref<!tpu.dma_semaphore, #tpu.memory_space<semaphore_mem>>)
          %dma_wait3A_662 = tpu.memref_slice %arg3[%mul3A_479] : memref<1048576xi32, #tpu.memory_space<hbm>> -> memref<256xi32, #tpu.memory_space<hbm>>
          %dma_wait3A_663 = tpu.memref_slice %arg3[%mul3A_479] : memref<1048576xi32, #tpu.memory_space<hbm>> -> memref<256xi32, #tpu.memory_space<hbm>>
          tpu.wait_dma2 semaphore(%run_scoped3A : memref<!tpu.dma_semaphore, #tpu.memory_space<semaphore_mem>>) src(%dma_wait3A_663 : memref<256xi32, #tpu.memory_space<hbm>>) dst(%arg5 : memref<256xi32, #tpu.memory_space<vmem>>)
          tpu.yield
        }) : () -> ()
        %get3A_480 = arith.constant 0 : index
        %get3A_481 = tpu.vector_load %arg5[%get3A_480] {strides = array<i32>} : memref<256xi32, #tpu.memory_space<vmem>>, vector<16xi32>,
        %get3A_482 = vector.shape_cast %get3A_481 : vector<16xi32> to vector<16xi32>
        %add3A_483 = arith.addi %get3A_482, %mul3A_20 : vector<16xi32>
        %swap3A_484 = arith.constant 0 : i32
        %swap3A_485 = arith.index_cast %swap3A_484 : i32 to index
        %swap3A_486 = arith.constant 0 : index
        %swap3A_487 = tpu.vector_load %arg7[%swap3A_485, %swap3A_486] {strides = array<i32>} : memref<2x128xi32, #tpu.memory_space<vmem>>, vector<1x16xi32>,
        %swap3A_488 = vector.shape_cast %swap3A_487 : vector<1x16xi32> to vector<16xi32>
        %swap3A_489 = vector.shape_cast %add3A_483 : vector<16xi32> to vector<1x16xi32>
        tpu.vector_store %arg7[%swap3A_485, %swap3A_486], %swap3A_489 {strides = array<i32>} : memref<2x128xi32, #tpu.memory_space<vmem>>, vector<1x16xi32>,
        %get3A_490 = arith.constant 16 : index
        %get3A_491 = tpu.vector_load %arg5[%get3A_490] {strides = array<i32>} : memref<256xi32, #tpu.memory_space<vmem>>, vector<16xi32>,
        %get3A_492 = vector.shape_cast %get3A_491 : vector<16xi32> to vector<16xi32>
        %add3A_493 = arith.addi %get3A_492, %mul3A_20 : vector<16xi32>
        %swap3A_494 = arith.constant 0 : i32
        %swap3A_495 = arith.index_cast %swap3A_494 : i32 to index
        %swap3A_496 = arith.constant 16 : index
        %swap3A_497 = tpu.vector_load %arg7[%swap3A_495, %swap3A_496] {strides = array<i32>} : memref<2x128xi32, #tpu.memory_space<vmem>>, vector<1x16xi32>,
        %swap3A_498 = vector.shape_cast %swap3A_497 : vector<1x16xi32> to vector<16xi32>
        %swap3A_499 = vector.shape_cast %add3A_493 : vector<16xi32> to vector<1x16xi32>
        tpu.vector_store %arg7[%swap3A_495, %swap3A_496], %swap3A_499 {strides = array<i32>} : memref<2x128xi32, #tpu.memory_space<vmem>>, vector<1x16xi32>,
        %get3A_500 = arith.constant 32 : index
        %get3A_501 = tpu.vector_load %arg5[%get3A_500] {strides = array<i32>} : memref<256xi32, #tpu.memory_space<vmem>>, vector<16xi32>,
        %get3A_502 = vector.shape_cast %get3A_501 : vector<16xi32> to vector<16xi32>
        %add3A_503 = arith.addi %get3A_502, %mul3A_20 : vector<16xi32>
        %swap3A_504 = arith.constant 0 : i32
        %swap3A_505 = arith.index_cast %swap3A_504 : i32 to index
        %swap3A_506 = arith.constant 32 : index
        %swap3A_507 = tpu.vector_load %arg7[%swap3A_505, %swap3A_506] {strides = array<i32>} : memref<2x128xi32, #tpu.memory_space<vmem>>, vector<1x16xi32>,
        %swap3A_508 = vector.shape_cast %swap3A_507 : vector<1x16xi32> to vector<16xi32>
        %swap3A_509 = vector.shape_cast %add3A_503 : vector<16xi32> to vector<1x16xi32>
        tpu.vector_store %arg7[%swap3A_505, %swap3A_506], %swap3A_509 {strides = array<i32>} : memref<2x128xi32, #tpu.memory_space<vmem>>, vector<1x16xi32>,
        %get3A_510 = arith.constant 48 : index
        %get3A_511 = tpu.vector_load %arg5[%get3A_510] {strides = array<i32>} : memref<256xi32, #tpu.memory_space<vmem>>, vector<16xi32>,
        %get3A_512 = vector.shape_cast %get3A_511 : vector<16xi32> to vector<16xi32>
        %add3A_513 = arith.addi %get3A_512, %mul3A_20 : vector<16xi32>
        %swap3A_514 = arith.constant 0 : i32
        %swap3A_515 = arith.index_cast %swap3A_514 : i32 to index
        %swap3A_516 = arith.constant 48 : index
        %swap3A_517 = tpu.vector_load %arg7[%swap3A_515, %swap3A_516] {strides = array<i32>} : memref<2x128xi32, #tpu.memory_space<vmem>>, vector<1x16xi32>,
        %swap3A_518 = vector.shape_cast %swap3A_517 : vector<1x16xi32> to vector<16xi32>
        %swap3A_519 = vector.shape_cast %add3A_513 : vector<16xi32> to vector<1x16xi32>
        tpu.vector_store %arg7[%swap3A_515, %swap3A_516], %swap3A_519 {strides = array<i32>} : memref<2x128xi32, #tpu.memory_space<vmem>>, vector<1x16xi32>,
        %get3A_520 = arith.constant 64 : index
        %get3A_521 = tpu.vector_load %arg5[%get3A_520] {strides = array<i32>} : memref<256xi32, #tpu.memory_space<vmem>>, vector<16xi32>,
        %get3A_522 = vector.shape_cast %get3A_521 : vector<16xi32> to vector<16xi32>
        %add3A_523 = arith.addi %get3A_522, %mul3A_20 : vector<16xi32>
        %swap3A_524 = arith.constant 0 : i32
        %swap3A_525 = arith.index_cast %swap3A_524 : i32 to index
        %swap3A_526 = arith.constant 64 : index
        %swap3A_527 = tpu.vector_load %arg7[%swap3A_525, %swap3A_526] {strides = array<i32>} : memref<2x128xi32, #tpu.memory_space<vmem>>, vector<1x16xi32>,
        %swap3A_528 = vector.shape_cast %swap3A_527 : vector<1x16xi32> to vector<16xi32>
        %swap3A_529 = vector.shape_cast %add3A_523 : vector<16xi32> to vector<1x16xi32>
        tpu.vector_store %arg7[%swap3A_525, %swap3A_526], %swap3A_529 {strides = array<i32>} : memref<2x128xi32, #tpu.memory_space<vmem>>, vector<1x16xi32>,
        %get3A_530 = arith.constant 80 : index
        %get3A_531 = tpu.vector_load %arg5[%get3A_530] {strides = array<i32>} : memref<256xi32, #tpu.memory_space<vmem>>, vector<16xi32>,
        %get3A_532 = vector.shape_cast %get3A_531 : vector<16xi32> to vector<16xi32>
        %add3A_533 = arith.addi %get3A_532, %mul3A_20 : vector<16xi32>
        %swap3A_534 = arith.constant 0 : i32
        %swap3A_535 = arith.index_cast %swap3A_534 : i32 to index
        %swap3A_536 = arith.constant 80 : index
        %swap3A_537 = tpu.vector_load %arg7[%swap3A_535, %swap3A_536] {strides = array<i32>} : memref<2x128xi32, #tpu.memory_space<vmem>>, vector<1x16xi32>,
        %swap3A_538 = vector.shape_cast %swap3A_537 : vector<1x16xi32> to vector<16xi32>
        %swap3A_539 = vector.shape_cast %add3A_533 : vector<16xi32> to vector<1x16xi32>
        tpu.vector_store %arg7[%swap3A_535, %swap3A_536], %swap3A_539 {strides = array<i32>} : memref<2x128xi32, #tpu.memory_space<vmem>>, vector<1x16xi32>,
        %get3A_540 = arith.constant 96 : index
        %get3A_541 = tpu.vector_load %arg5[%get3A_540] {strides = array<i32>} : memref<256xi32, #tpu.memory_space<vmem>>, vector<16xi32>,
        %get3A_542 = vector.shape_cast %get3A_541 : vector<16xi32> to vector<16xi32>
        %add3A_543 = arith.addi %get3A_542, %mul3A_20 : vector<16xi32>
        %swap3A_544 = arith.constant 0 : i32
        %swap3A_545 = arith.index_cast %swap3A_544 : i32 to index
        %swap3A_546 = arith.constant 96 : index
        %swap3A_547 = tpu.vector_load %arg7[%swap3A_545, %swap3A_546] {strides = array<i32>} : memref<2x128xi32, #tpu.memory_space<vmem>>, vector<1x16xi32>,
        %swap3A_548 = vector.shape_cast %swap3A_547 : vector<1x16xi32> to vector<16xi32>
        %swap3A_549 = vector.shape_cast %add3A_543 : vector<16xi32> to vector<1x16xi32>
        tpu.vector_store %arg7[%swap3A_545, %swap3A_546], %swap3A_549 {strides = array<i32>} : memref<2x128xi32, #tpu.memory_space<vmem>>, vector<1x16xi32>,
        %get3A_550 = arith.constant 112 : index
        %get3A_551 = tpu.vector_load %arg5[%get3A_550] {strides = array<i32>} : memref<256xi32, #tpu.memory_space<vmem>>, vector<16xi32>,
        %get3A_552 = vector.shape_cast %get3A_551 : vector<16xi32> to vector<16xi32>
        %add3A_553 = arith.addi %get3A_552, %mul3A_20 : vector<16xi32>
        %swap3A_554 = arith.constant 0 : i32
        %swap3A_555 = arith.index_cast %swap3A_554 : i32 to index
        %swap3A_556 = arith.constant 112 : index
        %swap3A_557 = tpu.vector_load %arg7[%swap3A_555, %swap3A_556] {strides = array<i32>} : memref<2x128xi32, #tpu.memory_space<vmem>>, vector<1x16xi32>,
        %swap3A_558 = vector.shape_cast %swap3A_557 : vector<1x16xi32> to vector<16xi32>
        %swap3A_559 = vector.shape_cast %add3A_553 : vector<16xi32> to vector<1x16xi32>
        tpu.vector_store %arg7[%swap3A_555, %swap3A_556], %swap3A_559 {strides = array<i32>} : memref<2x128xi32, #tpu.memory_space<vmem>>, vector<1x16xi32>,
        %get3A_560 = arith.constant 128 : index
        %get3A_561 = tpu.vector_load %arg5[%get3A_560] {strides = array<i32>} : memref<256xi32, #tpu.memory_space<vmem>>, vector<16xi32>,
        %get3A_562 = vector.shape_cast %get3A_561 : vector<16xi32> to vector<16xi32>
        %add3A_563 = arith.addi %get3A_562, %mul3A_20 : vector<16xi32>
        %swap3A_564 = arith.constant 1 : i32
        %swap3A_565 = arith.index_cast %swap3A_564 : i32 to index
        %swap3A_566 = arith.constant 0 : index
        %swap3A_567 = tpu.vector_load %arg7[%swap3A_565, %swap3A_566] {strides = array<i32>} : memref<2x128xi32, #tpu.memory_space<vmem>>, vector<1x16xi32>,
        %swap3A_568 = vector.shape_cast %swap3A_567 : vector<1x16xi32> to vector<16xi32>
        %swap3A_569 = vector.shape_cast %add3A_563 : vector<16xi32> to vector<1x16xi32>
        tpu.vector_store %arg7[%swap3A_565, %swap3A_566], %swap3A_569 {strides = array<i32>} : memref<2x128xi32, #tpu.memory_space<vmem>>, vector<1x16xi32>,
        %get3A_570 = arith.constant 144 : index
        %get3A_571 = tpu.vector_load %arg5[%get3A_570] {strides = array<i32>} : memref<256xi32, #tpu.memory_space<vmem>>, vector<16xi32>,
        %get3A_572 = vector.shape_cast %get3A_571 : vector<16xi32> to vector<16xi32>
        %add3A_573 = arith.addi %get3A_572, %mul3A_20 : vector<16xi32>
        %swap3A_574 = arith.constant 1 : i32
        %swap3A_575 = arith.index_cast %swap3A_574 : i32 to index
        %swap3A_576 = arith.constant 16 : index
        %swap3A_577 = tpu.vector_load %arg7[%swap3A_575, %swap3A_576] {strides = array<i32>} : memref<2x128xi32, #tpu.memory_space<vmem>>, vector<1x16xi32>,
        %swap3A_578 = vector.shape_cast %swap3A_577 : vector<1x16xi32> to vector<16xi32>
        %swap3A_579 = vector.shape_cast %add3A_573 : vector<16xi32> to vector<1x16xi32>
        tpu.vector_store %arg7[%swap3A_575, %swap3A_576], %swap3A_579 {strides = array<i32>} : memref<2x128xi32, #tpu.memory_space<vmem>>, vector<1x16xi32>,
        %get3A_580 = arith.constant 160 : index
        %get3A_581 = tpu.vector_load %arg5[%get3A_580] {strides = array<i32>} : memref<256xi32, #tpu.memory_space<vmem>>, vector<16xi32>,
        %get3A_582 = vector.shape_cast %get3A_581 : vector<16xi32> to vector<16xi32>
        %add3A_583 = arith.addi %get3A_582, %mul3A_20 : vector<16xi32>
        %swap3A_584 = arith.constant 1 : i32
        %swap3A_585 = arith.index_cast %swap3A_584 : i32 to index
        %swap3A_586 = arith.constant 32 : index
        %swap3A_587 = tpu.vector_load %arg7[%swap3A_585, %swap3A_586] {strides = array<i32>} : memref<2x128xi32, #tpu.memory_space<vmem>>, vector<1x16xi32>,
        %swap3A_588 = vector.shape_cast %swap3A_587 : vector<1x16xi32> to vector<16xi32>
        %swap3A_589 = vector.shape_cast %add3A_583 : vector<16xi32> to vector<1x16xi32>
        tpu.vector_store %arg7[%swap3A_585, %swap3A_586], %swap3A_589 {strides = array<i32>} : memref<2x128xi32, #tpu.memory_space<vmem>>, vector<1x16xi32>,
        %get3A_590 = arith.constant 176 : index
        %get3A_591 = tpu.vector_load %arg5[%get3A_590] {strides = array<i32>} : memref<256xi32, #tpu.memory_space<vmem>>, vector<16xi32>,
        %get3A_592 = vector.shape_cast %get3A_591 : vector<16xi32> to vector<16xi32>
        %add3A_593 = arith.addi %get3A_592, %mul3A_20 : vector<16xi32>
        %swap3A_594 = arith.constant 1 : i32
        %swap3A_595 = arith.index_cast %swap3A_594 : i32 to index
        %swap3A_596 = arith.constant 48 : index
        %swap3A_597 = tpu.vector_load %arg7[%swap3A_595, %swap3A_596] {strides = array<i32>} : memref<2x128xi32, #tpu.memory_space<vmem>>, vector<1x16xi32>,
        %swap3A_598 = vector.shape_cast %swap3A_597 : vector<1x16xi32> to vector<16xi32>
        %swap3A_599 = vector.shape_cast %add3A_593 : vector<16xi32> to vector<1x16xi32>
        tpu.vector_store %arg7[%swap3A_595, %swap3A_596], %swap3A_599 {strides = array<i32>} : memref<2x128xi32, #tpu.memory_space<vmem>>, vector<1x16xi32>,
        %get3A_600 = arith.constant 192 : index
        %get3A_601 = tpu.vector_load %arg5[%get3A_600] {strides = array<i32>} : memref<256xi32, #tpu.memory_space<vmem>>, vector<16xi32>,
        %get3A_602 = vector.shape_cast %get3A_601 : vector<16xi32> to vector<16xi32>
        %add3A_603 = arith.addi %get3A_602, %mul3A_20 : vector<16xi32>
        %swap3A_604 = arith.constant 1 : i32
        %swap3A_605 = arith.index_cast %swap3A_604 : i32 to index
        %swap3A_606 = arith.constant 64 : index
        %swap3A_607 = tpu.vector_load %arg7[%swap3A_605, %swap3A_606] {strides = array<i32>} : memref<2x128xi32, #tpu.memory_space<vmem>>, vector<1x16xi32>,
        %swap3A_608 = vector.shape_cast %swap3A_607 : vector<1x16xi32> to vector<16xi32>
        %swap3A_609 = vector.shape_cast %add3A_603 : vector<16xi32> to vector<1x16xi32>
        tpu.vector_store %arg7[%swap3A_605, %swap3A_606], %swap3A_609 {strides = array<i32>} : memref<2x128xi32, #tpu.memory_space<vmem>>, vector<1x16xi32>,
        %get3A_610 = arith.constant 208 : index
        %get3A_611 = tpu.vector_load %arg5[%get3A_610] {strides = array<i32>} : memref<256xi32, #tpu.memory_space<vmem>>, vector<16xi32>,
        %get3A_612 = vector.shape_cast %get3A_611 : vector<16xi32> to vector<16xi32>
        %add3A_613 = arith.addi %get3A_612, %mul3A_20 : vector<16xi32>
        %swap3A_614 = arith.constant 1 : i32
        %swap3A_615 = arith.index_cast %swap3A_614 : i32 to index
        %swap3A_616 = arith.constant 80 : index
        %swap3A_617 = tpu.vector_load %arg7[%swap3A_615, %swap3A_616] {strides = array<i32>} : memref<2x128xi32, #tpu.memory_space<vmem>>, vector<1x16xi32>,
        %swap3A_618 = vector.shape_cast %swap3A_617 : vector<1x16xi32> to vector<16xi32>
        %swap3A_619 = vector.shape_cast %add3A_613 : vector<16xi32> to vector<1x16xi32>
        tpu.vector_store %arg7[%swap3A_615, %swap3A_616], %swap3A_619 {strides = array<i32>} : memref<2x128xi32, #tpu.memory_space<vmem>>, vector<1x16xi32>,
        %get3A_620 = arith.constant 224 : index
        %get3A_621 = tpu.vector_load %arg5[%get3A_620] {strides = array<i32>} : memref<256xi32, #tpu.memory_space<vmem>>, vector<16xi32>,
        %get3A_622 = vector.shape_cast %get3A_621 : vector<16xi32> to vector<16xi32>
        %add3A_623 = arith.addi %get3A_622, %mul3A_20 : vector<16xi32>
        %swap3A_624 = arith.constant 1 : i32
        %swap3A_625 = arith.index_cast %swap3A_624 : i32 to index
        %swap3A_626 = arith.constant 96 : index
        %swap3A_627 = tpu.vector_load %arg7[%swap3A_625, %swap3A_626] {strides = array<i32>} : memref<2x128xi32, #tpu.memory_space<vmem>>, vector<1x16xi32>,
        %swap3A_628 = vector.shape_cast %swap3A_627 : vector<1x16xi32> to vector<16xi32>
        %swap3A_629 = vector.shape_cast %add3A_623 : vector<16xi32> to vector<1x16xi32>
        tpu.vector_store %arg7[%swap3A_625, %swap3A_626], %swap3A_629 {strides = array<i32>} : memref<2x128xi32, #tpu.memory_space<vmem>>, vector<1x16xi32>,
        %get3A_630 = arith.constant 240 : index
        %get3A_631 = tpu.vector_load %arg5[%get3A_630] {strides = array<i32>} : memref<256xi32, #tpu.memory_space<vmem>>, vector<16xi32>,
        %get3A_632 = vector.shape_cast %get3A_631 : vector<16xi32> to vector<16xi32>
        %add3A_633 = arith.addi %get3A_632, %mul3A_20 : vector<16xi32>
        %swap3A_634 = arith.constant 1 : i32
        %swap3A_635 = arith.index_cast %swap3A_634 : i32 to index
        %swap3A_636 = arith.constant 112 : index
        %swap3A_637 = tpu.vector_load %arg7[%swap3A_635, %swap3A_636] {strides = array<i32>} : memref<2x128xi32, #tpu.memory_space<vmem>>, vector<1x16xi32>,
        %swap3A_638 = vector.shape_cast %swap3A_637 : vector<1x16xi32> to vector<16xi32>
        %swap3A_639 = vector.shape_cast %add3A_633 : vector<16xi32> to vector<1x16xi32>
        tpu.vector_store %arg7[%swap3A_635, %swap3A_636], %swap3A_639 {strides = array<i32>} : memref<2x128xi32, #tpu.memory_space<vmem>>, vector<1x16xi32>,
        %dma_start3A_640 = arith.constant 0 : i32
        %dma_start3A_641 = arith.constant 0 : i32
        %dma_start3A_642 = arith.constant 0 : i32
        %dma_start3A_643 = tpu.memref_slice %arg9[%dma_start3A_641, %dma_start3A_642] : memref<256x128xf32, #tpu.memory_space<vmem>> -> memref<128x128xf32, #tpu.memory_space<vmem>>
        %dma_start3A_644 = arith.constant 0 : i32
        %dma_start3A_645 = tpu.memref_slice %arg7[%dma_start3A_640, %dma_start3A_644] : memref<2x128xi32, #tpu.memory_space<vmem>> -> memref<1x128xi32, #tpu.memory_space<vmem>>
        %dma_start3A_646 = tpu.memref_squeeze %dma_start3A_645 : memref<1x128xi32, #tpu.memory_space<vmem>> -> memref<128xi32, #tpu.memory_space<vmem>>
        %dma_start3A_647 = arith.constant 0 : i32
        %dma_start3A_648 = arith.constant 0 : i32
        %dma_start3A_649 = tpu.memref_slice %arg2[%dma_start3A_647, %dma_start3A_648] : memref<8192x128xf32, #tpu.memory_space<hbm>> -> memref<8192x128xf32, #tpu.memory_space<hbm>>
        tpu.enqueue_indirect_dma source(%dma_start3A_649 : memref<8192x128xf32, #tpu.memory_space<hbm>>) target(%dma_start3A_643 : memref<128x128xf32, #tpu.memory_space<vmem>>) offsets(%dma_start3A_646 : memref<128xi32, #tpu.memory_space<vmem>>) semaphore(%arg13 : memref<!tpu.dma_semaphore, #tpu.memory_space<semaphore_mem>>)
        %dma_start3A_650 = arith.constant 1 : i32
        %dma_start3A_651 = arith.constant 128 : i32
        %dma_start3A_652 = arith.constant 0 : i32
        %dma_start3A_653 = tpu.memref_slice %arg9[%dma_start3A_651, %dma_start3A_652] : memref<256x128xf32, #tpu.memory_space<vmem>> -> memref<128x128xf32, #tpu.memory_space<vmem>>
        %dma_start3A_654 = arith.constant 0 : i32
        %dma_start3A_655 = tpu.memref_slice %arg7[%dma_start3A_650, %dma_start3A_654] : memref<2x128xi32, #tpu.memory_space<vmem>> -> memref<1x128xi32, #tpu.memory_space<vmem>>
        %dma_start3A_656 = tpu.memref_squeeze %dma_start3A_655 : memref<1x128xi32, #tpu.memory_space<vmem>> -> memref<128xi32, #tpu.memory_space<vmem>>
        %dma_start3A_657 = arith.constant 0 : i32
        %dma_start3A_658 = arith.constant 0 : i32
        %dma_start3A_659 = tpu.memref_slice %arg2[%dma_start3A_657, %dma_start3A_658] : memref<8192x128xf32, #tpu.memory_space<hbm>> -> memref<8192x128xf32, #tpu.memory_space<hbm>>
        tpu.enqueue_indirect_dma source(%dma_start3A_659 : memref<8192x128xf32, #tpu.memory_space<hbm>>) target(%dma_start3A_653 : memref<128x128xf32, #tpu.memory_space<vmem>>) offsets(%dma_start3A_656 : memref<128xi32, #tpu.memory_space<vmem>>) semaphore(%arg13 : memref<!tpu.dma_semaphore, #tpu.memory_space<semaphore_mem>>)
      } else {
      }
      %add3A_438 = arith.constant 1 : i32
      %add3A_439 = arith.addi %mul3A_406, %add3A_438 : i32
      %dma_wait3A_440 = arith.constant 0 : i32
      %dma_wait3A_441 = arith.constant 0 : i32
      %dma_wait3A_442 = tpu.memref_slice %arg2[%dma_wait3A_440, %dma_wait3A_441] : memref<8192x128xf32, #tpu.memory_space<hbm>> -> memref<256x128xf32, #tpu.memory_space<hbm>>
      %dma_wait3A_443 = arith.constant 0 : i32
      %dma_wait3A_444 = arith.constant 0 : i32
      %dma_wait3A_445 = tpu.memref_slice %arg2[%dma_wait3A_443, %dma_wait3A_444] : memref<8192x128xf32, #tpu.memory_space<hbm>> -> memref<256x128xf32, #tpu.memory_space<hbm>>
      tpu.wait_dma2 semaphore(%arg14 : memref<!tpu.dma_semaphore, #tpu.memory_space<semaphore_mem>>) src(%dma_wait3A_445 : memref<256x128xf32, #tpu.memory_space<hbm>>) dst(%arg10 : memref<256x128xf32, #tpu.memory_space<vmem>>)
      %scan3A_446 = arith.constant 0 : i32
      %scan3A_447 = arith.constant 0 : i32
      %scan3A_448 = arith.constant 32 : i32
      %scan3A_449 = arith.addi %scan3A_447, %scan3A_448 : i32
      %scan3A_450 = arith.constant 1 : i32
      %scan3A_451 = scf.for %scan3A_473 = %scan3A_447 to %scan3A_449 step %scan3A_450 iter_args(%scan3A_474 = %scan3A_446) -> (i32)  : i32 {
        %mul3A_475 = arith.constant 8 : i32
        %mul3A_476 = arith.muli %scan3A_473, %mul3A_475 : i32
        %get3A_477 = arith.index_cast %mul3A_476 : i32 to index
        %get3A_478 = arith.constant 0 : index
        %get3A_479 = tpu.vector_load %arg10[%get3A_477, %get3A_478] {strides = array<i32>} : memref<256x128xf32, #tpu.memory_space<vmem>>, vector<1x16xf32>,
        %get3A_480 = vector.shape_cast %get3A_479 : vector<1x16xf32> to vector<16xf32>
        %add3A_481 = arith.constant 1 : i32
        %add3A_482 = arith.addi %mul3A_476, %add3A_481 : i32
        %get3A_483 = arith.index_cast %add3A_482 : i32 to index
        %get3A_484 = arith.constant 0 : index
        %get3A_485 = tpu.vector_load %arg10[%get3A_483, %get3A_484] {strides = array<i32>} : memref<256x128xf32, #tpu.memory_space<vmem>>, vector<1x16xf32>,
        %get3A_486 = vector.shape_cast %get3A_485 : vector<1x16xf32> to vector<16xf32>
        %add3A_487 = arith.addf %get3A_480, %get3A_486 : vector<16xf32>
        %add3A_488 = arith.constant 2 : i32
        %add3A_489 = arith.addi %mul3A_476, %add3A_488 : i32
        %get3A_490 = arith.index_cast %add3A_489 : i32 to index
        %get3A_491 = arith.constant 0 : index
        %get3A_492 = tpu.vector_load %arg10[%get3A_490, %get3A_491] {strides = array<i32>} : memref<256x128xf32, #tpu.memory_space<vmem>>, vector<1x16xf32>,
        %get3A_493 = vector.shape_cast %get3A_492 : vector<1x16xf32> to vector<16xf32>
        %add3A_494 = arith.addf %add3A_487, %get3A_493 : vector<16xf32>
        %add3A_495 = arith.constant 3 : i32
        %add3A_496 = arith.addi %mul3A_476, %add3A_495 : i32
        %get3A_497 = arith.index_cast %add3A_496 : i32 to index
        %get3A_498 = arith.constant 0 : index
        %get3A_499 = tpu.vector_load %arg10[%get3A_497, %get3A_498] {strides = array<i32>} : memref<256x128xf32, #tpu.memory_space<vmem>>, vector<1x16xf32>,
        %get3A_500 = vector.shape_cast %get3A_499 : vector<1x16xf32> to vector<16xf32>
        %add3A_501 = arith.addf %add3A_494, %get3A_500 : vector<16xf32>
        %add3A_502 = arith.constant 4 : i32
        %add3A_503 = arith.addi %mul3A_476, %add3A_502 : i32
        %get3A_504 = arith.index_cast %add3A_503 : i32 to index
        %get3A_505 = arith.constant 0 : index
        %get3A_506 = tpu.vector_load %arg10[%get3A_504, %get3A_505] {strides = array<i32>} : memref<256x128xf32, #tpu.memory_space<vmem>>, vector<1x16xf32>,
        %get3A_507 = vector.shape_cast %get3A_506 : vector<1x16xf32> to vector<16xf32>
        %add3A_508 = arith.addf %add3A_501, %get3A_507 : vector<16xf32>
        %add3A_509 = arith.constant 5 : i32
        %add3A_510 = arith.addi %mul3A_476, %add3A_509 : i32
        %get3A_511 = arith.index_cast %add3A_510 : i32 to index
        %get3A_512 = arith.constant 0 : index
        %get3A_513 = tpu.vector_load %arg10[%get3A_511, %get3A_512] {strides = array<i32>} : memref<256x128xf32, #tpu.memory_space<vmem>>, vector<1x16xf32>,
        %get3A_514 = vector.shape_cast %get3A_513 : vector<1x16xf32> to vector<16xf32>
        %add3A_515 = arith.addf %add3A_508, %get3A_514 : vector<16xf32>
        %add3A_516 = arith.constant 6 : i32
        %add3A_517 = arith.addi %mul3A_476, %add3A_516 : i32
        %get3A_518 = arith.index_cast %add3A_517 : i32 to index
        %get3A_519 = arith.constant 0 : index
        %get3A_520 = tpu.vector_load %arg10[%get3A_518, %get3A_519] {strides = array<i32>} : memref<256x128xf32, #tpu.memory_space<vmem>>, vector<1x16xf32>,
        %get3A_521 = vector.shape_cast %get3A_520 : vector<1x16xf32> to vector<16xf32>
        %add3A_522 = arith.addf %add3A_515, %get3A_521 : vector<16xf32>
        %add3A_523 = arith.constant 7 : i32
        %add3A_524 = arith.addi %mul3A_476, %add3A_523 : i32
        %get3A_525 = arith.index_cast %add3A_524 : i32 to index
        %get3A_526 = arith.constant 0 : index
        %get3A_527 = tpu.vector_load %arg10[%get3A_525, %get3A_526] {strides = array<i32>} : memref<256x128xf32, #tpu.memory_space<vmem>>, vector<1x16xf32>,
        %get3A_528 = vector.shape_cast %get3A_527 : vector<1x16xf32> to vector<16xf32>
        %add3A_529 = arith.addf %add3A_522, %get3A_528 : vector<16xf32>
        %swap3A_530 = arith.index_cast %scan3A_473 : i32 to index
        %swap3A_531 = arith.constant 0 : index
        %swap3A_532 = tpu.vector_load %arg12[%swap3A_530, %swap3A_531] {strides = array<i32>} : memref<32x128xf32, #tpu.memory_space<vmem>>, vector<1x16xf32>,
        %swap3A_533 = vector.shape_cast %swap3A_532 : vector<1x16xf32> to vector<16xf32>
        %swap3A_534 = vector.shape_cast %add3A_529 : vector<16xf32> to vector<1x16xf32>
        tpu.vector_store %arg12[%swap3A_530, %swap3A_531], %swap3A_534 {strides = array<i32>} : memref<32x128xf32, #tpu.memory_space<vmem>>, vector<1x16xf32>,
        %get3A_535 = arith.index_cast %mul3A_476 : i32 to index
        %get3A_536 = arith.constant 16 : index
        %get3A_537 = tpu.vector_load %arg10[%get3A_535, %get3A_536] {strides = array<i32>} : memref<256x128xf32, #tpu.memory_space<vmem>>, vector<1x16xf32>,
        %get3A_538 = vector.shape_cast %get3A_537 : vector<1x16xf32> to vector<16xf32>
        %add3A_539 = arith.constant 1 : i32
        %add3A_540 = arith.addi %mul3A_476, %add3A_539 : i32
        %get3A_541 = arith.index_cast %add3A_540 : i32 to index
        %get3A_542 = arith.constant 16 : index
        %get3A_543 = tpu.vector_load %arg10[%get3A_541, %get3A_542] {strides = array<i32>} : memref<256x128xf32, #tpu.memory_space<vmem>>, vector<1x16xf32>,
        %get3A_544 = vector.shape_cast %get3A_543 : vector<1x16xf32> to vector<16xf32>
        %add3A_545 = arith.addf %get3A_538, %get3A_544 : vector<16xf32>
        %add3A_546 = arith.constant 2 : i32
        %add3A_547 = arith.addi %mul3A_476, %add3A_546 : i32
        %get3A_548 = arith.index_cast %add3A_547 : i32 to index
        %get3A_549 = arith.constant 16 : index
        %get3A_550 = tpu.vector_load %arg10[%get3A_548, %get3A_549] {strides = array<i32>} : memref<256x128xf32, #tpu.memory_space<vmem>>, vector<1x16xf32>,
        %get3A_551 = vector.shape_cast %get3A_550 : vector<1x16xf32> to vector<16xf32>
        %add3A_552 = arith.addf %add3A_545, %get3A_551 : vector<16xf32>
        %add3A_553 = arith.constant 3 : i32
        %add3A_554 = arith.addi %mul3A_476, %add3A_553 : i32
        %get3A_555 = arith.index_cast %add3A_554 : i32 to index
        %get3A_556 = arith.constant 16 : index
        %get3A_557 = tpu.vector_load %arg10[%get3A_555, %get3A_556] {strides = array<i32>} : memref<256x128xf32, #tpu.memory_space<vmem>>, vector<1x16xf32>,
        %get3A_558 = vector.shape_cast %get3A_557 : vector<1x16xf32> to vector<16xf32>
        %add3A_559 = arith.addf %add3A_552, %get3A_558 : vector<16xf32>
        %add3A_560 = arith.constant 4 : i32
        %add3A_561 = arith.addi %mul3A_476, %add3A_560 : i32
        %get3A_562 = arith.index_cast %add3A_561 : i32 to index
        %get3A_563 = arith.constant 16 : index
        %get3A_564 = tpu.vector_load %arg10[%get3A_562, %get3A_563] {strides = array<i32>} : memref<256x128xf32, #tpu.memory_space<vmem>>, vector<1x16xf32>,
        %get3A_565 = vector.shape_cast %get3A_564 : vector<1x16xf32> to vector<16xf32>
        %add3A_566 = arith.addf %add3A_559, %get3A_565 : vector<16xf32>
        %add3A_567 = arith.constant 5 : i32
        %add3A_568 = arith.addi %mul3A_476, %add3A_567 : i32
        %get3A_569 = arith.index_cast %add3A_568 : i32 to index
        %get3A_570 = arith.constant 16 : index
        %get3A_571 = tpu.vector_load %arg10[%get3A_569, %get3A_570] {strides = array<i32>} : memref<256x128xf32, #tpu.memory_space<vmem>>, vector<1x16xf32>,
        %get3A_572 = vector.shape_cast %get3A_571 : vector<1x16xf32> to vector<16xf32>
        %add3A_573 = arith.addf %add3A_566, %get3A_572 : vector<16xf32>
        %add3A_574 = arith.constant 6 : i32
        %add3A_575 = arith.addi %mul3A_476, %add3A_574 : i32
        %get3A_576 = arith.index_cast %add3A_575 : i32 to index
        %get3A_577 = arith.constant 16 : index
        %get3A_578 = tpu.vector_load %arg10[%get3A_576, %get3A_577] {strides = array<i32>} : memref<256x128xf32, #tpu.memory_space<vmem>>, vector<1x16xf32>,
        %get3A_579 = vector.shape_cast %get3A_578 : vector<1x16xf32> to vector<16xf32>
        %add3A_580 = arith.addf %add3A_573, %get3A_579 : vector<16xf32>
        %add3A_581 = arith.constant 7 : i32
        %add3A_582 = arith.addi %mul3A_476, %add3A_581 : i32
        %get3A_583 = arith.index_cast %add3A_582 : i32 to index
        %get3A_584 = arith.constant 16 : index
        %get3A_585 = tpu.vector_load %arg10[%get3A_583, %get3A_584] {strides = array<i32>} : memref<256x128xf32, #tpu.memory_space<vmem>>, vector<1x16xf32>,
        %get3A_586 = vector.shape_cast %get3A_585 : vector<1x16xf32> to vector<16xf32>
        %add3A_587 = arith.addf %add3A_580, %get3A_586 : vector<16xf32>
        %swap3A_588 = arith.index_cast %scan3A_473 : i32 to index
        %swap3A_589 = arith.constant 16 : index
        %swap3A_590 = tpu.vector_load %arg12[%swap3A_588, %swap3A_589] {strides = array<i32>} : memref<32x128xf32, #tpu.memory_space<vmem>>, vector<1x16xf32>,
        %swap3A_591 = vector.shape_cast %swap3A_590 : vector<1x16xf32> to vector<16xf32>
        %swap3A_592 = vector.shape_cast %add3A_587 : vector<16xf32> to vector<1x16xf32>
        tpu.vector_store %arg12[%swap3A_588, %swap3A_589], %swap3A_592 {strides = array<i32>} : memref<32x128xf32, #tpu.memory_space<vmem>>, vector<1x16xf32>,
        %get3A_593 = arith.index_cast %mul3A_476 : i32 to index
        %get3A_594 = arith.constant 32 : index
        %get3A_595 = tpu.vector_load %arg10[%get3A_593, %get3A_594] {strides = array<i32>} : memref<256x128xf32, #tpu.memory_space<vmem>>, vector<1x16xf32>,
        %get3A_596 = vector.shape_cast %get3A_595 : vector<1x16xf32> to vector<16xf32>
        %add3A_597 = arith.constant 1 : i32
        %add3A_598 = arith.addi %mul3A_476, %add3A_597 : i32
        %get3A_599 = arith.index_cast %add3A_598 : i32 to index
        %get3A_600 = arith.constant 32 : index
        %get3A_601 = tpu.vector_load %arg10[%get3A_599, %get3A_600] {strides = array<i32>} : memref<256x128xf32, #tpu.memory_space<vmem>>, vector<1x16xf32>,
        %get3A_602 = vector.shape_cast %get3A_601 : vector<1x16xf32> to vector<16xf32>
        %add3A_603 = arith.addf %get3A_596, %get3A_602 : vector<16xf32>
        %add3A_604 = arith.constant 2 : i32
        %add3A_605 = arith.addi %mul3A_476, %add3A_604 : i32
        %get3A_606 = arith.index_cast %add3A_605 : i32 to index
        %get3A_607 = arith.constant 32 : index
        %get3A_608 = tpu.vector_load %arg10[%get3A_606, %get3A_607] {strides = array<i32>} : memref<256x128xf32, #tpu.memory_space<vmem>>, vector<1x16xf32>,
        %get3A_609 = vector.shape_cast %get3A_608 : vector<1x16xf32> to vector<16xf32>
        %add3A_610 = arith.addf %add3A_603, %get3A_609 : vector<16xf32>
        %add3A_611 = arith.constant 3 : i32
        %add3A_612 = arith.addi %mul3A_476, %add3A_611 : i32
        %get3A_613 = arith.index_cast %add3A_612 : i32 to index
        %get3A_614 = arith.constant 32 : index
        %get3A_615 = tpu.vector_load %arg10[%get3A_613, %get3A_614] {strides = array<i32>} : memref<256x128xf32, #tpu.memory_space<vmem>>, vector<1x16xf32>,
        %get3A_616 = vector.shape_cast %get3A_615 : vector<1x16xf32> to vector<16xf32>
        %add3A_617 = arith.addf %add3A_610, %get3A_616 : vector<16xf32>
        %add3A_618 = arith.constant 4 : i32
        %add3A_619 = arith.addi %mul3A_476, %add3A_618 : i32
        %get3A_620 = arith.index_cast %add3A_619 : i32 to index
        %get3A_621 = arith.constant 32 : index
        %get3A_622 = tpu.vector_load %arg10[%get3A_620, %get3A_621] {strides = array<i32>} : memref<256x128xf32, #tpu.memory_space<vmem>>, vector<1x16xf32>,
        %get3A_623 = vector.shape_cast %get3A_622 : vector<1x16xf32> to vector<16xf32>
        %add3A_624 = arith.addf %add3A_617, %get3A_623 : vector<16xf32>
        %add3A_625 = arith.constant 5 : i32
        %add3A_626 = arith.addi %mul3A_476, %add3A_625 : i32
        %get3A_627 = arith.index_cast %add3A_626 : i32 to index
        %get3A_628 = arith.constant 32 : index
        %get3A_629 = tpu.vector_load %arg10[%get3A_627, %get3A_628] {strides = array<i32>} : memref<256x128xf32, #tpu.memory_space<vmem>>, vector<1x16xf32>,
        %get3A_630 = vector.shape_cast %get3A_629 : vector<1x16xf32> to vector<16xf32>
        %add3A_631 = arith.addf %add3A_624, %get3A_630 : vector<16xf32>
        %add3A_632 = arith.constant 6 : i32
        %add3A_633 = arith.addi %mul3A_476, %add3A_632 : i32
        %get3A_634 = arith.index_cast %add3A_633 : i32 to index
        %get3A_635 = arith.constant 32 : index
        %get3A_636 = tpu.vector_load %arg10[%get3A_634, %get3A_635] {strides = array<i32>} : memref<256x128xf32, #tpu.memory_space<vmem>>, vector<1x16xf32>,
        %get3A_637 = vector.shape_cast %get3A_636 : vector<1x16xf32> to vector<16xf32>
        %add3A_638 = arith.addf %add3A_631, %get3A_637 : vector<16xf32>
        %add3A_639 = arith.constant 7 : i32
        %add3A_640 = arith.addi %mul3A_476, %add3A_639 : i32
        %get3A_641 = arith.index_cast %add3A_640 : i32 to index
        %get3A_642 = arith.constant 32 : index
        %get3A_643 = tpu.vector_load %arg10[%get3A_641, %get3A_642] {strides = array<i32>} : memref<256x128xf32, #tpu.memory_space<vmem>>, vector<1x16xf32>,
        %get3A_644 = vector.shape_cast %get3A_643 : vector<1x16xf32> to vector<16xf32>
        %add3A_645 = arith.addf %add3A_638, %get3A_644 : vector<16xf32>
        %swap3A_646 = arith.index_cast %scan3A_473 : i32 to index
        %swap3A_647 = arith.constant 32 : index
        %swap3A_648 = tpu.vector_load %arg12[%swap3A_646, %swap3A_647] {strides = array<i32>} : memref<32x128xf32, #tpu.memory_space<vmem>>, vector<1x16xf32>,
        %swap3A_649 = vector.shape_cast %swap3A_648 : vector<1x16xf32> to vector<16xf32>
        %swap3A_650 = vector.shape_cast %add3A_645 : vector<16xf32> to vector<1x16xf32>
        tpu.vector_store %arg12[%swap3A_646, %swap3A_647], %swap3A_650 {strides = array<i32>} : memref<32x128xf32, #tpu.memory_space<vmem>>, vector<1x16xf32>,
        %get3A_651 = arith.index_cast %mul3A_476 : i32 to index
        %get3A_652 = arith.constant 48 : index
        %get3A_653 = tpu.vector_load %arg10[%get3A_651, %get3A_652] {strides = array<i32>} : memref<256x128xf32, #tpu.memory_space<vmem>>, vector<1x16xf32>,
        %get3A_654 = vector.shape_cast %get3A_653 : vector<1x16xf32> to vector<16xf32>
        %add3A_655 = arith.constant 1 : i32
        %add3A_656 = arith.addi %mul3A_476, %add3A_655 : i32
        %get3A_657 = arith.index_cast %add3A_656 : i32 to index
        %get3A_658 = arith.constant 48 : index
        %get3A_659 = tpu.vector_load %arg10[%get3A_657, %get3A_658] {strides = array<i32>} : memref<256x128xf32, #tpu.memory_space<vmem>>, vector<1x16xf32>,
        %get3A_660 = vector.shape_cast %get3A_659 : vector<1x16xf32> to vector<16xf32>
        %add3A_661 = arith.addf %get3A_654, %get3A_660 : vector<16xf32>
        %add3A_662 = arith.constant 2 : i32
        %add3A_663 = arith.addi %mul3A_476, %add3A_662 : i32
        %get3A_664 = arith.index_cast %add3A_663 : i32 to index
        %get3A_665 = arith.constant 48 : index
        %get3A_666 = tpu.vector_load %arg10[%get3A_664, %get3A_665] {strides = array<i32>} : memref<256x128xf32, #tpu.memory_space<vmem>>, vector<1x16xf32>,
        %get3A_667 = vector.shape_cast %get3A_666 : vector<1x16xf32> to vector<16xf32>
        %add3A_668 = arith.addf %add3A_661, %get3A_667 : vector<16xf32>
        %add3A_669 = arith.constant 3 : i32
        %add3A_670 = arith.addi %mul3A_476, %add3A_669 : i32
        %get3A_671 = arith.index_cast %add3A_670 : i32 to index
        %get3A_672 = arith.constant 48 : index
        %get3A_673 = tpu.vector_load %arg10[%get3A_671, %get3A_672] {strides = array<i32>} : memref<256x128xf32, #tpu.memory_space<vmem>>, vector<1x16xf32>,
        %get3A_674 = vector.shape_cast %get3A_673 : vector<1x16xf32> to vector<16xf32>
        %add3A_675 = arith.addf %add3A_668, %get3A_674 : vector<16xf32>
        %add3A_676 = arith.constant 4 : i32
        %add3A_677 = arith.addi %mul3A_476, %add3A_676 : i32
        %get3A_678 = arith.index_cast %add3A_677 : i32 to index
        %get3A_679 = arith.constant 48 : index
        %get3A_680 = tpu.vector_load %arg10[%get3A_678, %get3A_679] {strides = array<i32>} : memref<256x128xf32, #tpu.memory_space<vmem>>, vector<1x16xf32>,
        %get3A_681 = vector.shape_cast %get3A_680 : vector<1x16xf32> to vector<16xf32>
        %add3A_682 = arith.addf %add3A_675, %get3A_681 : vector<16xf32>
        %add3A_683 = arith.constant 5 : i32
        %add3A_684 = arith.addi %mul3A_476, %add3A_683 : i32
        %get3A_685 = arith.index_cast %add3A_684 : i32 to index
        %get3A_686 = arith.constant 48 : index
        %get3A_687 = tpu.vector_load %arg10[%get3A_685, %get3A_686] {strides = array<i32>} : memref<256x128xf32, #tpu.memory_space<vmem>>, vector<1x16xf32>,
        %get3A_688 = vector.shape_cast %get3A_687 : vector<1x16xf32> to vector<16xf32>
        %add3A_689 = arith.addf %add3A_682, %get3A_688 : vector<16xf32>
        %add3A_690 = arith.constant 6 : i32
        %add3A_691 = arith.addi %mul3A_476, %add3A_690 : i32
        %get3A_692 = arith.index_cast %add3A_691 : i32 to index
        %get3A_693 = arith.constant 48 : index
        %get3A_694 = tpu.vector_load %arg10[%get3A_692, %get3A_693] {strides = array<i32>} : memref<256x128xf32, #tpu.memory_space<vmem>>, vector<1x16xf32>,
        %get3A_695 = vector.shape_cast %get3A_694 : vector<1x16xf32> to vector<16xf32>
        %add3A_696 = arith.addf %add3A_689, %get3A_695 : vector<16xf32>
        %add3A_697 = arith.constant 7 : i32
        %add3A_698 = arith.addi %mul3A_476, %add3A_697 : i32
        %get3A_699 = arith.index_cast %add3A_698 : i32 to index
        %get3A_700 = arith.constant 48 : index
        %get3A_701 = tpu.vector_load %arg10[%get3A_699, %get3A_700] {strides = array<i32>} : memref<256x128xf32, #tpu.memory_space<vmem>>, vector<1x16xf32>,
        %get3A_702 = vector.shape_cast %get3A_701 : vector<1x16xf32> to vector<16xf32>
        %add3A_703 = arith.addf %add3A_696, %get3A_702 : vector<16xf32>
        %swap3A_704 = arith.index_cast %scan3A_473 : i32 to index
        %swap3A_705 = arith.constant 48 : index
        %swap3A_706 = tpu.vector_load %arg12[%swap3A_704, %swap3A_705] {strides = array<i32>} : memref<32x128xf32, #tpu.memory_space<vmem>>, vector<1x16xf32>,
        %swap3A_707 = vector.shape_cast %swap3A_706 : vector<1x16xf32> to vector<16xf32>
        %swap3A_708 = vector.shape_cast %add3A_703 : vector<16xf32> to vector<1x16xf32>
        tpu.vector_store %arg12[%swap3A_704, %swap3A_705], %swap3A_708 {strides = array<i32>} : memref<32x128xf32, #tpu.memory_space<vmem>>, vector<1x16xf32>,
        %get3A_709 = arith.index_cast %mul3A_476 : i32 to index
        %get3A_710 = arith.constant 64 : index
        %get3A_711 = tpu.vector_load %arg10[%get3A_709, %get3A_710] {strides = array<i32>} : memref<256x128xf32, #tpu.memory_space<vmem>>, vector<1x16xf32>,
        %get3A_712 = vector.shape_cast %get3A_711 : vector<1x16xf32> to vector<16xf32>
        %add3A_713 = arith.constant 1 : i32
        %add3A_714 = arith.addi %mul3A_476, %add3A_713 : i32
        %get3A_715 = arith.index_cast %add3A_714 : i32 to index
        %get3A_716 = arith.constant 64 : index
        %get3A_717 = tpu.vector_load %arg10[%get3A_715, %get3A_716] {strides = array<i32>} : memref<256x128xf32, #tpu.memory_space<vmem>>, vector<1x16xf32>,
        %get3A_718 = vector.shape_cast %get3A_717 : vector<1x16xf32> to vector<16xf32>
        %add3A_719 = arith.addf %get3A_712, %get3A_718 : vector<16xf32>
        %add3A_720 = arith.constant 2 : i32
        %add3A_721 = arith.addi %mul3A_476, %add3A_720 : i32
        %get3A_722 = arith.index_cast %add3A_721 : i32 to index
        %get3A_723 = arith.constant 64 : index
        %get3A_724 = tpu.vector_load %arg10[%get3A_722, %get3A_723] {strides = array<i32>} : memref<256x128xf32, #tpu.memory_space<vmem>>, vector<1x16xf32>,
        %get3A_725 = vector.shape_cast %get3A_724 : vector<1x16xf32> to vector<16xf32>
        %add3A_726 = arith.addf %add3A_719, %get3A_725 : vector<16xf32>
        %add3A_727 = arith.constant 3 : i32
        %add3A_728 = arith.addi %mul3A_476, %add3A_727 : i32
        %get3A_729 = arith.index_cast %add3A_728 : i32 to index
        %get3A_730 = arith.constant 64 : index
        %get3A_731 = tpu.vector_load %arg10[%get3A_729, %get3A_730] {strides = array<i32>} : memref<256x128xf32, #tpu.memory_space<vmem>>, vector<1x16xf32>,
        %get3A_732 = vector.shape_cast %get3A_731 : vector<1x16xf32> to vector<16xf32>
        %add3A_733 = arith.addf %add3A_726, %get3A_732 : vector<16xf32>
        %add3A_734 = arith.constant 4 : i32
        %add3A_735 = arith.addi %mul3A_476, %add3A_734 : i32
        %get3A_736 = arith.index_cast %add3A_735 : i32 to index
        %get3A_737 = arith.constant 64 : index
        %get3A_738 = tpu.vector_load %arg10[%get3A_736, %get3A_737] {strides = array<i32>} : memref<256x128xf32, #tpu.memory_space<vmem>>, vector<1x16xf32>,
        %get3A_739 = vector.shape_cast %get3A_738 : vector<1x16xf32> to vector<16xf32>
        %add3A_740 = arith.addf %add3A_733, %get3A_739 : vector<16xf32>
        %add3A_741 = arith.constant 5 : i32
        %add3A_742 = arith.addi %mul3A_476, %add3A_741 : i32
        %get3A_743 = arith.index_cast %add3A_742 : i32 to index
        %get3A_744 = arith.constant 64 : index
        %get3A_745 = tpu.vector_load %arg10[%get3A_743, %get3A_744] {strides = array<i32>} : memref<256x128xf32, #tpu.memory_space<vmem>>, vector<1x16xf32>,
        %get3A_746 = vector.shape_cast %get3A_745 : vector<1x16xf32> to vector<16xf32>
        %add3A_747 = arith.addf %add3A_740, %get3A_746 : vector<16xf32>
        %add3A_748 = arith.constant 6 : i32
        %add3A_749 = arith.addi %mul3A_476, %add3A_748 : i32
        %get3A_750 = arith.index_cast %add3A_749 : i32 to index
        %get3A_751 = arith.constant 64 : index
        %get3A_752 = tpu.vector_load %arg10[%get3A_750, %get3A_751] {strides = array<i32>} : memref<256x128xf32, #tpu.memory_space<vmem>>, vector<1x16xf32>,
        %get3A_753 = vector.shape_cast %get3A_752 : vector<1x16xf32> to vector<16xf32>
        %add3A_754 = arith.addf %add3A_747, %get3A_753 : vector<16xf32>
        %add3A_755 = arith.constant 7 : i32
        %add3A_756 = arith.addi %mul3A_476, %add3A_755 : i32
        %get3A_757 = arith.index_cast %add3A_756 : i32 to index
        %get3A_758 = arith.constant 64 : index
        %get3A_759 = tpu.vector_load %arg10[%get3A_757, %get3A_758] {strides = array<i32>} : memref<256x128xf32, #tpu.memory_space<vmem>>, vector<1x16xf32>,
        %get3A_760 = vector.shape_cast %get3A_759 : vector<1x16xf32> to vector<16xf32>
        %add3A_761 = arith.addf %add3A_754, %get3A_760 : vector<16xf32>
        %swap3A_762 = arith.index_cast %scan3A_473 : i32 to index
        %swap3A_763 = arith.constant 64 : index
        %swap3A_764 = tpu.vector_load %arg12[%swap3A_762, %swap3A_763] {strides = array<i32>} : memref<32x128xf32, #tpu.memory_space<vmem>>, vector<1x16xf32>,
        %swap3A_765 = vector.shape_cast %swap3A_764 : vector<1x16xf32> to vector<16xf32>
        %swap3A_766 = vector.shape_cast %add3A_761 : vector<16xf32> to vector<1x16xf32>
        tpu.vector_store %arg12[%swap3A_762, %swap3A_763], %swap3A_766 {strides = array<i32>} : memref<32x128xf32, #tpu.memory_space<vmem>>, vector<1x16xf32>,
        %get3A_767 = arith.index_cast %mul3A_476 : i32 to index
        %get3A_768 = arith.constant 80 : index
        %get3A_769 = tpu.vector_load %arg10[%get3A_767, %get3A_768] {strides = array<i32>} : memref<256x128xf32, #tpu.memory_space<vmem>>, vector<1x16xf32>,
        %get3A_770 = vector.shape_cast %get3A_769 : vector<1x16xf32> to vector<16xf32>
        %add3A_771 = arith.constant 1 : i32
        %add3A_772 = arith.addi %mul3A_476, %add3A_771 : i32
        %get3A_773 = arith.index_cast %add3A_772 : i32 to index
        %get3A_774 = arith.constant 80 : index
        %get3A_775 = tpu.vector_load %arg10[%get3A_773, %get3A_774] {strides = array<i32>} : memref<256x128xf32, #tpu.memory_space<vmem>>, vector<1x16xf32>,
        %get3A_776 = vector.shape_cast %get3A_775 : vector<1x16xf32> to vector<16xf32>
        %add3A_777 = arith.addf %get3A_770, %get3A_776 : vector<16xf32>
        %add3A_778 = arith.constant 2 : i32
        %add3A_779 = arith.addi %mul3A_476, %add3A_778 : i32
        %get3A_780 = arith.index_cast %add3A_779 : i32 to index
        %get3A_781 = arith.constant 80 : index
        %get3A_782 = tpu.vector_load %arg10[%get3A_780, %get3A_781] {strides = array<i32>} : memref<256x128xf32, #tpu.memory_space<vmem>>, vector<1x16xf32>,
        %get3A_783 = vector.shape_cast %get3A_782 : vector<1x16xf32> to vector<16xf32>
        %add3A_784 = arith.addf %add3A_777, %get3A_783 : vector<16xf32>
        %add3A_785 = arith.constant 3 : i32
        %add3A_786 = arith.addi %mul3A_476, %add3A_785 : i32
        %get3A_787 = arith.index_cast %add3A_786 : i32 to index
        %get3A_788 = arith.constant 80 : index
        %get3A_789 = tpu.vector_load %arg10[%get3A_787, %get3A_788] {strides = array<i32>} : memref<256x128xf32, #tpu.memory_space<vmem>>, vector<1x16xf32>,
        %get3A_790 = vector.shape_cast %get3A_789 : vector<1x16xf32> to vector<16xf32>
        %add3A_791 = arith.addf %add3A_784, %get3A_790 : vector<16xf32>
        %add3A_792 = arith.constant 4 : i32
        %add3A_793 = arith.addi %mul3A_476, %add3A_792 : i32
        %get3A_794 = arith.index_cast %add3A_793 : i32 to index
        %get3A_795 = arith.constant 80 : index
        %get3A_796 = tpu.vector_load %arg10[%get3A_794, %get3A_795] {strides = array<i32>} : memref<256x128xf32, #tpu.memory_space<vmem>>, vector<1x16xf32>,
        %get3A_797 = vector.shape_cast %get3A_796 : vector<1x16xf32> to vector<16xf32>
        %add3A_798 = arith.addf %add3A_791, %get3A_797 : vector<16xf32>
        %add3A_799 = arith.constant 5 : i32
        %add3A_800 = arith.addi %mul3A_476, %add3A_799 : i32
        %get3A_801 = arith.index_cast %add3A_800 : i32 to index
        %get3A_802 = arith.constant 80 : index
        %get3A_803 = tpu.vector_load %arg10[%get3A_801, %get3A_802] {strides = array<i32>} : memref<256x128xf32, #tpu.memory_space<vmem>>, vector<1x16xf32>,
        %get3A_804 = vector.shape_cast %get3A_803 : vector<1x16xf32> to vector<16xf32>
        %add3A_805 = arith.addf %add3A_798, %get3A_804 : vector<16xf32>
        %add3A_806 = arith.constant 6 : i32
        %add3A_807 = arith.addi %mul3A_476, %add3A_806 : i32
        %get3A_808 = arith.index_cast %add3A_807 : i32 to index
        %get3A_809 = arith.constant 80 : index
        %get3A_810 = tpu.vector_load %arg10[%get3A_808, %get3A_809] {strides = array<i32>} : memref<256x128xf32, #tpu.memory_space<vmem>>, vector<1x16xf32>,
        %get3A_811 = vector.shape_cast %get3A_810 : vector<1x16xf32> to vector<16xf32>
        %add3A_812 = arith.addf %add3A_805, %get3A_811 : vector<16xf32>
        %add3A_813 = arith.constant 7 : i32
        %add3A_814 = arith.addi %mul3A_476, %add3A_813 : i32
        %get3A_815 = arith.index_cast %add3A_814 : i32 to index
        %get3A_816 = arith.constant 80 : index
        %get3A_817 = tpu.vector_load %arg10[%get3A_815, %get3A_816] {strides = array<i32>} : memref<256x128xf32, #tpu.memory_space<vmem>>, vector<1x16xf32>,
        %get3A_818 = vector.shape_cast %get3A_817 : vector<1x16xf32> to vector<16xf32>
        %add3A_819 = arith.addf %add3A_812, %get3A_818 : vector<16xf32>
        %swap3A_820 = arith.index_cast %scan3A_473 : i32 to index
        %swap3A_821 = arith.constant 80 : index
        %swap3A_822 = tpu.vector_load %arg12[%swap3A_820, %swap3A_821] {strides = array<i32>} : memref<32x128xf32, #tpu.memory_space<vmem>>, vector<1x16xf32>,
        %swap3A_823 = vector.shape_cast %swap3A_822 : vector<1x16xf32> to vector<16xf32>
        %swap3A_824 = vector.shape_cast %add3A_819 : vector<16xf32> to vector<1x16xf32>
        tpu.vector_store %arg12[%swap3A_820, %swap3A_821], %swap3A_824 {strides = array<i32>} : memref<32x128xf32, #tpu.memory_space<vmem>>, vector<1x16xf32>,
        %get3A_825 = arith.index_cast %mul3A_476 : i32 to index
        %get3A_826 = arith.constant 96 : index
        %get3A_827 = tpu.vector_load %arg10[%get3A_825, %get3A_826] {strides = array<i32>} : memref<256x128xf32, #tpu.memory_space<vmem>>, vector<1x16xf32>,
        %get3A_828 = vector.shape_cast %get3A_827 : vector<1x16xf32> to vector<16xf32>
        %add3A_829 = arith.constant 1 : i32
        %add3A_830 = arith.addi %mul3A_476, %add3A_829 : i32
        %get3A_831 = arith.index_cast %add3A_830 : i32 to index
        %get3A_832 = arith.constant 96 : index
        %get3A_833 = tpu.vector_load %arg10[%get3A_831, %get3A_832] {strides = array<i32>} : memref<256x128xf32, #tpu.memory_space<vmem>>, vector<1x16xf32>,
        %get3A_834 = vector.shape_cast %get3A_833 : vector<1x16xf32> to vector<16xf32>
        %add3A_835 = arith.addf %get3A_828, %get3A_834 : vector<16xf32>
        %add3A_836 = arith.constant 2 : i32
        %add3A_837 = arith.addi %mul3A_476, %add3A_836 : i32
        %get3A_838 = arith.index_cast %add3A_837 : i32 to index
        %get3A_839 = arith.constant 96 : index
        %get3A_840 = tpu.vector_load %arg10[%get3A_838, %get3A_839] {strides = array<i32>} : memref<256x128xf32, #tpu.memory_space<vmem>>, vector<1x16xf32>,
        %get3A_841 = vector.shape_cast %get3A_840 : vector<1x16xf32> to vector<16xf32>
        %add3A_842 = arith.addf %add3A_835, %get3A_841 : vector<16xf32>
        %add3A_843 = arith.constant 3 : i32
        %add3A_844 = arith.addi %mul3A_476, %add3A_843 : i32
        %get3A_845 = arith.index_cast %add3A_844 : i32 to index
        %get3A_846 = arith.constant 96 : index
        %get3A_847 = tpu.vector_load %arg10[%get3A_845, %get3A_846] {strides = array<i32>} : memref<256x128xf32, #tpu.memory_space<vmem>>, vector<1x16xf32>,
        %get3A_848 = vector.shape_cast %get3A_847 : vector<1x16xf32> to vector<16xf32>
        %add3A_849 = arith.addf %add3A_842, %get3A_848 : vector<16xf32>
        %add3A_850 = arith.constant 4 : i32
        %add3A_851 = arith.addi %mul3A_476, %add3A_850 : i32
        %get3A_852 = arith.index_cast %add3A_851 : i32 to index
        %get3A_853 = arith.constant 96 : index
        %get3A_854 = tpu.vector_load %arg10[%get3A_852, %get3A_853] {strides = array<i32>} : memref<256x128xf32, #tpu.memory_space<vmem>>, vector<1x16xf32>,
        %get3A_855 = vector.shape_cast %get3A_854 : vector<1x16xf32> to vector<16xf32>
        %add3A_856 = arith.addf %add3A_849, %get3A_855 : vector<16xf32>
        %add3A_857 = arith.constant 5 : i32
        %add3A_858 = arith.addi %mul3A_476, %add3A_857 : i32
        %get3A_859 = arith.index_cast %add3A_858 : i32 to index
        %get3A_860 = arith.constant 96 : index
        %get3A_861 = tpu.vector_load %arg10[%get3A_859, %get3A_860] {strides = array<i32>} : memref<256x128xf32, #tpu.memory_space<vmem>>, vector<1x16xf32>,
        %get3A_862 = vector.shape_cast %get3A_861 : vector<1x16xf32> to vector<16xf32>
        %add3A_863 = arith.addf %add3A_856, %get3A_862 : vector<16xf32>
        %add3A_864 = arith.constant 6 : i32
        %add3A_865 = arith.addi %mul3A_476, %add3A_864 : i32
        %get3A_866 = arith.index_cast %add3A_865 : i32 to index
        %get3A_867 = arith.constant 96 : index
        %get3A_868 = tpu.vector_load %arg10[%get3A_866, %get3A_867] {strides = array<i32>} : memref<256x128xf32, #tpu.memory_space<vmem>>, vector<1x16xf32>,
        %get3A_869 = vector.shape_cast %get3A_868 : vector<1x16xf32> to vector<16xf32>
        %add3A_870 = arith.addf %add3A_863, %get3A_869 : vector<16xf32>
        %add3A_871 = arith.constant 7 : i32
        %add3A_872 = arith.addi %mul3A_476, %add3A_871 : i32
        %get3A_873 = arith.index_cast %add3A_872 : i32 to index
        %get3A_874 = arith.constant 96 : index
        %get3A_875 = tpu.vector_load %arg10[%get3A_873, %get3A_874] {strides = array<i32>} : memref<256x128xf32, #tpu.memory_space<vmem>>, vector<1x16xf32>,
        %get3A_876 = vector.shape_cast %get3A_875 : vector<1x16xf32> to vector<16xf32>
        %add3A_877 = arith.addf %add3A_870, %get3A_876 : vector<16xf32>
        %swap3A_878 = arith.index_cast %scan3A_473 : i32 to index
        %swap3A_879 = arith.constant 96 : index
        %swap3A_880 = tpu.vector_load %arg12[%swap3A_878, %swap3A_879] {strides = array<i32>} : memref<32x128xf32, #tpu.memory_space<vmem>>, vector<1x16xf32>,
        %swap3A_881 = vector.shape_cast %swap3A_880 : vector<1x16xf32> to vector<16xf32>
        %swap3A_882 = vector.shape_cast %add3A_877 : vector<16xf32> to vector<1x16xf32>
        tpu.vector_store %arg12[%swap3A_878, %swap3A_879], %swap3A_882 {strides = array<i32>} : memref<32x128xf32, #tpu.memory_space<vmem>>, vector<1x16xf32>,
        %get3A_883 = arith.index_cast %mul3A_476 : i32 to index
        %get3A_884 = arith.constant 112 : index
        %get3A_885 = tpu.vector_load %arg10[%get3A_883, %get3A_884] {strides = array<i32>} : memref<256x128xf32, #tpu.memory_space<vmem>>, vector<1x16xf32>,
        %get3A_886 = vector.shape_cast %get3A_885 : vector<1x16xf32> to vector<16xf32>
        %add3A_887 = arith.constant 1 : i32
        %add3A_888 = arith.addi %mul3A_476, %add3A_887 : i32
        %get3A_889 = arith.index_cast %add3A_888 : i32 to index
        %get3A_890 = arith.constant 112 : index
        %get3A_891 = tpu.vector_load %arg10[%get3A_889, %get3A_890] {strides = array<i32>} : memref<256x128xf32, #tpu.memory_space<vmem>>, vector<1x16xf32>,
        %get3A_892 = vector.shape_cast %get3A_891 : vector<1x16xf32> to vector<16xf32>
        %add3A_893 = arith.addf %get3A_886, %get3A_892 : vector<16xf32>
        %add3A_894 = arith.constant 2 : i32
        %add3A_895 = arith.addi %mul3A_476, %add3A_894 : i32
        %get3A_896 = arith.index_cast %add3A_895 : i32 to index
        %get3A_897 = arith.constant 112 : index
        %get3A_898 = tpu.vector_load %arg10[%get3A_896, %get3A_897] {strides = array<i32>} : memref<256x128xf32, #tpu.memory_space<vmem>>, vector<1x16xf32>,
        %get3A_899 = vector.shape_cast %get3A_898 : vector<1x16xf32> to vector<16xf32>
        %add3A_900 = arith.addf %add3A_893, %get3A_899 : vector<16xf32>
        %add3A_901 = arith.constant 3 : i32
        %add3A_902 = arith.addi %mul3A_476, %add3A_901 : i32
        %get3A_903 = arith.index_cast %add3A_902 : i32 to index
        %get3A_904 = arith.constant 112 : index
        %get3A_905 = tpu.vector_load %arg10[%get3A_903, %get3A_904] {strides = array<i32>} : memref<256x128xf32, #tpu.memory_space<vmem>>, vector<1x16xf32>,
        %get3A_906 = vector.shape_cast %get3A_905 : vector<1x16xf32> to vector<16xf32>
        %add3A_907 = arith.addf %add3A_900, %get3A_906 : vector<16xf32>
        %add3A_908 = arith.constant 4 : i32
        %add3A_909 = arith.addi %mul3A_476, %add3A_908 : i32
        %get3A_910 = arith.index_cast %add3A_909 : i32 to index
        %get3A_911 = arith.constant 112 : index
        %get3A_912 = tpu.vector_load %arg10[%get3A_910, %get3A_911] {strides = array<i32>} : memref<256x128xf32, #tpu.memory_space<vmem>>, vector<1x16xf32>,
        %get3A_913 = vector.shape_cast %get3A_912 : vector<1x16xf32> to vector<16xf32>
        %add3A_914 = arith.addf %add3A_907, %get3A_913 : vector<16xf32>
        %add3A_915 = arith.constant 5 : i32
        %add3A_916 = arith.addi %mul3A_476, %add3A_915 : i32
        %get3A_917 = arith.index_cast %add3A_916 : i32 to index
        %get3A_918 = arith.constant 112 : index
        %get3A_919 = tpu.vector_load %arg10[%get3A_917, %get3A_918] {strides = array<i32>} : memref<256x128xf32, #tpu.memory_space<vmem>>, vector<1x16xf32>,
        %get3A_920 = vector.shape_cast %get3A_919 : vector<1x16xf32> to vector<16xf32>
        %add3A_921 = arith.addf %add3A_914, %get3A_920 : vector<16xf32>
        %add3A_922 = arith.constant 6 : i32
        %add3A_923 = arith.addi %mul3A_476, %add3A_922 : i32
        %get3A_924 = arith.index_cast %add3A_923 : i32 to index
        %get3A_925 = arith.constant 112 : index
        %get3A_926 = tpu.vector_load %arg10[%get3A_924, %get3A_925] {strides = array<i32>} : memref<256x128xf32, #tpu.memory_space<vmem>>, vector<1x16xf32>,
        %get3A_927 = vector.shape_cast %get3A_926 : vector<1x16xf32> to vector<16xf32>
        %add3A_928 = arith.addf %add3A_921, %get3A_927 : vector<16xf32>
        %add3A_929 = arith.constant 7 : i32
        %add3A_930 = arith.addi %mul3A_476, %add3A_929 : i32
        %get3A_931 = arith.index_cast %add3A_930 : i32 to index
        %get3A_932 = arith.constant 112 : index
        %get3A_933 = tpu.vector_load %arg10[%get3A_931, %get3A_932] {strides = array<i32>} : memref<256x128xf32, #tpu.memory_space<vmem>>, vector<1x16xf32>,
        %get3A_934 = vector.shape_cast %get3A_933 : vector<1x16xf32> to vector<16xf32>
        %add3A_935 = arith.addf %add3A_928, %get3A_934 : vector<16xf32>
        %swap3A_936 = arith.index_cast %scan3A_473 : i32 to index
        %swap3A_937 = arith.constant 112 : index
        %swap3A_938 = tpu.vector_load %arg12[%swap3A_936, %swap3A_937] {strides = array<i32>} : memref<32x128xf32, #tpu.memory_space<vmem>>, vector<1x16xf32>,
        %swap3A_939 = vector.shape_cast %swap3A_938 : vector<1x16xf32> to vector<16xf32>
        %swap3A_940 = vector.shape_cast %add3A_935 : vector<16xf32> to vector<1x16xf32>
        tpu.vector_store %arg12[%swap3A_936, %swap3A_937], %swap3A_940 {strides = array<i32>} : memref<32x128xf32, #tpu.memory_space<vmem>>, vector<1x16xf32>,
        %scan3A_941 = arith.constant 0 : i32
        scf.yield %scan3A_941 : i32
      }
      %scan3A_452 = arith.constant 32 : i32
      %ge3A_453 = arith.constant 2 : i32
      %ge3A_454 = arith.cmpi sge, %add3A_439, %ge3A_453 : i32
      %convert_element_type3A_455 = arith.extui %ge3A_454 : i1 to i32
      %cond3A_456 = arith.constant 0 : i32
      %cond3A_457 = arith.cmpi ne, %convert_element_type3A_455, %cond3A_456 : i32
      scf.if %cond3A_457 {
        %dma_wait3A_473 = arith.constant 0 : i32
        %dma_wait3A_474 = arith.constant 0 : i32
        %dma_wait3A_475 = tpu.memref_slice %arg4[%dma_wait3A_473, %dma_wait3A_474] : memref<131072x128xf32, #tpu.memory_space<hbm>> -> memref<32x128xf32, #tpu.memory_space<hbm>>
        %dma_wait3A_476 = arith.constant 0 : i32
        %dma_wait3A_477 = arith.constant 0 : i32
        %dma_wait3A_478 = tpu.memref_slice %arg4[%dma_wait3A_476, %dma_wait3A_477] : memref<131072x128xf32, #tpu.memory_space<hbm>> -> memref<32x128xf32, #tpu.memory_space<hbm>>
        tpu.wait_dma2 semaphore(%arg16 : memref<!tpu.dma_semaphore, #tpu.memory_space<semaphore_mem>>) src(%arg12 : memref<32x128xf32, #tpu.memory_space<vmem>>) dst(%dma_wait3A_478 : memref<32x128xf32, #tpu.memory_space<hbm>>)
      } else {
      }
      %mul3A_458 = arith.constant 32 : i32
      %mul3A_459 = arith.muli %add3A_439, %mul3A_458 : i32
      %add3A_460 = arith.addi %mul3A_2, %mul3A_459 : i32
      %dma_start3A_461 = arith.constant 0 : i32
      %dma_start3A_462 = tpu.memref_slice %arg4[%add3A_460, %dma_start3A_461] : memref<131072x128xf32, #tpu.memory_space<hbm>> -> memref<32x128xf32, #tpu.memory_space<hbm>>
      %dma_start3A_463 = arith.constant 0 : i32
      %dma_start3A_464 = tpu.memref_slice %arg4[%add3A_460, %dma_start3A_463] : memref<131072x128xf32, #tpu.memory_space<hbm>> -> memref<32x128xf32, #tpu.memory_space<hbm>>
      tpu.enqueue_dma source(%arg12 : memref<32x128xf32, #tpu.memory_space<vmem>>) target(%dma_start3A_464 : memref<32x128xf32, #tpu.memory_space<hbm>>) target_semaphore(%arg16 : memref<!tpu.dma_semaphore, #tpu.memory_space<semaphore_mem>>)
      %add3A_465 = arith.constant 2 : i32
      %add3A_466 = arith.addi %add3A_439, %add3A_465 : i32
      %lt3A_467 = arith.constant 128 : i32
      %lt3A_468 = arith.cmpi slt, %add3A_466, %lt3A_467 : i32
      %convert_element_type3A_469 = arith.extui %lt3A_468 : i1 to i32
      %cond3A_470 = arith.constant 0 : i32
      %cond3A_471 = arith.cmpi ne, %convert_element_type3A_469, %cond3A_470 : i32
      scf.if %cond3A_471 {
        %add3A_473 = arith.constant 2 : i32
        %add3A_474 = arith.addi %add3A_439, %add3A_473 : i32
        %mul3A_475 = arith.constant 32 : i32
        %mul3A_476 = arith.muli %add3A_474, %mul3A_475 : i32
        %add3A_477 = arith.addi %mul3A_2, %mul3A_476 : i32
        %mul3A_478 = arith.constant 8 : i32
        %mul3A_479 = arith.muli %add3A_477, %mul3A_478 : i32
        "tpu.region"() ({
          %run_scoped3A = tpu.sem_alloc : memref<!tpu.dma_semaphore, #tpu.memory_space<semaphore_mem>>
          %dma_start3A_660 = tpu.memref_slice %arg3[%mul3A_479] : memref<1048576xi32, #tpu.memory_space<hbm>> -> memref<256xi32, #tpu.memory_space<hbm>>
          %dma_start3A_661 = tpu.memref_slice %arg3[%mul3A_479] : memref<1048576xi32, #tpu.memory_space<hbm>> -> memref<256xi32, #tpu.memory_space<hbm>>
          tpu.enqueue_dma source(%dma_start3A_661 : memref<256xi32, #tpu.memory_space<hbm>>) target(%arg6 : memref<256xi32, #tpu.memory_space<vmem>>) target_semaphore(%run_scoped3A : memref<!tpu.dma_semaphore, #tpu.memory_space<semaphore_mem>>)
          %dma_wait3A_662 = tpu.memref_slice %arg3[%mul3A_479] : memref<1048576xi32, #tpu.memory_space<hbm>> -> memref<256xi32, #tpu.memory_space<hbm>>
          %dma_wait3A_663 = tpu.memref_slice %arg3[%mul3A_479] : memref<1048576xi32, #tpu.memory_space<hbm>> -> memref<256xi32, #tpu.memory_space<hbm>>
          tpu.wait_dma2 semaphore(%run_scoped3A : memref<!tpu.dma_semaphore, #tpu.memory_space<semaphore_mem>>) src(%dma_wait3A_663 : memref<256xi32, #tpu.memory_space<hbm>>) dst(%arg6 : memref<256xi32, #tpu.memory_space<vmem>>)
          tpu.yield
        }) : () -> ()
        %get3A_480 = arith.constant 0 : index
        %get3A_481 = tpu.vector_load %arg6[%get3A_480] {strides = array<i32>} : memref<256xi32, #tpu.memory_space<vmem>>, vector<16xi32>,
        %get3A_482 = vector.shape_cast %get3A_481 : vector<16xi32> to vector<16xi32>
        %add3A_483 = arith.addi %get3A_482, %mul3A_20 : vector<16xi32>
        %swap3A_484 = arith.constant 0 : i32
        %swap3A_485 = arith.index_cast %swap3A_484 : i32 to index
        %swap3A_486 = arith.constant 0 : index
        %swap3A_487 = tpu.vector_load %arg8[%swap3A_485, %swap3A_486] {strides = array<i32>} : memref<2x128xi32, #tpu.memory_space<vmem>>, vector<1x16xi32>,
        %swap3A_488 = vector.shape_cast %swap3A_487 : vector<1x16xi32> to vector<16xi32>
        %swap3A_489 = vector.shape_cast %add3A_483 : vector<16xi32> to vector<1x16xi32>
        tpu.vector_store %arg8[%swap3A_485, %swap3A_486], %swap3A_489 {strides = array<i32>} : memref<2x128xi32, #tpu.memory_space<vmem>>, vector<1x16xi32>,
        %get3A_490 = arith.constant 16 : index
        %get3A_491 = tpu.vector_load %arg6[%get3A_490] {strides = array<i32>} : memref<256xi32, #tpu.memory_space<vmem>>, vector<16xi32>,
        %get3A_492 = vector.shape_cast %get3A_491 : vector<16xi32> to vector<16xi32>
        %add3A_493 = arith.addi %get3A_492, %mul3A_20 : vector<16xi32>
        %swap3A_494 = arith.constant 0 : i32
        %swap3A_495 = arith.index_cast %swap3A_494 : i32 to index
        %swap3A_496 = arith.constant 16 : index
        %swap3A_497 = tpu.vector_load %arg8[%swap3A_495, %swap3A_496] {strides = array<i32>} : memref<2x128xi32, #tpu.memory_space<vmem>>, vector<1x16xi32>,
        %swap3A_498 = vector.shape_cast %swap3A_497 : vector<1x16xi32> to vector<16xi32>
        %swap3A_499 = vector.shape_cast %add3A_493 : vector<16xi32> to vector<1x16xi32>
        tpu.vector_store %arg8[%swap3A_495, %swap3A_496], %swap3A_499 {strides = array<i32>} : memref<2x128xi32, #tpu.memory_space<vmem>>, vector<1x16xi32>,
        %get3A_500 = arith.constant 32 : index
        %get3A_501 = tpu.vector_load %arg6[%get3A_500] {strides = array<i32>} : memref<256xi32, #tpu.memory_space<vmem>>, vector<16xi32>,
        %get3A_502 = vector.shape_cast %get3A_501 : vector<16xi32> to vector<16xi32>
        %add3A_503 = arith.addi %get3A_502, %mul3A_20 : vector<16xi32>
        %swap3A_504 = arith.constant 0 : i32
        %swap3A_505 = arith.index_cast %swap3A_504 : i32 to index
        %swap3A_506 = arith.constant 32 : index
        %swap3A_507 = tpu.vector_load %arg8[%swap3A_505, %swap3A_506] {strides = array<i32>} : memref<2x128xi32, #tpu.memory_space<vmem>>, vector<1x16xi32>,
        %swap3A_508 = vector.shape_cast %swap3A_507 : vector<1x16xi32> to vector<16xi32>
        %swap3A_509 = vector.shape_cast %add3A_503 : vector<16xi32> to vector<1x16xi32>
        tpu.vector_store %arg8[%swap3A_505, %swap3A_506], %swap3A_509 {strides = array<i32>} : memref<2x128xi32, #tpu.memory_space<vmem>>, vector<1x16xi32>,
        %get3A_510 = arith.constant 48 : index
        %get3A_511 = tpu.vector_load %arg6[%get3A_510] {strides = array<i32>} : memref<256xi32, #tpu.memory_space<vmem>>, vector<16xi32>,
        %get3A_512 = vector.shape_cast %get3A_511 : vector<16xi32> to vector<16xi32>
        %add3A_513 = arith.addi %get3A_512, %mul3A_20 : vector<16xi32>
        %swap3A_514 = arith.constant 0 : i32
        %swap3A_515 = arith.index_cast %swap3A_514 : i32 to index
        %swap3A_516 = arith.constant 48 : index
        %swap3A_517 = tpu.vector_load %arg8[%swap3A_515, %swap3A_516] {strides = array<i32>} : memref<2x128xi32, #tpu.memory_space<vmem>>, vector<1x16xi32>,
        %swap3A_518 = vector.shape_cast %swap3A_517 : vector<1x16xi32> to vector<16xi32>
        %swap3A_519 = vector.shape_cast %add3A_513 : vector<16xi32> to vector<1x16xi32>
        tpu.vector_store %arg8[%swap3A_515, %swap3A_516], %swap3A_519 {strides = array<i32>} : memref<2x128xi32, #tpu.memory_space<vmem>>, vector<1x16xi32>,
        %get3A_520 = arith.constant 64 : index
        %get3A_521 = tpu.vector_load %arg6[%get3A_520] {strides = array<i32>} : memref<256xi32, #tpu.memory_space<vmem>>, vector<16xi32>,
        %get3A_522 = vector.shape_cast %get3A_521 : vector<16xi32> to vector<16xi32>
        %add3A_523 = arith.addi %get3A_522, %mul3A_20 : vector<16xi32>
        %swap3A_524 = arith.constant 0 : i32
        %swap3A_525 = arith.index_cast %swap3A_524 : i32 to index
        %swap3A_526 = arith.constant 64 : index
        %swap3A_527 = tpu.vector_load %arg8[%swap3A_525, %swap3A_526] {strides = array<i32>} : memref<2x128xi32, #tpu.memory_space<vmem>>, vector<1x16xi32>,
        %swap3A_528 = vector.shape_cast %swap3A_527 : vector<1x16xi32> to vector<16xi32>
        %swap3A_529 = vector.shape_cast %add3A_523 : vector<16xi32> to vector<1x16xi32>
        tpu.vector_store %arg8[%swap3A_525, %swap3A_526], %swap3A_529 {strides = array<i32>} : memref<2x128xi32, #tpu.memory_space<vmem>>, vector<1x16xi32>,
        %get3A_530 = arith.constant 80 : index
        %get3A_531 = tpu.vector_load %arg6[%get3A_530] {strides = array<i32>} : memref<256xi32, #tpu.memory_space<vmem>>, vector<16xi32>,
        %get3A_532 = vector.shape_cast %get3A_531 : vector<16xi32> to vector<16xi32>
        %add3A_533 = arith.addi %get3A_532, %mul3A_20 : vector<16xi32>
        %swap3A_534 = arith.constant 0 : i32
        %swap3A_535 = arith.index_cast %swap3A_534 : i32 to index
        %swap3A_536 = arith.constant 80 : index
        %swap3A_537 = tpu.vector_load %arg8[%swap3A_535, %swap3A_536] {strides = array<i32>} : memref<2x128xi32, #tpu.memory_space<vmem>>, vector<1x16xi32>,
        %swap3A_538 = vector.shape_cast %swap3A_537 : vector<1x16xi32> to vector<16xi32>
        %swap3A_539 = vector.shape_cast %add3A_533 : vector<16xi32> to vector<1x16xi32>
        tpu.vector_store %arg8[%swap3A_535, %swap3A_536], %swap3A_539 {strides = array<i32>} : memref<2x128xi32, #tpu.memory_space<vmem>>, vector<1x16xi32>,
        %get3A_540 = arith.constant 96 : index
        %get3A_541 = tpu.vector_load %arg6[%get3A_540] {strides = array<i32>} : memref<256xi32, #tpu.memory_space<vmem>>, vector<16xi32>,
        %get3A_542 = vector.shape_cast %get3A_541 : vector<16xi32> to vector<16xi32>
        %add3A_543 = arith.addi %get3A_542, %mul3A_20 : vector<16xi32>
        %swap3A_544 = arith.constant 0 : i32
        %swap3A_545 = arith.index_cast %swap3A_544 : i32 to index
        %swap3A_546 = arith.constant 96 : index
        %swap3A_547 = tpu.vector_load %arg8[%swap3A_545, %swap3A_546] {strides = array<i32>} : memref<2x128xi32, #tpu.memory_space<vmem>>, vector<1x16xi32>,
        %swap3A_548 = vector.shape_cast %swap3A_547 : vector<1x16xi32> to vector<16xi32>
        %swap3A_549 = vector.shape_cast %add3A_543 : vector<16xi32> to vector<1x16xi32>
        tpu.vector_store %arg8[%swap3A_545, %swap3A_546], %swap3A_549 {strides = array<i32>} : memref<2x128xi32, #tpu.memory_space<vmem>>, vector<1x16xi32>,
        %get3A_550 = arith.constant 112 : index
        %get3A_551 = tpu.vector_load %arg6[%get3A_550] {strides = array<i32>} : memref<256xi32, #tpu.memory_space<vmem>>, vector<16xi32>,
        %get3A_552 = vector.shape_cast %get3A_551 : vector<16xi32> to vector<16xi32>
        %add3A_553 = arith.addi %get3A_552, %mul3A_20 : vector<16xi32>
        %swap3A_554 = arith.constant 0 : i32
        %swap3A_555 = arith.index_cast %swap3A_554 : i32 to index
        %swap3A_556 = arith.constant 112 : index
        %swap3A_557 = tpu.vector_load %arg8[%swap3A_555, %swap3A_556] {strides = array<i32>} : memref<2x128xi32, #tpu.memory_space<vmem>>, vector<1x16xi32>,
        %swap3A_558 = vector.shape_cast %swap3A_557 : vector<1x16xi32> to vector<16xi32>
        %swap3A_559 = vector.shape_cast %add3A_553 : vector<16xi32> to vector<1x16xi32>
        tpu.vector_store %arg8[%swap3A_555, %swap3A_556], %swap3A_559 {strides = array<i32>} : memref<2x128xi32, #tpu.memory_space<vmem>>, vector<1x16xi32>,
        %get3A_560 = arith.constant 128 : index
        %get3A_561 = tpu.vector_load %arg6[%get3A_560] {strides = array<i32>} : memref<256xi32, #tpu.memory_space<vmem>>, vector<16xi32>,
        %get3A_562 = vector.shape_cast %get3A_561 : vector<16xi32> to vector<16xi32>
        %add3A_563 = arith.addi %get3A_562, %mul3A_20 : vector<16xi32>
        %swap3A_564 = arith.constant 1 : i32
        %swap3A_565 = arith.index_cast %swap3A_564 : i32 to index
        %swap3A_566 = arith.constant 0 : index
        %swap3A_567 = tpu.vector_load %arg8[%swap3A_565, %swap3A_566] {strides = array<i32>} : memref<2x128xi32, #tpu.memory_space<vmem>>, vector<1x16xi32>,
        %swap3A_568 = vector.shape_cast %swap3A_567 : vector<1x16xi32> to vector<16xi32>
        %swap3A_569 = vector.shape_cast %add3A_563 : vector<16xi32> to vector<1x16xi32>
        tpu.vector_store %arg8[%swap3A_565, %swap3A_566], %swap3A_569 {strides = array<i32>} : memref<2x128xi32, #tpu.memory_space<vmem>>, vector<1x16xi32>,
        %get3A_570 = arith.constant 144 : index
        %get3A_571 = tpu.vector_load %arg6[%get3A_570] {strides = array<i32>} : memref<256xi32, #tpu.memory_space<vmem>>, vector<16xi32>,
        %get3A_572 = vector.shape_cast %get3A_571 : vector<16xi32> to vector<16xi32>
        %add3A_573 = arith.addi %get3A_572, %mul3A_20 : vector<16xi32>
        %swap3A_574 = arith.constant 1 : i32
        %swap3A_575 = arith.index_cast %swap3A_574 : i32 to index
        %swap3A_576 = arith.constant 16 : index
        %swap3A_577 = tpu.vector_load %arg8[%swap3A_575, %swap3A_576] {strides = array<i32>} : memref<2x128xi32, #tpu.memory_space<vmem>>, vector<1x16xi32>,
        %swap3A_578 = vector.shape_cast %swap3A_577 : vector<1x16xi32> to vector<16xi32>
        %swap3A_579 = vector.shape_cast %add3A_573 : vector<16xi32> to vector<1x16xi32>
        tpu.vector_store %arg8[%swap3A_575, %swap3A_576], %swap3A_579 {strides = array<i32>} : memref<2x128xi32, #tpu.memory_space<vmem>>, vector<1x16xi32>,
        %get3A_580 = arith.constant 160 : index
        %get3A_581 = tpu.vector_load %arg6[%get3A_580] {strides = array<i32>} : memref<256xi32, #tpu.memory_space<vmem>>, vector<16xi32>,
        %get3A_582 = vector.shape_cast %get3A_581 : vector<16xi32> to vector<16xi32>
        %add3A_583 = arith.addi %get3A_582, %mul3A_20 : vector<16xi32>
        %swap3A_584 = arith.constant 1 : i32
        %swap3A_585 = arith.index_cast %swap3A_584 : i32 to index
        %swap3A_586 = arith.constant 32 : index
        %swap3A_587 = tpu.vector_load %arg8[%swap3A_585, %swap3A_586] {strides = array<i32>} : memref<2x128xi32, #tpu.memory_space<vmem>>, vector<1x16xi32>,
        %swap3A_588 = vector.shape_cast %swap3A_587 : vector<1x16xi32> to vector<16xi32>
        %swap3A_589 = vector.shape_cast %add3A_583 : vector<16xi32> to vector<1x16xi32>
        tpu.vector_store %arg8[%swap3A_585, %swap3A_586], %swap3A_589 {strides = array<i32>} : memref<2x128xi32, #tpu.memory_space<vmem>>, vector<1x16xi32>,
        %get3A_590 = arith.constant 176 : index
        %get3A_591 = tpu.vector_load %arg6[%get3A_590] {strides = array<i32>} : memref<256xi32, #tpu.memory_space<vmem>>, vector<16xi32>,
        %get3A_592 = vector.shape_cast %get3A_591 : vector<16xi32> to vector<16xi32>
        %add3A_593 = arith.addi %get3A_592, %mul3A_20 : vector<16xi32>
        %swap3A_594 = arith.constant 1 : i32
        %swap3A_595 = arith.index_cast %swap3A_594 : i32 to index
        %swap3A_596 = arith.constant 48 : index
        %swap3A_597 = tpu.vector_load %arg8[%swap3A_595, %swap3A_596] {strides = array<i32>} : memref<2x128xi32, #tpu.memory_space<vmem>>, vector<1x16xi32>,
        %swap3A_598 = vector.shape_cast %swap3A_597 : vector<1x16xi32> to vector<16xi32>
        %swap3A_599 = vector.shape_cast %add3A_593 : vector<16xi32> to vector<1x16xi32>
        tpu.vector_store %arg8[%swap3A_595, %swap3A_596], %swap3A_599 {strides = array<i32>} : memref<2x128xi32, #tpu.memory_space<vmem>>, vector<1x16xi32>,
        %get3A_600 = arith.constant 192 : index
        %get3A_601 = tpu.vector_load %arg6[%get3A_600] {strides = array<i32>} : memref<256xi32, #tpu.memory_space<vmem>>, vector<16xi32>,
        %get3A_602 = vector.shape_cast %get3A_601 : vector<16xi32> to vector<16xi32>
        %add3A_603 = arith.addi %get3A_602, %mul3A_20 : vector<16xi32>
        %swap3A_604 = arith.constant 1 : i32
        %swap3A_605 = arith.index_cast %swap3A_604 : i32 to index
        %swap3A_606 = arith.constant 64 : index
        %swap3A_607 = tpu.vector_load %arg8[%swap3A_605, %swap3A_606] {strides = array<i32>} : memref<2x128xi32, #tpu.memory_space<vmem>>, vector<1x16xi32>,
        %swap3A_608 = vector.shape_cast %swap3A_607 : vector<1x16xi32> to vector<16xi32>
        %swap3A_609 = vector.shape_cast %add3A_603 : vector<16xi32> to vector<1x16xi32>
        tpu.vector_store %arg8[%swap3A_605, %swap3A_606], %swap3A_609 {strides = array<i32>} : memref<2x128xi32, #tpu.memory_space<vmem>>, vector<1x16xi32>,
        %get3A_610 = arith.constant 208 : index
        %get3A_611 = tpu.vector_load %arg6[%get3A_610] {strides = array<i32>} : memref<256xi32, #tpu.memory_space<vmem>>, vector<16xi32>,
        %get3A_612 = vector.shape_cast %get3A_611 : vector<16xi32> to vector<16xi32>
        %add3A_613 = arith.addi %get3A_612, %mul3A_20 : vector<16xi32>
        %swap3A_614 = arith.constant 1 : i32
        %swap3A_615 = arith.index_cast %swap3A_614 : i32 to index
        %swap3A_616 = arith.constant 80 : index
        %swap3A_617 = tpu.vector_load %arg8[%swap3A_615, %swap3A_616] {strides = array<i32>} : memref<2x128xi32, #tpu.memory_space<vmem>>, vector<1x16xi32>,
        %swap3A_618 = vector.shape_cast %swap3A_617 : vector<1x16xi32> to vector<16xi32>
        %swap3A_619 = vector.shape_cast %add3A_613 : vector<16xi32> to vector<1x16xi32>
        tpu.vector_store %arg8[%swap3A_615, %swap3A_616], %swap3A_619 {strides = array<i32>} : memref<2x128xi32, #tpu.memory_space<vmem>>, vector<1x16xi32>,
        %get3A_620 = arith.constant 224 : index
        %get3A_621 = tpu.vector_load %arg6[%get3A_620] {strides = array<i32>} : memref<256xi32, #tpu.memory_space<vmem>>, vector<16xi32>,
        %get3A_622 = vector.shape_cast %get3A_621 : vector<16xi32> to vector<16xi32>
        %add3A_623 = arith.addi %get3A_622, %mul3A_20 : vector<16xi32>
        %swap3A_624 = arith.constant 1 : i32
        %swap3A_625 = arith.index_cast %swap3A_624 : i32 to index
        %swap3A_626 = arith.constant 96 : index
        %swap3A_627 = tpu.vector_load %arg8[%swap3A_625, %swap3A_626] {strides = array<i32>} : memref<2x128xi32, #tpu.memory_space<vmem>>, vector<1x16xi32>,
        %swap3A_628 = vector.shape_cast %swap3A_627 : vector<1x16xi32> to vector<16xi32>
        %swap3A_629 = vector.shape_cast %add3A_623 : vector<16xi32> to vector<1x16xi32>
        tpu.vector_store %arg8[%swap3A_625, %swap3A_626], %swap3A_629 {strides = array<i32>} : memref<2x128xi32, #tpu.memory_space<vmem>>, vector<1x16xi32>,
        %get3A_630 = arith.constant 240 : index
        %get3A_631 = tpu.vector_load %arg6[%get3A_630] {strides = array<i32>} : memref<256xi32, #tpu.memory_space<vmem>>, vector<16xi32>,
        %get3A_632 = vector.shape_cast %get3A_631 : vector<16xi32> to vector<16xi32>
        %add3A_633 = arith.addi %get3A_632, %mul3A_20 : vector<16xi32>
        %swap3A_634 = arith.constant 1 : i32
        %swap3A_635 = arith.index_cast %swap3A_634 : i32 to index
        %swap3A_636 = arith.constant 112 : index
        %swap3A_637 = tpu.vector_load %arg8[%swap3A_635, %swap3A_636] {strides = array<i32>} : memref<2x128xi32, #tpu.memory_space<vmem>>, vector<1x16xi32>,
        %swap3A_638 = vector.shape_cast %swap3A_637 : vector<1x16xi32> to vector<16xi32>
        %swap3A_639 = vector.shape_cast %add3A_633 : vector<16xi32> to vector<1x16xi32>
        tpu.vector_store %arg8[%swap3A_635, %swap3A_636], %swap3A_639 {strides = array<i32>} : memref<2x128xi32, #tpu.memory_space<vmem>>, vector<1x16xi32>,
        %dma_start3A_640 = arith.constant 0 : i32
        %dma_start3A_641 = arith.constant 0 : i32
        %dma_start3A_642 = arith.constant 0 : i32
        %dma_start3A_643 = tpu.memref_slice %arg10[%dma_start3A_641, %dma_start3A_642] : memref<256x128xf32, #tpu.memory_space<vmem>> -> memref<128x128xf32, #tpu.memory_space<vmem>>
        %dma_start3A_644 = arith.constant 0 : i32
        %dma_start3A_645 = tpu.memref_slice %arg8[%dma_start3A_640, %dma_start3A_644] : memref<2x128xi32, #tpu.memory_space<vmem>> -> memref<1x128xi32, #tpu.memory_space<vmem>>
        %dma_start3A_646 = tpu.memref_squeeze %dma_start3A_645 : memref<1x128xi32, #tpu.memory_space<vmem>> -> memref<128xi32, #tpu.memory_space<vmem>>
        %dma_start3A_647 = arith.constant 0 : i32
        %dma_start3A_648 = arith.constant 0 : i32
        %dma_start3A_649 = tpu.memref_slice %arg2[%dma_start3A_647, %dma_start3A_648] : memref<8192x128xf32, #tpu.memory_space<hbm>> -> memref<8192x128xf32, #tpu.memory_space<hbm>>
        tpu.enqueue_indirect_dma source(%dma_start3A_649 : memref<8192x128xf32, #tpu.memory_space<hbm>>) target(%dma_start3A_643 : memref<128x128xf32, #tpu.memory_space<vmem>>) offsets(%dma_start3A_646 : memref<128xi32, #tpu.memory_space<vmem>>) semaphore(%arg14 : memref<!tpu.dma_semaphore, #tpu.memory_space<semaphore_mem>>)
        %dma_start3A_650 = arith.constant 1 : i32
        %dma_start3A_651 = arith.constant 128 : i32
        %dma_start3A_652 = arith.constant 0 : i32
        %dma_start3A_653 = tpu.memref_slice %arg10[%dma_start3A_651, %dma_start3A_652] : memref<256x128xf32, #tpu.memory_space<vmem>> -> memref<128x128xf32, #tpu.memory_space<vmem>>
        %dma_start3A_654 = arith.constant 0 : i32
        %dma_start3A_655 = tpu.memref_slice %arg8[%dma_start3A_650, %dma_start3A_654] : memref<2x128xi32, #tpu.memory_space<vmem>> -> memref<1x128xi32, #tpu.memory_space<vmem>>
        %dma_start3A_656 = tpu.memref_squeeze %dma_start3A_655 : memref<1x128xi32, #tpu.memory_space<vmem>> -> memref<128xi32, #tpu.memory_space<vmem>>
        %dma_start3A_657 = arith.constant 0 : i32
        %dma_start3A_658 = arith.constant 0 : i32
        %dma_start3A_659 = tpu.memref_slice %arg2[%dma_start3A_657, %dma_start3A_658] : memref<8192x128xf32, #tpu.memory_space<hbm>> -> memref<8192x128xf32, #tpu.memory_space<hbm>>
        tpu.enqueue_indirect_dma source(%dma_start3A_659 : memref<8192x128xf32, #tpu.memory_space<hbm>>) target(%dma_start3A_653 : memref<128x128xf32, #tpu.memory_space<vmem>>) offsets(%dma_start3A_656 : memref<128xi32, #tpu.memory_space<vmem>>) semaphore(%arg14 : memref<!tpu.dma_semaphore, #tpu.memory_space<semaphore_mem>>)
      } else {
      }
      %scan3A_472 = arith.constant 0 : i32
      scf.yield %scan3A_472 : i32
    }
    %scan3A_391 = arith.constant 64 : i32
    %dma_wait3A = arith.constant 0 : i32
    %dma_wait3A_392 = arith.constant 0 : i32
    %dma_wait3A_393 = tpu.memref_slice %arg4[%dma_wait3A, %dma_wait3A_392] : memref<131072x128xf32, #tpu.memory_space<hbm>> -> memref<32x128xf32, #tpu.memory_space<hbm>>
    %dma_wait3A_394 = arith.constant 0 : i32
    %dma_wait3A_395 = arith.constant 0 : i32
    %dma_wait3A_396 = tpu.memref_slice %arg4[%dma_wait3A_394, %dma_wait3A_395] : memref<131072x128xf32, #tpu.memory_space<hbm>> -> memref<32x128xf32, #tpu.memory_space<hbm>>
    tpu.wait_dma2 semaphore(%arg15 : memref<!tpu.dma_semaphore, #tpu.memory_space<semaphore_mem>>) src(%arg11 : memref<32x128xf32, #tpu.memory_space<vmem>>) dst(%dma_wait3A_396 : memref<32x128xf32, #tpu.memory_space<hbm>>)
    %dma_wait3A_397 = arith.constant 0 : i32
    %dma_wait3A_398 = arith.constant 0 : i32
    %dma_wait3A_399 = tpu.memref_slice %arg4[%dma_wait3A_397, %dma_wait3A_398] : memref<131072x128xf32, #tpu.memory_space<hbm>> -> memref<32x128xf32, #tpu.memory_space<hbm>>
    %dma_wait3A_400 = arith.constant 0 : i32
    %dma_wait3A_401 = arith.constant 0 : i32
    %dma_wait3A_402 = tpu.memref_slice %arg4[%dma_wait3A_400, %dma_wait3A_401] : memref<131072x128xf32, #tpu.memory_space<hbm>> -> memref<32x128xf32, #tpu.memory_space<hbm>>
    tpu.wait_dma2 semaphore(%arg16 : memref<!tpu.dma_semaphore, #tpu.memory_space<semaphore_mem>>) src(%arg12 : memref<32x128xf32, #tpu.memory_space<vmem>>) dst(%dma_wait3A_402 : memref<32x128xf32, #tpu.memory_space<hbm>>)
    return
  }
}

</mosaic_0001>

<sc_bundles>
// kernel: _dequant.3.cloned.1.call-start
scs
__scs_entry_jumppad:
0x0: {  	(pc) =	sbr.rel $0x88, $3  }
0x1: {  	(tag) =	ssettag $0x0;
	lr =	simm.s32 $0x1  }
0x2: {  	[smem:$0x3F9F] =	sst lr;
	_ =	strace $0xD0000000  }
0x3: {  	_ = 	snop  }
0x4: {  	_ = 	snop  }
0x5: {  	_ = 	snop  }
0x6: {  	_ = 	snop  }
0x7: {  	_ = 	snop  }
__scs_overlays_trampoline_lowered:
0x8: {  	[smem:$0x3FAE] =	sst s0  }
0x9: {  	[smem:$0x3FAF] =	sst s1  }
0xa: {  	[smem:$0x3FB0] =	sst s2  }
0xb: {  	[smem:$0x3FB1] =	sst s3  }
0xc: {  	[smem:$0x3FB2] =	sst s4  }
0xd: {  	[smem:$0x3FB3] =	sst s5  }
0xe: {  	[smem:$0x3FB4] =	sst s6  }
0xf: {  	[smem:$0x3FB5] =	sst s7  }
0x10: {  	[smem:$0x3FB6] =	sst s8  }
0x11: {  	[smem:$0x3FB7] =	sst s9;
	s0 =	simm.s32 @!p0 $0x0  }
0x12: {  	s1 =	sld [smem:$0x3F9D];
	s0 =	simm.s32 @p0 $0x1  }
0x13: {  	[smem:$0x3FB8] =	sst s0;
	s0 =	simm.s32 @!p1 $0x0  }
0x14: {  	s2 =	sld [smem:$0x3F9C];
	s0 =	simm.s32 @p1 $0x1  }
0x15: {  	[smem:$0x3FB9] =	sst s0;
	s0 =	simm.s32 @!p2 $0x0  }
0x16: {  	s3 =	sld [smem:$0x3FDB];
	s0 =	simm.s32 @p2 $0x1  }
0x17: {  	s4 =	simm.s32 $0x1BF5;
	[smem:$0x3FBB] =	sst s0  }
0x18: {  	s0 =	sld [smem:$0x3F9E];
	_ =	swait.ge [sflag:s4], $0x0  }
0x19: {  	s7 =	sld [smem:$0x3F9F]  }
0x1a: {  	s8 =	sadd.s32 $0xFFFFE003, lr  }
0x1b: {  	s9 =	sadd.s32 $0xFFFFFEF7, lr;
	s5 =	simm.s32 $0xFFFFFFFF;
	p2 =	slt.u32 s8, $0xFFFFF086  }
0x1c: {  	p1 =	slt.u32 s9, $0xF7A;
	s5 =	simm.s32 @!p2 $0x0  }
0x1d: {  	s5 =	simm.s32 @p1 $0x1;
	p0 =	seq.s32 s7, s2  }
0x1e: {  	s7 =	smul.u32 @!p0 $0xF7A, s2;
	p2 =	seq.s32 @!p0 s5, $0x0  }
0x1f: {  	s9 =	smul.u32 $0xF7A, s1;
	s8 =	simm.s32 @!p0 $0x1BF5;
	p2 =	por !p2, p0  }
0x20: {  	[sflag:s8] =	ssyncset.s32 @!p0 $0xFFFFF086;
	s6 =	sadd.s32 @!p0 s3, s7;
	s7 =	simm.s32 @!p0 $0x108  }
0x21: {  	s3 =	sadd.s32 s3, s9;
	s6 =	sadd.s32 @!p0 $0x88, s6;
	s7 =	simm.s32 @p2 $0x1082  }
0x22: {  	[simem:s7], [sflag:s8] =	dma.local @!p0 [hbm:s6], $0xF7A  }
0x23: {  	s9 =	sor.u32 $0xD0000000, s2;
	s6 =	simm.s32 $0x108;
	_ =	swait.ge @!p0 [sflag:s8], $0x0  }
0x24: {  	s3 =	sadd.s32 $0x88, s3;
	s6 =	simm.s32 @!p1 $0x1082;
	[sflag:s4] =	ssyncset.s32 $0xFFFFF086  }
0x25: {  	[simem:s6], [sflag:s4] =	dma.local [hbm:s3], $0xF7A  }
0x26: {  	[smem:$0x3F9F] =	sst s1;
	(tag) =	ssettag s2;
	_ =	strace s9  }
0x27: {  	s1 =	sld [smem:$0x3FAF]  }
0x28: {  	s2 =	sld [smem:$0x3FB0]  }
0x29: {  	s4 =	sld [smem:$0x3FB2]  }
0x2a: {  	p0 =	seq.s32 s5, $0x0;
	s5 =	sld [smem:$0x3FB3]  }
0x2b: {  	s6 =	sld [smem:$0x3FB4]  }
0x2c: {  	s7 =	sld [smem:$0x3FB5]  }
0x2d: {  	s3 =	simm.s32 $0x108;
	s8 =	sld [smem:$0x3FB6]  }
0x2e: {  	s3 =	simm.s32 @!p0 $0x1082;
	s9 =	sld [smem:$0x3FB7]  }
0x2f: {  	lr =	sadd.s32 s0, s3;
	s0 =	sld [smem:$0x3FAE]  }
0x30: {  	s3 =	sld [smem:$0x3FB1]  }
0x31: {  	[smem:$0x3FBA] =	sst s10  }
0x32: {  	s10 =	sld [smem:$0x3FB8];
	_ =	sdelay $0x3  }
0x33: {  	p0 =	seq.s32 s10, $0x1;
	s10 =	sld [smem:$0x3FBA];
	_ =	sdelay $0x3  }
0x34: {  	[smem:$0x3FBA] =	sst s10  }
0x35: {  	s10 =	sld [smem:$0x3FB9];
	_ =	sdelay $0x3  }
0x36: {  	p1 =	seq.s32 s10, $0x1;
	s10 =	sld [smem:$0x3FBA];
	_ =	sdelay $0x3  }
0x37: {  	[smem:$0x3FBA] =	sst s10  }
0x38: {  	s10 =	sld [smem:$0x3FBB]  }
0x39: {  	_ = 	snop;
	(pc) =	sbr.ind lr, $3  }
0x3a: {  	_ = 	snop  }
0x3b: {  	_ = 	snop  }
0x3c: {  	p2 =	seq.s32 s10, $0x1;
	s10 =	sld [smem:$0x3FBA]  }
0x3d: {  	_ =	shalt  }
0x3e: {  	_ =	shalt  }
0x3f: {  	_ =	shalt  }
0x40: {  	_ =	shalt  }
0x41: {  	_ =	shalt  }
0x42: {  	_ =	shalt  }
0x43: {  	_ =	shalt  }
0x44: {  	_ =	shalt  }
0x45: {  	_ =	shalt  }
0x46: {  	_ =	shalt  }
0x47: {  	_ =	shalt  }
0x48: {  	_ =	shalt  }
0x49: {  	_ =	shalt  }
0x4a: {  	_ =	shalt  }
0x4b: {  	_ =	shalt  }
0x4c: {  	_ =	shalt  }
0x4d: {  	_ =	shalt  }
0x4e: {  	_ =	shalt  }
0x4f: {  	_ =	shalt  }
0x50: {  	_ =	shalt  }
0x51: {  	_ =	shalt  }
0x52: {  	_ =	shalt  }
0x53: {  	_ =	shalt  }
0x54: {  	_ =	shalt  }
0x55: {  	_ =	shalt  }
0x56: {  	_ =	shalt  }
0x57: {  	_ =	shalt  }
0x58: {  	_ =	shalt  }
0x59: {  	_ =	shalt  }
0x5a: {  	_ =	shalt  }
0x5b: {  	_ =	shalt  }
0x5c: {  	_ =	shalt  }
0x5d: {  	_ =	shalt  }
0x5e: {  	_ =	shalt  }
0x5f: {  	_ =	shalt  }
0x60: {  	_ =	shalt  }
0x61: {  	_ =	shalt  }
0x62: {  	_ =	shalt  }
0x63: {  	_ =	shalt  }
0x64: {  	_ =	shalt  }
0x65: {  	_ =	shalt  }
0x66: {  	_ =	shalt  }
0x67: {  	_ =	shalt  }
0x68: {  	_ =	shalt  }
0x69: {  	_ =	shalt  }
0x6a: {  	_ =	shalt  }
0x6b: {  	_ =	shalt  }
0x6c: {  	_ =	shalt  }
0x6d: {  	_ =	shalt  }
0x6e: {  	_ =	shalt  }
0x6f: {  	_ =	shalt  }
0x70: {  	_ =	shalt  }
0x71: {  	_ =	shalt  }
0x72: {  	_ =	shalt  }
0x73: {  	_ =	shalt  }
0x74: {  	_ =	shalt  }
0x75: {  	_ =	shalt  }
0x76: {  	_ =	shalt  }
0x77: {  	_ =	shalt  }
0x78: {  	_ =	shalt  }
0x79: {  	_ =	shalt  }
0x7a: {  	_ =	shalt  }
0x7b: {  	_ =	shalt  }
0x7c: {  	_ =	shalt  }
0x7d: {  	_ =	shalt  }
0x7e: {  	_ =	shalt  }
0x7f: {  	_ =	shalt  }
0x80: {  	_ =	shalt  }
0x81: {  	_ =	shalt  }
0x82: {  	_ =	shalt  }
0x83: {  	_ =	shalt  }
0x84: {  	_ =	shalt  }
0x85: {  	_ =	shalt  }
0x86: {  	_ =	shalt  }
0x87: {  	_ =	shalt  }
.Lfunc_end0:
.L_simem_size_0:
called_computation_lowered:
.L_overlay_start_0:
0x88: {  	s2 =	sld [smem:$0x3FD9]  }
0x89: {  	s3 =	sld [smem:$0x3FFE];
	_ =	sdelay $0x1  }
0x8a: {  	s1 =	srdreg.scid  }
0x8b: {  	s0 =	sand.u32 $0x1, s1  }
0x8c: {  	s18 =	sshll.u32 s0, $0xA;
	s2 =	sadd.s32 s3, s2  }
0x8d: {  	s2 =	sadd.s32 s2, s18  }
0x8e: {  	[smem:$0x3FC6] =	sst s2  }
0x8f: {  	_ = 	snop  }
0x90: {  	s2 =	sld [smem:$0x3FC9]  }
0x91: {  	s19 =	sld [smem:$0x3FC8]  }
0x92: {  	s4 =	sld [smem:$0x3FD0];
	(tm) =	ssettm $0x1  }
0x93: {  	s5 =	sld [smem:$0x3FFB];
	_ =	sdelay $0x3  }
0x94: {  	_ =	strace s5  }
0x95: {  	s5 =	sld [smem:$0x3FFC];
	_ =	sdelay $0x3  }
0x96: {  	_ =	strace s5  }
0x97: {  	s5 =	sld [smem:$0x3FFD];
	_ =	sdelay $0x3  }
0x98: {  	_ =	strace s5  }
0x99: {  	_ =	strace $0x8FFFFFFF  }
0x9a: {  	s20 =	sld [smem:$0x3FDB];
	_ =	sdelay $0x1  }
0x9b: {  	s6 =	simm.s32 $_scs_section_size  }
0x9c: {  	s7 =	simm.s32 $_size__tile_overlayer_lowered;
	s8 =	simm.s32 $_tile_overlayer_lowered  }
0x9d: {  	s23 =	simm.s32 $0x1BFF;
	s22 =	sshll.u32 s8, $0x1;
	s5 =	sadd.s32 s6, s20  }
0x9e: {  	s9 =	simm.s32 $0x0;
	s21 =	sshll.u32 s7, $0x1;
	s7 =	sadd.s32 s22, s5  }
0x9f: {  	[timem:s9], [sflag:s23] =	dma.local [hbm:s7], s21  }
0xa0: {  	_ =	swait.ge [sflag:s23], s21  }
0xa1: {  	s6 =	ssub.s32 $0x0, s21;
	[sflag:s23] =	ssyncset.done $0x0  }
0xa2: {  	[sflag:s23] =	ssyncadd.s32 s6;
	_ =	sdelay $0x1  }
0xa3: {  	s24 =	simm.s32 $0x1B8B  }
0xa4: {  	_ =	swait.ge [sflag:s24], $0x1  }
0xa5: {  	[sflag:s24] =	ssyncset.done $0x0  }
0xa6: {  	s25 =	simm.s32 $0x1B8E;
	[sflag:s24] =	ssyncadd.s32 $0xFFFFFFFF  }
0xa7: {  	s26 =	simm.s32 $execute0_lowered;
	[smem:$0x3FD2] =	sst s25  }
0xa8: {  	s6 =	sshll.u32 s26, $0x1;
	_ =	strace $0x80000046;
	[dreg:$0x1] =	wrdreg $0xFFFFFFFF  }
0xa9: {  	s28 =	simm.s32 $_size_execute0_lowered;
	s5 =	sadd.s32 s5, s6;
	[dreg:$0x0] =	wrdreg $0x0  }
0xaa: {  	s6 =	sshll.u32 s28, $0x1;
	[dreg:$0x2] =	wrdreg s5  }
0xab: {  	[dreg:$0x3] =	wrdreg s6  }
0xac: {  	[dreg:$0x4] =	wrdreg $0xC0  }
0xad: {  	_ =	task [dreg:s9], $0x5FFFF  }
0xae: {  	[dreg:$0x1] =	wrdreg $0xFFFFFFFF  }
0xaf: {  	[dreg:$0x0] =	wrdreg $0x60  }
0xb0: {  	[dreg:$0x2] =	wrdreg s2  }
0xb1: {  	[dreg:$0x3] =	wrdreg s19  }
0xb2: {  	[dreg:$0x4] =	wrdreg s4  }
0xb3: {  	[dreg:$0x5] =	wrdreg $0x9  }
0xb4: {  	_ =	task.clear_ibuf [dreg:s9], $0x6FFFF;
	_ =	strace $0x90000046  }
0xb5: {  	s29 =	simm.s32 $0x9;
	_ =	strace $0x80000048  }
0xb6: {  	_ =	swait.ge [sflag:s29], $0x1  }
0xb7: {  	[sflag:s29] =	ssyncadd.s32 $0xFFFFFFFF  }
0xb8: {  	_ =	strace $0x90000048  }
0xb9: {  	_ =	sfence  }
0xba: {  	s30 =	sld [smem:$0x0];
	_ =	sdelay $0x2  }
0xbb: {  	s31 =	sshll.u32 s1, $0xD;
	s1 =	sshrl.u32 s1, $0x2  }
0xbc: {  	s3 =	sand.u32 $0x4000, s31;
	s1 =	sadd.s32 s1, s30  }
0xbd: {  	s0 =	sor.u32 s3, s0;
	s1 =	sshll.u32 s1, $0x11  }
0xbe: {  	s0 =	sor.u32 s1, s0  }
0xbf: {  	s0 =	sadd.s32 $0x8F2B, s0  }
0xc0: {  	[sflag:s0] =	ssyncadd.remote.s32 $0x1  }
0xc1: {  	_ =	sfence.sel $0xFFFF  }
0xc2: {  	[dreg:$0x0] =	wrdreg $0xFFFFFFFF;
	(pc) =	sbr.abs _section_cstart, $3  }
0xc3: {  	[dreg:$0x1] =	wrdreg $0xFFFFFFFF  }
0xc4: {  	_ =	task.clear_ibuf [dreg:s9], $0x2FFFF;
	_ =	strace $0x9FFFFFFF  }
0xc5: {  	(tm) =	ssettm $0x7FFFFFFF  }
tec
execute0_lowered:
.L_overlay_start_1:
0x0: {  	(tag) =	ssettag $0x1  }
0x1: {  	s1 =	rddreg [dreg:$0x0]  }
0x2: {  	s0 =	rddreg [dreg:$0x1]  }
0x3: {  	s2 =	rddreg [dreg:$0x2];
	s4 =	srdreg.scid  }
0x4: {  	s5 =	stileid.u32;
	s3 =	simm.s32 $0x0;
	s10 =	simm.s32 $0x5  }
0x5: {  	s11 =	simm.s32 $0x80;
	s12 =	simm.s32 $0x200;
	s13 =	simm.s32 $0x400  }
0x6: {  	s14 =	simm.s32 $0x280;
	s15 =	simm.s32 $0x4400;
	s16 =	simm.s32 $0x100  }
0x7: {  	s17 =	simm.s32 $0x300;
	s18 =	simm.s32 $0x8400;
	s19 =	simm.s32 $0x380  }
0x8: {  	s20 =	simm.s32 $0xC400;
	s21 =	simm.s32 $0x1;
	s22 =	simm.s32 $0x10400  }
0x9: {  	s23 =	simm.s32 $0x2;
	s24 =	simm.s32 $0x11400;
	s25 =	simm.s32 $0x3  }
0xa: {  	s26 =	simm.s32 $0x4;
	s4 =	sand.u32 $0x1, s4;
	s5 =	sshll.u32 s5, $0x1  }
0xb: {  	s28 =	simm.s32 $0x0;
	[smem:$0x7FF] =	sst s3;
	s5 =	sor.u32 s4, s5  }
.Ltmp0:
0xc: {  	s6 =	ssub.s32 $0x2, s4;
	s29 =	sshll.u32 s5, $0xC;
	(pc) =	sbr.rel .LBB2_1-.Ltmp0, $4  }
0xd: {  	_ =	strace $0x80000047;
	s7 =	sshrl.u32 s6, $0x1;
	s4 =	sadd.s32 s0, s29  }
0xe: {  	v0 =	vlaneseq.u32;
	s5 =	sshll.u32 s5, $0x10;
	s30 =	ssub.s32 s6, s7;
	s31 =	sadd.s32 $0x20, s4  }
0xf: {  	v0 =	vand.u32 $0x7, v0;
	s6 =	sadd.s32 s2, s5;
	s0 =	smax.u32 s30, $0x1;
	[dreg:$0x4] =	wrdreg s31  }
0x10: {  	v0 =	vmul.u32 $0x400, v0;
	s7 =	sadd.s32 $0x40, s4;
	s8 =	sadd.s32 $0x60, s4;
	[dreg:$0x5] =	wrdreg s0  }
.LBB2_8:
0x11: {  	_ =	swait.ge [sflag:s25], $0x1000  }
0x12: {  	[sflag:s25] =	ssyncset.done $0x0  }
0x13: {  	[sflag:s25] =	ssyncadd.s32 $0xFFFFF000  }
0x14: {  	_ =	swait.ge [sflag:s26], $0x1000  }
0x15: {  	s28 =	sadd.s32 $0x1, s28;
	s0 =	rddreg [dreg:$0x5]  }
0x16: {  	p0 =	sne.s32 s28, s0  }
.Ltmp1:
0x17: {  	_ = 	snop;
	(pc) =	sbr.rel @!p0 .LBB2_9-.Ltmp1, $3  }
0x18: {  	_ =	sdelay $0x1  }
0x19: {  	[sflag:s26] =	ssyncset.done $0x0  }
0x1a: {  	[sflag:s26] =	ssyncadd.s32 $0xFFFFF000  }
.LBB2_1:
0x1b: {  	[tilespmem:s3], [sflag:$0x5] =	stream.linear.gather [hbm4b:s4+s3], $0x100, $0x38;
	[tilespmem:$0x12400] =	vst v63  }
0x1c: {  	_ =	swait.ge [sflag:s10], $0x100  }
0x1d: {  	[sflag:s10] =	ssyncset.done $0x0  }
0x1e: {  	[sflag:s10] =	ssyncadd.s32 $0xFFFFFF00  }
0x1f: {  	v1 =	vld [tilespmem:$0x0]  }
0x20: {  	v2 =	vld [tilespmem:$0x10]  }
0x21: {  	v3 =	vld [tilespmem:$0x20]  }
0x22: {  	v4 =	vld [tilespmem:$0x30]  }
0x23: {  	v5 =	vld [tilespmem:$0x40]  }
0x24: {  	v6 =	vld [tilespmem:$0x50];
	v1 =	vadd.s32 v0, v1  }
0x25: {  	[tilespmem:$0x200] =	vst v1;
	v1 =	vadd.s32 v0, v2;
	v2 =	vld [tilespmem:$0x60]  }
0x26: {  	[tilespmem:$0x210] =	vst v1;
	v1 =	vadd.s32 v0, v3;
	v3 =	vld [tilespmem:$0x70]  }
0x27: {  	v49 =	vld [tilespmem:$0x80];
	[tilespmem:$0x220] =	vst v1;
	v1 =	vadd.s32 v0, v4  }
0x28: {  	v50 =	vld [tilespmem:$0x90];
	[tilespmem:$0x230] =	vst v1;
	v1 =	vadd.s32 v0, v5  }
0x29: {  	v51 =	vld [tilespmem:$0xA0];
	[tilespmem:$0x240] =	vst v1;
	v1 =	vadd.s32 v0, v6  }
0x2a: {  	[tilespmem:$0x250] =	vst v1;
	v1 =	vadd.s32 v0, v2;
	v2 =	vld [tilespmem:$0xB0]  }
0x2b: {  	[tilespmem:$0x260] =	vst v1;
	v1 =	vadd.s32 v0, v3;
	v3 =	vld [tilespmem:$0xC0]  }
0x2c: {  	v52 =	vld [tilespmem:$0xD0];
	[tilespmem:$0x270] =	vst v1;
	v1 =	vadd.s32 v0, v49  }
0x2d: {  	v53 =	vld [tilespmem:$0xE0];
	[tilespmem:$0x280] =	vst v1;
	v1 =	vadd.s32 v0, v50  }
0x2e: {  	v54 =	vld [tilespmem:$0xF0];
	[tilespmem:$0x290] =	vst v1;
	v1 =	vadd.s32 v0, v51  }
0x2f: {  	[tilespmem:$0x2A0] =	vst v1;
	v1 =	vadd.s32 v0, v2  }
0x30: {  	[tilespmem:$0x2B0] =	vst v1;
	v1 =	vadd.s32 v0, v3  }
0x31: {  	[tilespmem:$0x2C0] =	vst v1;
	v1 =	vadd.s32 v0, v52  }
0x32: {  	[tilespmem:$0x2D0] =	vst v1;
	v1 =	vadd.s32 v0, v53  }
0x33: {  	[tilespmem:$0x2E0] =	vst v1;
	v1 =	vadd.s32 v0, v54  }
0x34: {  	[tilespmem:$0x2F0] =	vst v1  }
0x35: {  	[tilespmem:s13], [sflag:$0x1] =	stream.indirect.gather [hbm4b:s1+s11], $0x80, s12, s11, $0xb8;
	[tilespmem:$0x12400] =	vst v63  }
0x36: {  	_ = 	snop  }
0x37: {  	[tilespmem:s15], [sflag:$0x1] =	stream.indirect.gather [hbm4b:s1+s11], $0x80, s14, s11, $0xb8;
	[tilespmem:$0x12400] =	vst v63  }
0x38: {  	s0 =	rddreg [dreg:$0x4]  }
0x39: {  	[tilespmem:s16], [sflag:$0x5] =	stream.linear.gather [hbm4b:s0+s3], $0x100, $0x38;
	[tilespmem:$0x12400] =	vst v63  }
0x3a: {  	_ =	swait.ge [sflag:s10], $0x100  }
0x3b: {  	[sflag:s10] =	ssyncset.done $0x0  }
0x3c: {  	[sflag:s10] =	ssyncadd.s32 $0xFFFFFF00  }
0x3d: {  	v1 =	vld [tilespmem:$0x100]  }
0x3e: {  	v2 =	vld [tilespmem:$0x110]  }
0x3f: {  	v3 =	vld [tilespmem:$0x120]  }
0x40: {  	v55 =	vld [tilespmem:$0x130]  }
0x41: {  	v56 =	vld [tilespmem:$0x140]  }
0x42: {  	v57 =	vld [tilespmem:$0x150];
	v1 =	vadd.s32 v0, v1  }
0x43: {  	[tilespmem:$0x300] =	vst v1;
	v1 =	vadd.s32 v0, v2;
	v2 =	vld [tilespmem:$0x160]  }
0x44: {  	[tilespmem:$0x310] =	vst v1;
	v1 =	vadd.s32 v0, v3;
	v3 =	vld [tilespmem:$0x170]  }
0x45: {  	v58 =	vld [tilespmem:$0x180];
	[tilespmem:$0x320] =	vst v1;
	v1 =	vadd.s32 v0, v55  }
0x46: {  	v59 =	vld [tilespmem:$0x190];
	[tilespmem:$0x330] =	vst v1;
	v1 =	vadd.s32 v0, v56  }
0x47: {  	v60 =	vld [tilespmem:$0x1A0];
	[tilespmem:$0x340] =	vst v1;
	v1 =	vadd.s32 v0, v57  }
0x48: {  	[tilespmem:$0x350] =	vst v1;
	v1 =	vadd.s32 v0, v2;
	v2 =	vld [tilespmem:$0x1B0]  }
0x49: {  	[tilespmem:$0x360] =	vst v1;
	v1 =	vadd.s32 v0, v3;
	v3 =	vld [tilespmem:$0x1C0]  }
0x4a: {  	v61 =	vld [tilespmem:$0x1D0];
	[tilespmem:$0x370] =	vst v1;
	v1 =	vadd.s32 v0, v58  }
0x4b: {  	v62 =	vld [tilespmem:$0x1E0];
	[tilespmem:$0x380] =	vst v1;
	v1 =	vadd.s32 v0, v59  }
0x4c: {  	v63 =	vld [tilespmem:$0x1F0];
	[tilespmem:$0x390] =	vst v1;
	v1 =	vadd.s32 v0, v60  }
0x4d: {  	[tilespmem:$0x3A0] =	vst v1;
	v1 =	vadd.s32 v0, v2  }
0x4e: {  	[tilespmem:$0x3B0] =	vst v1;
	v1 =	vadd.s32 v0, v3  }
0x4f: {  	[tilespmem:$0x3C0] =	vst v1;
	v1 =	vadd.s32 v0, v61  }
0x50: {  	[tilespmem:$0x3D0] =	vst v1;
	v1 =	vadd.s32 v0, v62  }
0x51: {  	[tilespmem:$0x3E0] =	vst v1;
	v1 =	vadd.s32 v0, v63  }
0x52: {  	[tilespmem:$0x3F0] =	vst v1  }
0x53: {  	[tilespmem:s18], [sflag:$0x2] =	stream.indirect.gather [hbm4b:s1+s11], $0x80, s17, s11, $0xb8;
	[tilespmem:$0x12400] =	vst v63  }
0x54: {  	s29 =	simm.s32 $0x0  }
0x55: {  	[tilespmem:s20], [sflag:$0x2] =	stream.indirect.gather [hbm4b:s1+s11], $0x80, s19, s11, $0xb8;
	[tilespmem:$0x12400] =	vst v63  }
.LBB2_2:
0x56: {  	_ =	swait.ge [sflag:s21], $0x8000  }
0x57: {  	[sflag:s21] =	ssyncset.done $0x0  }
0x58: {  	s30 =	simm.s32 $0x600;
	[sflag:s21] =	ssyncadd.s32 $0xFFFF8000  }
0x59: {  	v1 =	vld [tilespmem:s30+$0xFFFFFE80]  }
0x5a: {  	v2 =	vld [tilespmem:s30+$0xFFFFFE00];
	_ =	sdelay $0x1  }
0x5b: {  	v3 =	vld [tilespmem:s30+$0xFFFFFF00];
	_ =	sdelay $0x1  }
0x5c: {  	v4 =	vld [tilespmem:s30+$0xFFFFFF80]  }
0x5d: {  	v1 =	vadd.f32 v1, v2  }
0x5e: {  	v2 =	vld [tilespmem:s30+$0x0]  }
0x5f: {  	v1 =	vadd.f32 v3, v1  }
0x60: {  	v3 =	vld [tilespmem:s30+$0x80]  }
0x61: {  	v1 =	vadd.f32 v4, v1  }
0x62: {  	v4 =	vld [tilespmem:s30+$0x100]  }
0x63: {  	v1 =	vadd.f32 v2, v1  }
0x64: {  	v2 =	vld [tilespmem:s30+$0x180]  }
0x65: {  	v1 =	vadd.f32 v3, v1;
	_ =	sdelay $0x1  }
0x66: {  	v1 =	vadd.f32 v4, v1;
	_ =	sdelay $0x1  }
0x67: {  	v1 =	vadd.f32 v2, v1  }
0x68: {  	s0 =	simm.s32 $0x0  }
0x69: {  	[tilespmem:s0+$0x10400] =	vst v1  }
0x6a: {  	v1 =	vld [tilespmem:s30+$0xFFFFFE10]  }
0x6b: {  	v2 =	vld [tilespmem:s30+$0xFFFFFE90];
	_ =	sdelay $0x1  }
0x6c: {  	v3 =	vld [tilespmem:s30+$0xFFFFFF10];
	_ =	sdelay $0x1  }
0x6d: {  	v4 =	vld [tilespmem:s30+$0xFFFFFF90]  }
0x6e: {  	v1 =	vadd.f32 v2, v1  }
0x6f: {  	v2 =	vld [tilespmem:s30+$0x10]  }
0x70: {  	v1 =	vadd.f32 v3, v1  }
0x71: {  	v3 =	vld [tilespmem:s30+$0x90]  }
0x72: {  	v1 =	vadd.f32 v4, v1  }
0x73: {  	v4 =	vld [tilespmem:s30+$0x110]  }
0x74: {  	v1 =	vadd.f32 v2, v1  }
0x75: {  	v2 =	vld [tilespmem:s30+$0x190]  }
0x76: {  	v1 =	vadd.f32 v3, v1;
	_ =	sdelay $0x1  }
0x77: {  	v1 =	vadd.f32 v4, v1;
	_ =	sdelay $0x1  }
0x78: {  	v1 =	vadd.f32 v2, v1;
	_ =	sdelay $0x1  }
0x79: {  	[tilespmem:s0+$0x10410] =	vst v1  }
0x7a: {  	v1 =	vld [tilespmem:s30+$0xFFFFFE20]  }
0x7b: {  	v2 =	vld [tilespmem:s30+$0xFFFFFEA0];
	_ =	sdelay $0x1  }
0x7c: {  	v3 =	vld [tilespmem:s30+$0xFFFFFF20];
	_ =	sdelay $0x1  }
0x7d: {  	v4 =	vld [tilespmem:s30+$0xFFFFFFA0]  }
0x7e: {  	v1 =	vadd.f32 v2, v1  }
0x7f: {  	v2 =	vld [tilespmem:s30+$0x20]  }
0x80: {  	v1 =	vadd.f32 v3, v1  }
0x81: {  	v3 =	vld [tilespmem:s30+$0xA0]  }
0x82: {  	v1 =	vadd.f32 v4, v1  }
0x83: {  	v4 =	vld [tilespmem:s30+$0x120]  }
0x84: {  	v1 =	vadd.f32 v2, v1  }
0x85: {  	v2 =	vld [tilespmem:s30+$0x1A0]  }
0x86: {  	v1 =	vadd.f32 v3, v1;
	_ =	sdelay $0x1  }
0x87: {  	v1 =	vadd.f32 v4, v1;
	_ =	sdelay $0x1  }
0x88: {  	v1 =	vadd.f32 v2, v1;
	_ =	sdelay $0x1  }
0x89: {  	[tilespmem:s0+$0x10420] =	vst v1  }
0x8a: {  	v1 =	vld [tilespmem:s30+$0xFFFFFE30]  }
0x8b: {  	v2 =	vld [tilespmem:s30+$0xFFFFFEB0];
	_ =	sdelay $0x1  }
0x8c: {  	v3 =	vld [tilespmem:s30+$0xFFFFFF30];
	_ =	sdelay $0x1  }
0x8d: {  	v4 =	vld [tilespmem:s30+$0xFFFFFFB0]  }
0x8e: {  	v1 =	vadd.f32 v2, v1  }
0x8f: {  	v2 =	vld [tilespmem:s30+$0x30]  }
0x90: {  	v1 =	vadd.f32 v3, v1  }
0x91: {  	v3 =	vld [tilespmem:s30+$0xB0]  }
0x92: {  	v1 =	vadd.f32 v4, v1  }
0x93: {  	v4 =	vld [tilespmem:s30+$0x130]  }
0x94: {  	v1 =	vadd.f32 v2, v1  }
0x95: {  	v2 =	vld [tilespmem:s30+$0x1B0]  }
0x96: {  	v1 =	vadd.f32 v3, v1;
	_ =	sdelay $0x1  }
0x97: {  	v1 =	vadd.f32 v4, v1;
	_ =	sdelay $0x1  }
0x98: {  	v1 =	vadd.f32 v2, v1;
	_ =	sdelay $0x1  }
0x99: {  	[tilespmem:s0+$0x10430] =	vst v1  }
0x9a: {  	v1 =	vld [tilespmem:s30+$0xFFFFFE40]  }
0x9b: {  	v2 =	vld [tilespmem:s30+$0xFFFFFEC0];
	_ =	sdelay $0x1  }
0x9c: {  	v3 =	vld [tilespmem:s30+$0xFFFFFF40];
	_ =	sdelay $0x1  }
0x9d: {  	v4 =	vld [tilespmem:s30+$0xFFFFFFC0]  }
0x9e: {  	v1 =	vadd.f32 v2, v1  }
0x9f: {  	v2 =	vld [tilespmem:s30+$0x40]  }
0xa0: {  	v1 =	vadd.f32 v3, v1  }
0xa1: {  	v3 =	vld [tilespmem:s30+$0xC0]  }
0xa2: {  	v1 =	vadd.f32 v4, v1  }
0xa3: {  	v4 =	vld [tilespmem:s30+$0x140]  }
0xa4: {  	v1 =	vadd.f32 v2, v1  }
0xa5: {  	v2 =	vld [tilespmem:s30+$0x1C0]  }
0xa6: {  	v1 =	vadd.f32 v3, v1;
	_ =	sdelay $0x1  }
0xa7: {  	v1 =	vadd.f32 v4, v1;
	_ =	sdelay $0x1  }
0xa8: {  	v1 =	vadd.f32 v2, v1;
	_ =	sdelay $0x1  }
0xa9: {  	[tilespmem:s0+$0x10440] =	vst v1  }
0xaa: {  	v1 =	vld [tilespmem:s30+$0xFFFFFE50]  }
0xab: {  	v2 =	vld [tilespmem:s30+$0xFFFFFED0];
	_ =	sdelay $0x1  }
0xac: {  	v3 =	vld [tilespmem:s30+$0xFFFFFF50];
	_ =	sdelay $0x1  }
0xad: {  	v4 =	vld [tilespmem:s30+$0xFFFFFFD0]  }
0xae: {  	v1 =	vadd.f32 v2, v1  }
0xaf: {  	v2 =	vld [tilespmem:s30+$0x50]  }
0xb0: {  	v1 =	vadd.f32 v3, v1  }
0xb1: {  	v3 =	vld [tilespmem:s30+$0xD0]  }
0xb2: {  	v1 =	vadd.f32 v4, v1  }
0xb3: {  	v4 =	vld [tilespmem:s30+$0x150]  }
0xb4: {  	v1 =	vadd.f32 v2, v1  }
0xb5: {  	v2 =	vld [tilespmem:s30+$0x1D0]  }
0xb6: {  	v1 =	vadd.f32 v3, v1;
	_ =	sdelay $0x1  }
0xb7: {  	v1 =	vadd.f32 v4, v1;
	_ =	sdelay $0x1  }
0xb8: {  	v1 =	vadd.f32 v2, v1;
	_ =	sdelay $0x1  }
0xb9: {  	[tilespmem:s0+$0x10450] =	vst v1  }
0xba: {  	v1 =	vld [tilespmem:s30+$0xFFFFFE60]  }
0xbb: {  	v2 =	vld [tilespmem:s30+$0xFFFFFEE0];
	_ =	sdelay $0x1  }
0xbc: {  	v3 =	vld [tilespmem:s30+$0xFFFFFF60];
	_ =	sdelay $0x1  }
0xbd: {  	v4 =	vld [tilespmem:s30+$0xFFFFFFE0]  }
0xbe: {  	v1 =	vadd.f32 v2, v1  }
0xbf: {  	v2 =	vld [tilespmem:s30+$0x60]  }
0xc0: {  	v1 =	vadd.f32 v3, v1  }
0xc1: {  	v3 =	vld [tilespmem:s30+$0xE0]  }
0xc2: {  	v1 =	vadd.f32 v4, v1  }
0xc3: {  	v4 =	vld [tilespmem:s30+$0x160]  }
0xc4: {  	v1 =	vadd.f32 v2, v1  }
0xc5: {  	v2 =	vld [tilespmem:s30+$0x1E0]  }
0xc6: {  	v1 =	vadd.f32 v3, v1;
	_ =	sdelay $0x1  }
0xc7: {  	v1 =	vadd.f32 v4, v1;
	_ =	sdelay $0x1  }
0xc8: {  	v1 =	vadd.f32 v2, v1;
	_ =	sdelay $0x1  }
0xc9: {  	[tilespmem:s0+$0x10460] =	vst v1  }
0xca: {  	v1 =	vld [tilespmem:s30+$0xFFFFFE70]  }
0xcb: {  	v2 =	vld [tilespmem:s30+$0xFFFFFEF0];
	_ =	sdelay $0x1  }
0xcc: {  	v3 =	vld [tilespmem:s30+$0xFFFFFF70];
	_ =	sdelay $0x1  }
0xcd: {  	v5 =	vld [tilespmem:s30+$0xFFFFFFF0]  }
0xce: {  	v2 =	vadd.f32 v2, v1  }
0xcf: {  	v4 =	vld [tilespmem:s30+$0x70]  }
0xd0: {  	v1 =	vld [tilespmem:s30+$0xF0];
	v6 =	vadd.f32 v3, v2  }
0xd1: {  	v2 =	vld [tilespmem:s30+$0x170]  }
0xd2: {  	s2 =	simm.s32 $0x200;
	v3 =	vld [tilespmem:s30+$0x1F0];
	v5 =	vadd.f32 v5, v6  }
.LBB2_3:
0xd3: {  	p0 =	sne.s32 s2, $0x3E00  }
0xd4: {  	s30 =	sadd.s32 $0x400, s30;
	s5 =	smov.u32 s2;
	s2 =	sadd.s32 $0x200, s2;
	v4 =	vadd.f32 v4, v5  }
0xd5: {  	_ = 	snop  }
0xd6: {  	v1 =	vadd.f32 v1, v4;
	_ =	sdelay $0x1  }
0xd7: {  	v1 =	vadd.f32 v2, v1;
	_ =	sdelay $0x1  }
0xd8: {  	v1 =	vadd.f32 v3, v1;
	_ =	sdelay $0x1  }
0xd9: {  	[tilespmem:s0+$0x10470] =	vst v1  }
0xda: {  	v1 =	vld [tilespmem:s30+$0xFFFFFE80]  }
0xdb: {  	v2 =	vld [tilespmem:s30+$0xFFFFFE00]  }
0xdc: {  	v3 =	vld [tilespmem:s30+$0xFFFFFF00];
	_ =	sdelay $0x2  }
0xdd: {  	v4 =	vld [tilespmem:s30+$0xFFFFFF80]  }
0xde: {  	v1 =	vadd.f32 v1, v2  }
0xdf: {  	v2 =	vld [tilespmem:s30+$0x0]  }
0xe0: {  	v1 =	vadd.f32 v3, v1  }
0xe1: {  	v3 =	vld [tilespmem:s30+$0x80]  }
0xe2: {  	v1 =	vadd.f32 v4, v1  }
0xe3: {  	v4 =	vld [tilespmem:s30+$0x100]  }
0xe4: {  	v1 =	vadd.f32 v2, v1  }
0xe5: {  	v2 =	vld [tilespmem:s30+$0x180]  }
0xe6: {  	v1 =	vadd.f32 v3, v1;
	_ =	sdelay $0x1  }
0xe7: {  	v1 =	vadd.f32 v4, v1;
	_ =	sdelay $0x1  }
0xe8: {  	v1 =	vadd.f32 v2, v1  }
0xe9: {  	s0 =	sshra.s32 s5, $0x2  }
0xea: {  	[tilespmem:s0+$0x10400] =	vst v1  }
0xeb: {  	v1 =	vld [tilespmem:s30+$0xFFFFFE10]  }
0xec: {  	v2 =	vld [tilespmem:s30+$0xFFFFFE90];
	_ =	sdelay $0x1  }
0xed: {  	v3 =	vld [tilespmem:s30+$0xFFFFFF10];
	_ =	sdelay $0x1  }
0xee: {  	v4 =	vld [tilespmem:s30+$0xFFFFFF90]  }
0xef: {  	v1 =	vadd.f32 v2, v1  }
0xf0: {  	v2 =	vld [tilespmem:s30+$0x10]  }
0xf1: {  	v1 =	vadd.f32 v3, v1  }
0xf2: {  	v3 =	vld [tilespmem:s30+$0x90]  }
0xf3: {  	v1 =	vadd.f32 v4, v1  }
0xf4: {  	v4 =	vld [tilespmem:s30+$0x110]  }
0xf5: {  	v1 =	vadd.f32 v2, v1  }
0xf6: {  	v2 =	vld [tilespmem:s30+$0x190]  }
0xf7: {  	v1 =	vadd.f32 v3, v1;
	_ =	sdelay $0x1  }
0xf8: {  	v1 =	vadd.f32 v4, v1;
	_ =	sdelay $0x1  }
0xf9: {  	v1 =	vadd.f32 v2, v1;
	_ =	sdelay $0x1  }
0xfa: {  	[tilespmem:s0+$0x10410] =	vst v1  }
0xfb: {  	v1 =	vld [tilespmem:s30+$0xFFFFFE20]  }
0xfc: {  	v2 =	vld [tilespmem:s30+$0xFFFFFEA0];
	_ =	sdelay $0x1  }
0xfd: {  	v3 =	vld [tilespmem:s30+$0xFFFFFF20];
	_ =	sdelay $0x1  }
0xfe: {  	v4 =	vld [tilespmem:s30+$0xFFFFFFA0]  }
0xff: {  	v1 =	vadd.f32 v2, v1  }
0x100: {  	v2 =	vld [tilespmem:s30+$0x20]  }
0x101: {  	v1 =	vadd.f32 v3, v1  }
0x102: {  	v3 =	vld [tilespmem:s30+$0xA0]  }
0x103: {  	v1 =	vadd.f32 v4, v1  }
0x104: {  	v4 =	vld [tilespmem:s30+$0x120]  }
0x105: {  	v1 =	vadd.f32 v2, v1  }
0x106: {  	v2 =	vld [tilespmem:s30+$0x1A0]  }
0x107: {  	v1 =	vadd.f32 v3, v1;
	_ =	sdelay $0x1  }
0x108: {  	v1 =	vadd.f32 v4, v1;
	_ =	sdelay $0x1  }
0x109: {  	v1 =	vadd.f32 v2, v1;
	_ =	sdelay $0x1  }
0x10a: {  	[tilespmem:s0+$0x10420] =	vst v1  }
0x10b: {  	v1 =	vld [tilespmem:s30+$0xFFFFFE30]  }
0x10c: {  	v2 =	vld [tilespmem:s30+$0xFFFFFEB0];
	_ =	sdelay $0x1  }
0x10d: {  	v3 =	vld [tilespmem:s30+$0xFFFFFF30];
	_ =	sdelay $0x1  }
0x10e: {  	v4 =	vld [tilespmem:s30+$0xFFFFFFB0]  }
0x10f: {  	v1 =	vadd.f32 v2, v1  }
0x110: {  	v2 =	vld [tilespmem:s30+$0x30]  }
0x111: {  	v1 =	vadd.f32 v3, v1  }
0x112: {  	v3 =	vld [tilespmem:s30+$0xB0]  }
0x113: {  	v1 =	vadd.f32 v4, v1  }
0x114: {  	v4 =	vld [tilespmem:s30+$0x130]  }
0x115: {  	v1 =	vadd.f32 v2, v1  }
0x116: {  	v2 =	vld [tilespmem:s30+$0x1B0]  }
0x117: {  	v1 =	vadd.f32 v3, v1;
	_ =	sdelay $0x1  }
0x118: {  	v1 =	vadd.f32 v4, v1;
	_ =	sdelay $0x1  }
0x119: {  	v1 =	vadd.f32 v2, v1;
	_ =	sdelay $0x1  }
0x11a: {  	[tilespmem:s0+$0x10430] =	vst v1  }
0x11b: {  	v1 =	vld [tilespmem:s30+$0xFFFFFE40]  }
0x11c: {  	v2 =	vld [tilespmem:s30+$0xFFFFFEC0];
	_ =	sdelay $0x1  }
0x11d: {  	v3 =	vld [tilespmem:s30+$0xFFFFFF40];
	_ =	sdelay $0x1  }
0x11e: {  	v4 =	vld [tilespmem:s30+$0xFFFFFFC0]  }
0x11f: {  	v1 =	vadd.f32 v2, v1  }
0x120: {  	v2 =	vld [tilespmem:s30+$0x40]  }
0x121: {  	v1 =	vadd.f32 v3, v1  }
0x122: {  	v3 =	vld [tilespmem:s30+$0xC0]  }
0x123: {  	v1 =	vadd.f32 v4, v1  }
0x124: {  	v4 =	vld [tilespmem:s30+$0x140]  }
0x125: {  	v1 =	vadd.f32 v2, v1  }
0x126: {  	v2 =	vld [tilespmem:s30+$0x1C0]  }
0x127: {  	v1 =	vadd.f32 v3, v1;
	_ =	sdelay $0x1  }
0x128: {  	v1 =	vadd.f32 v4, v1;
	_ =	sdelay $0x1  }
0x129: {  	v1 =	vadd.f32 v2, v1;
	_ =	sdelay $0x1  }
0x12a: {  	[tilespmem:s0+$0x10440] =	vst v1  }
0x12b: {  	v1 =	vld [tilespmem:s30+$0xFFFFFE50]  }
0x12c: {  	v2 =	vld [tilespmem:s30+$0xFFFFFED0]  }
0x12d: {  	v3 =	vld [tilespmem:s30+$0xFFFFFF50]  }
0x12e: {  	v4 =	vld [tilespmem:s30+$0xFFFFFFD0]  }
0x12f: {  	v5 =	vld [tilespmem:s30+$0x50]  }
0x130: {  	v6 =	vld [tilespmem:s30+$0xD0]  }
0x131: {  	v1 =	vadd.f32 v2, v1;
	v2 =	vld [tilespmem:s30+$0x150]  }
0x132: {  	v7 =	vld [tilespmem:s30+$0x1D0]  }
0x133: {  	v1 =	vadd.f32 v3, v1;
	_ =	sdelay $0x1  }
0x134: {  	v1 =	vadd.f32 v4, v1;
	_ =	sdelay $0x1  }
0x135: {  	v1 =	vadd.f32 v5, v1;
	_ =	sdelay $0x1  }
0x136: {  	v1 =	vadd.f32 v6, v1;
	_ =	sdelay $0x1  }
0x137: {  	v1 =	vadd.f32 v2, v1;
	_ =	sdelay $0x1  }
0x138: {  	v1 =	vadd.f32 v7, v1;
	_ =	sdelay $0x1  }
0x139: {  	[tilespmem:s0+$0x10450] =	vst v1  }
0x13a: {  	v1 =	vld [tilespmem:s30+$0xFFFFFE60]  }
0x13b: {  	v2 =	vld [tilespmem:s30+$0xFFFFFEE0]  }
0x13c: {  	v3 =	vld [tilespmem:s30+$0xFFFFFF60]  }
0x13d: {  	v4 =	vld [tilespmem:s30+$0xFFFFFFE0]  }
0x13e: {  	v5 =	vld [tilespmem:s30+$0x60]  }
0x13f: {  	v6 =	vld [tilespmem:s30+$0xE0]  }
0x140: {  	v1 =	vadd.f32 v2, v1;
	v2 =	vld [tilespmem:s30+$0x160]  }
0x141: {  	v7 =	vld [tilespmem:s30+$0x1E0]  }
0x142: {  	v1 =	vadd.f32 v3, v1;
	_ =	sdelay $0x1  }
0x143: {  	v1 =	vadd.f32 v4, v1;
	_ =	sdelay $0x1  }
0x144: {  	v1 =	vadd.f32 v5, v1;
	_ =	sdelay $0x1  }
0x145: {  	v1 =	vadd.f32 v6, v1;
	_ =	sdelay $0x1  }
0x146: {  	v1 =	vadd.f32 v2, v1;
	_ =	sdelay $0x1  }
0x147: {  	v1 =	vadd.f32 v7, v1;
	_ =	sdelay $0x1  }
0x148: {  	[tilespmem:s0+$0x10460] =	vst v1  }
0x149: {  	v2 =	vld [tilespmem:s30+$0xFFFFFE70]  }
0x14a: {  	v3 =	vld [tilespmem:s30+$0xFFFFFEF0]  }
0x14b: {  	v5 =	vld [tilespmem:s30+$0xFFFFFF70]  }
0x14c: {  	v6 =	vld [tilespmem:s30+$0xFFFFFFF0]  }
0x14d: {  	v4 =	vld [tilespmem:s30+$0x70]  }
0x14e: {  	v1 =	vld [tilespmem:s30+$0xF0]  }
.Ltmp2:
0x14f: {  	v7 =	vadd.f32 v3, v2;
	v2 =	vld [tilespmem:s30+$0x170];
	(pc) =	sbr.rel @p0 .LBB2_3-.Ltmp2, $3  }
0x150: {  	v3 =	vld [tilespmem:s30+$0x1F0]  }
0x151: {  	v5 =	vadd.f32 v5, v7;
	_ =	sdelay $0x1  }
0x152: {  	v5 =	vadd.f32 v6, v5  }
0x153: {  	_ = 	snop  }
0x154: {  	v4 =	vadd.f32 v4, v5;
	_ =	sdelay $0x1  }
0x155: {  	v1 =	vadd.f32 v1, v4;
	_ =	sdelay $0x1  }
0x156: {  	v1 =	vadd.f32 v2, v1;
	_ =	sdelay $0x1  }
0x157: {  	v1 =	vadd.f32 v3, v1  }
0x158: {  	p0 =	seq.s32 s29, $0x0  }
0x159: {  	[tilespmem:s0+$0x10470] =	vst v1;
	s0 =	simm.s32 @!p0 $0x3  }
0x15a: {  	_ =	swait.ge @!p0 [sflag:s0], $0x1000  }
0x15b: {  	s2 =	sshll.u32 s29, $0xA;
	p1 =	seq.s32 s29, $0x3F;
	[sflag:s0] =	ssyncset.done @!p0 $0x0  }
0x15c: {  	s30 =	sshll.u32 s29, $0x6;
	s31 =	sadd.s32 s2, s6;
	[sflag:s0] =	ssyncadd.s32 @!p0 $0xFFFFF000  }
0x15d: {  	[hbm4b:s31+s3] =	stream.linear.scatter [tilespmem:s22], [sflag:$0x3], $0x1000, $0x38;
	[tilespmem:$0x12400] =	vst v63  }
0x15e: {  	s0 =	sadd.s32 @!p1 s30, s7  }
0x15f: {  	[tilespmem:s3], [sflag:$0x5] =	stream.linear.gather @!p1 [hbm4b:s0+s3], $0x100, $0x38;
	[tilespmem:$0x12400] =	vst v63  }
0x160: {  	_ =	swait.ge @!p1 [sflag:s10], $0x100  }
0x161: {  	[sflag:s10] =	ssyncset.done @!p1 $0x0  }
0x162: {  	[sflag:s10] =	ssyncadd.s32 @!p1 $0xFFFFFF00  }
0x163: {  	v1 =	vld @!p1 [tilespmem:$0x0]  }
0x164: {  	v2 =	vld @!p1 [tilespmem:$0x10]  }
0x165: {  	v3 =	vld @!p1 [tilespmem:$0x20]  }
0x166: {  	v4 =	vld @!p1 [tilespmem:$0x30]  }
0x167: {  	v5 =	vld @!p1 [tilespmem:$0x40]  }
0x168: {  	v6 =	vld @!p1 [tilespmem:$0x50];
	v1 =	vadd.s32 @!p1 v0, v1  }
0x169: {  	[tilespmem:$0x200] =	vst @!p1 v1;
	v1 =	vadd.s32 @!p1 v0, v2;
	v2 =	vld @!p1 [tilespmem:$0x60]  }
0x16a: {  	[tilespmem:$0x210] =	vst @!p1 v1;
	v1 =	vadd.s32 @!p1 v0, v3;
	v3 =	vld @!p1 [tilespmem:$0x70]  }
0x16b: {  	[tilespmem:$0x220] =	vst @!p1 v1;
	v1 =	vadd.s32 @!p1 v0, v4;
	v4 =	vld @!p1 [tilespmem:$0x80]  }
0x16c: {  	[tilespmem:$0x230] =	vst @!p1 v1;
	v1 =	vadd.s32 @!p1 v0, v5;
	v5 =	vld @!p1 [tilespmem:$0x90]  }
0x16d: {  	[tilespmem:$0x240] =	vst @!p1 v1;
	v1 =	vadd.s32 @!p1 v0, v6;
	v6 =	vld @!p1 [tilespmem:$0xA0]  }
0x16e: {  	[tilespmem:$0x250] =	vst @!p1 v1;
	v1 =	vadd.s32 @!p1 v0, v2;
	v2 =	vld @!p1 [tilespmem:$0xB0]  }
0x16f: {  	[tilespmem:$0x260] =	vst @!p1 v1;
	v1 =	vadd.s32 @!p1 v0, v3;
	v3 =	vld @!p1 [tilespmem:$0xC0]  }
0x170: {  	[tilespmem:$0x270] =	vst @!p1 v1;
	v1 =	vadd.s32 @!p1 v0, v4;
	v4 =	vld @!p1 [tilespmem:$0xD0]  }
0x171: {  	[tilespmem:$0x280] =	vst @!p1 v1;
	v1 =	vadd.s32 @!p1 v0, v5;
	v5 =	vld @!p1 [tilespmem:$0xE0]  }
0x172: {  	[tilespmem:$0x290] =	vst @!p1 v1;
	v1 =	vadd.s32 @!p1 v0, v6;
	v6 =	vld @!p1 [tilespmem:$0xF0]  }
0x173: {  	[tilespmem:$0x2A0] =	vst @!p1 v1;
	v1 =	vadd.s32 @!p1 v0, v2  }
0x174: {  	[tilespmem:$0x2B0] =	vst @!p1 v1;
	v1 =	vadd.s32 @!p1 v0, v3  }
0x175: {  	[tilespmem:$0x2C0] =	vst @!p1 v1;
	v1 =	vadd.s32 @!p1 v0, v4  }
0x176: {  	[tilespmem:$0x2D0] =	vst @!p1 v1;
	v1 =	vadd.s32 @!p1 v0, v5  }
0x177: {  	[tilespmem:$0x2E0] =	vst @!p1 v1;
	v1 =	vadd.s32 @!p1 v0, v6  }
0x178: {  	[tilespmem:$0x2F0] =	vst @!p1 v1  }
0x179: {  	[tilespmem:s13], [sflag:$0x1] =	stream.indirect.gather @!p1 [hbm4b:s1+s11], $0x80, s12, s11, $0xb8;
	[tilespmem:$0x12400] =	vst v63  }
0x17a: {  	_ = 	snop  }
0x17b: {  	[tilespmem:s15], [sflag:$0x1] =	stream.indirect.gather @!p1 [hbm4b:s1+s11], $0x80, s14, s11, $0xb8;
	[tilespmem:$0x12400] =	vst v63  }
0x17c: {  	_ =	swait.ge [sflag:s23], $0x8000  }
0x17d: {  	[sflag:s23] =	ssyncset.done $0x0  }
0x17e: {  	s0 =	simm.s32 $0x8600;
	[sflag:s23] =	ssyncadd.s32 $0xFFFF8000  }
0x17f: {  	v1 =	vld [tilespmem:s0+$0xFFFFFE80]  }
0x180: {  	v2 =	vld [tilespmem:s0+$0xFFFFFE00];
	_ =	sdelay $0x1  }
0x181: {  	v3 =	vld [tilespmem:s0+$0xFFFFFF00];
	_ =	sdelay $0x1  }
0x182: {  	v4 =	vld [tilespmem:s0+$0xFFFFFF80]  }
0x183: {  	v1 =	vadd.f32 v1, v2  }
0x184: {  	v2 =	vld [tilespmem:s0+$0x0]  }
0x185: {  	v1 =	vadd.f32 v3, v1  }
0x186: {  	v3 =	vld [tilespmem:s0+$0x80]  }
0x187: {  	v1 =	vadd.f32 v4, v1  }
0x188: {  	v4 =	vld [tilespmem:s0+$0x100]  }
0x189: {  	v1 =	vadd.f32 v2, v1  }
0x18a: {  	v2 =	vld [tilespmem:s0+$0x180]  }
0x18b: {  	v1 =	vadd.f32 v3, v1;
	_ =	sdelay $0x1  }
0x18c: {  	v1 =	vadd.f32 v4, v1;
	_ =	sdelay $0x1  }
0x18d: {  	v1 =	vadd.f32 v2, v1  }
0x18e: {  	s2 =	simm.s32 $0x0  }
0x18f: {  	[tilespmem:s2+$0x11400] =	vst v1  }
0x190: {  	v1 =	vld [tilespmem:s0+$0xFFFFFE10]  }
0x191: {  	v2 =	vld [tilespmem:s0+$0xFFFFFE90];
	_ =	sdelay $0x1  }
0x192: {  	v3 =	vld [tilespmem:s0+$0xFFFFFF10];
	_ =	sdelay $0x1  }
0x193: {  	v4 =	vld [tilespmem:s0+$0xFFFFFF90]  }
0x194: {  	v1 =	vadd.f32 v2, v1  }
0x195: {  	v2 =	vld [tilespmem:s0+$0x10]  }
0x196: {  	v1 =	vadd.f32 v3, v1  }
0x197: {  	v3 =	vld [tilespmem:s0+$0x90]  }
0x198: {  	v1 =	vadd.f32 v4, v1  }
0x199: {  	v4 =	vld [tilespmem:s0+$0x110]  }
0x19a: {  	v1 =	vadd.f32 v2, v1  }
0x19b: {  	v2 =	vld [tilespmem:s0+$0x190]  }
0x19c: {  	v1 =	vadd.f32 v3, v1;
	_ =	sdelay $0x1  }
0x19d: {  	v1 =	vadd.f32 v4, v1;
	_ =	sdelay $0x1  }
0x19e: {  	v1 =	vadd.f32 v2, v1;
	_ =	sdelay $0x1  }
0x19f: {  	[tilespmem:s2+$0x11410] =	vst v1  }
0x1a0: {  	v1 =	vld [tilespmem:s0+$0xFFFFFE20]  }
0x1a1: {  	v2 =	vld [tilespmem:s0+$0xFFFFFEA0];
	_ =	sdelay $0x1  }
0x1a2: {  	v3 =	vld [tilespmem:s0+$0xFFFFFF20];
	_ =	sdelay $0x1  }
0x1a3: {  	v4 =	vld [tilespmem:s0+$0xFFFFFFA0]  }
0x1a4: {  	v1 =	vadd.f32 v2, v1  }
0x1a5: {  	v2 =	vld [tilespmem:s0+$0x20]  }
0x1a6: {  	v1 =	vadd.f32 v3, v1  }
0x1a7: {  	v3 =	vld [tilespmem:s0+$0xA0]  }
0x1a8: {  	v1 =	vadd.f32 v4, v1  }
0x1a9: {  	v4 =	vld [tilespmem:s0+$0x120]  }
0x1aa: {  	v1 =	vadd.f32 v2, v1  }
0x1ab: {  	v2 =	vld [tilespmem:s0+$0x1A0]  }
0x1ac: {  	v1 =	vadd.f32 v3, v1;
	_ =	sdelay $0x1  }
0x1ad: {  	v1 =	vadd.f32 v4, v1;
	_ =	sdelay $0x1  }
0x1ae: {  	v1 =	vadd.f32 v2, v1;
	_ =	sdelay $0x1  }
0x1af: {  	[tilespmem:s2+$0x11420] =	vst v1  }
0x1b0: {  	v1 =	vld [tilespmem:s0+$0xFFFFFE30]  }
0x1b1: {  	v2 =	vld [tilespmem:s0+$0xFFFFFEB0];
	_ =	sdelay $0x1  }
0x1b2: {  	v3 =	vld [tilespmem:s0+$0xFFFFFF30];
	_ =	sdelay $0x1  }
0x1b3: {  	v4 =	vld [tilespmem:s0+$0xFFFFFFB0]  }
0x1b4: {  	v1 =	vadd.f32 v2, v1  }
0x1b5: {  	v2 =	vld [tilespmem:s0+$0x30]  }
0x1b6: {  	v1 =	vadd.f32 v3, v1  }
0x1b7: {  	v3 =	vld [tilespmem:s0+$0xB0]  }
0x1b8: {  	v1 =	vadd.f32 v4, v1  }
0x1b9: {  	v4 =	vld [tilespmem:s0+$0x130]  }
0x1ba: {  	v1 =	vadd.f32 v2, v1  }
0x1bb: {  	v2 =	vld [tilespmem:s0+$0x1B0]  }
0x1bc: {  	v1 =	vadd.f32 v3, v1;
	_ =	sdelay $0x1  }
0x1bd: {  	v1 =	vadd.f32 v4, v1;
	_ =	sdelay $0x1  }
0x1be: {  	v1 =	vadd.f32 v2, v1;
	_ =	sdelay $0x1  }
0x1bf: {  	[tilespmem:s2+$0x11430] =	vst v1  }
0x1c0: {  	v1 =	vld [tilespmem:s0+$0xFFFFFE40]  }
0x1c1: {  	v2 =	vld [tilespmem:s0+$0xFFFFFEC0];
	_ =	sdelay $0x1  }
0x1c2: {  	v3 =	vld [tilespmem:s0+$0xFFFFFF40];
	_ =	sdelay $0x1  }
0x1c3: {  	v4 =	vld [tilespmem:s0+$0xFFFFFFC0]  }
0x1c4: {  	v1 =	vadd.f32 v2, v1  }
0x1c5: {  	v2 =	vld [tilespmem:s0+$0x40]  }
0x1c6: {  	v1 =	vadd.f32 v3, v1  }
0x1c7: {  	v3 =	vld [tilespmem:s0+$0xC0]  }
0x1c8: {  	v1 =	vadd.f32 v4, v1  }
0x1c9: {  	v4 =	vld [tilespmem:s0+$0x140]  }
0x1ca: {  	v1 =	vadd.f32 v2, v1  }
0x1cb: {  	v2 =	vld [tilespmem:s0+$0x1C0]  }
0x1cc: {  	v1 =	vadd.f32 v3, v1;
	_ =	sdelay $0x1  }
0x1cd: {  	v1 =	vadd.f32 v4, v1;
	_ =	sdelay $0x1  }
0x1ce: {  	v1 =	vadd.f32 v2, v1;
	_ =	sdelay $0x1  }
0x1cf: {  	[tilespmem:s2+$0x11440] =	vst v1  }
0x1d0: {  	v1 =	vld [tilespmem:s0+$0xFFFFFE50]  }
0x1d1: {  	v2 =	vld [tilespmem:s0+$0xFFFFFED0];
	_ =	sdelay $0x1  }
0x1d2: {  	v3 =	vld [tilespmem:s0+$0xFFFFFF50];
	_ =	sdelay $0x1  }
0x1d3: {  	v4 =	vld [tilespmem:s0+$0xFFFFFFD0]  }
0x1d4: {  	v1 =	vadd.f32 v2, v1  }
0x1d5: {  	v2 =	vld [tilespmem:s0+$0x50]  }
0x1d6: {  	v1 =	vadd.f32 v3, v1  }
0x1d7: {  	v3 =	vld [tilespmem:s0+$0xD0]  }
0x1d8: {  	v1 =	vadd.f32 v4, v1  }
0x1d9: {  	v4 =	vld [tilespmem:s0+$0x150]  }
0x1da: {  	v1 =	vadd.f32 v2, v1  }
0x1db: {  	v2 =	vld [tilespmem:s0+$0x1D0]  }
0x1dc: {  	v1 =	vadd.f32 v3, v1;
	_ =	sdelay $0x1  }
0x1dd: {  	v1 =	vadd.f32 v4, v1;
	_ =	sdelay $0x1  }
0x1de: {  	v1 =	vadd.f32 v2, v1;
	_ =	sdelay $0x1  }
0x1df: {  	[tilespmem:s2+$0x11450] =	vst v1  }
0x1e0: {  	v1 =	vld [tilespmem:s0+$0xFFFFFE60]  }
0x1e1: {  	v2 =	vld [tilespmem:s0+$0xFFFFFEE0];
	_ =	sdelay $0x1  }
0x1e2: {  	v3 =	vld [tilespmem:s0+$0xFFFFFF60];
	_ =	sdelay $0x1  }
0x1e3: {  	v4 =	vld [tilespmem:s0+$0xFFFFFFE0]  }
0x1e4: {  	v1 =	vadd.f32 v2, v1  }
0x1e5: {  	v2 =	vld [tilespmem:s0+$0x60]  }
0x1e6: {  	v1 =	vadd.f32 v3, v1  }
0x1e7: {  	v3 =	vld [tilespmem:s0+$0xE0]  }
0x1e8: {  	v1 =	vadd.f32 v4, v1  }
0x1e9: {  	v4 =	vld [tilespmem:s0+$0x160]  }
0x1ea: {  	v1 =	vadd.f32 v2, v1  }
0x1eb: {  	v2 =	vld [tilespmem:s0+$0x1E0]  }
0x1ec: {  	v1 =	vadd.f32 v3, v1;
	_ =	sdelay $0x1  }
0x1ed: {  	v1 =	vadd.f32 v4, v1;
	_ =	sdelay $0x1  }
0x1ee: {  	v1 =	vadd.f32 v2, v1;
	_ =	sdelay $0x1  }
0x1ef: {  	[tilespmem:s2+$0x11460] =	vst v1  }
0x1f0: {  	v1 =	vld [tilespmem:s0+$0xFFFFFE70]  }
0x1f1: {  	v2 =	vld [tilespmem:s0+$0xFFFFFEF0];
	_ =	sdelay $0x1  }
0x1f2: {  	v3 =	vld [tilespmem:s0+$0xFFFFFF70];
	_ =	sdelay $0x1  }
0x1f3: {  	v5 =	vld [tilespmem:s0+$0xFFFFFFF0]  }
0x1f4: {  	v2 =	vadd.f32 v2, v1  }
0x1f5: {  	v4 =	vld [tilespmem:s0+$0x70]  }
0x1f6: {  	v1 =	vld [tilespmem:s0+$0xF0];
	v6 =	vadd.f32 v3, v2  }
0x1f7: {  	v2 =	vld [tilespmem:s0+$0x170]  }
0x1f8: {  	s5 =	simm.s32 $0x200;
	v3 =	vld [tilespmem:s0+$0x1F0];
	v5 =	vadd.f32 v5, v6  }
.LBB2_5:
0x1f9: {  	p2 =	sne.s32 s5, $0x3E00  }
0x1fa: {  	s0 =	sadd.s32 $0x400, s0;
	s9 =	smov.u32 s5;
	s5 =	sadd.s32 $0x200, s5;
	v4 =	vadd.f32 v4, v5  }
0x1fb: {  	_ = 	snop  }
0x1fc: {  	v1 =	vadd.f32 v1, v4;
	_ =	sdelay $0x1  }
0x1fd: {  	v1 =	vadd.f32 v2, v1;
	_ =	sdelay $0x1  }
0x1fe: {  	v1 =	vadd.f32 v3, v1;
	_ =	sdelay $0x1  }
0x1ff: {  	[tilespmem:s2+$0x11470] =	vst v1  }
0x200: {  	v1 =	vld [tilespmem:s0+$0xFFFFFE80]  }
0x201: {  	v2 =	vld [tilespmem:s0+$0xFFFFFE00]  }
0x202: {  	v3 =	vld [tilespmem:s0+$0xFFFFFF00];
	_ =	sdelay $0x2  }
0x203: {  	v4 =	vld [tilespmem:s0+$0xFFFFFF80]  }
0x204: {  	v1 =	vadd.f32 v1, v2  }
0x205: {  	v2 =	vld [tilespmem:s0+$0x0]  }
0x206: {  	v1 =	vadd.f32 v3, v1  }
0x207: {  	v3 =	vld [tilespmem:s0+$0x80]  }
0x208: {  	v1 =	vadd.f32 v4, v1  }
0x209: {  	v4 =	vld [tilespmem:s0+$0x100]  }
0x20a: {  	v1 =	vadd.f32 v2, v1  }
0x20b: {  	v2 =	vld [tilespmem:s0+$0x180]  }
0x20c: {  	v1 =	vadd.f32 v3, v1;
	_ =	sdelay $0x1  }
0x20d: {  	v1 =	vadd.f32 v4, v1;
	_ =	sdelay $0x1  }
0x20e: {  	v1 =	vadd.f32 v2, v1  }
0x20f: {  	s2 =	sshra.s32 s9, $0x2  }
0x210: {  	[tilespmem:s2+$0x11400] =	vst v1  }
0x211: {  	v1 =	vld [tilespmem:s0+$0xFFFFFE10]  }
0x212: {  	v2 =	vld [tilespmem:s0+$0xFFFFFE90];
	_ =	sdelay $0x1  }
0x213: {  	v3 =	vld [tilespmem:s0+$0xFFFFFF10];
	_ =	sdelay $0x1  }
0x214: {  	v4 =	vld [tilespmem:s0+$0xFFFFFF90]  }
0x215: {  	v1 =	vadd.f32 v2, v1  }
0x216: {  	v2 =	vld [tilespmem:s0+$0x10]  }
0x217: {  	v1 =	vadd.f32 v3, v1  }
0x218: {  	v3 =	vld [tilespmem:s0+$0x90]  }
0x219: {  	v1 =	vadd.f32 v4, v1  }
0x21a: {  	v4 =	vld [tilespmem:s0+$0x110]  }
0x21b: {  	v1 =	vadd.f32 v2, v1  }
0x21c: {  	v2 =	vld [tilespmem:s0+$0x190]  }
0x21d: {  	v1 =	vadd.f32 v3, v1;
	_ =	sdelay $0x1  }
0x21e: {  	v1 =	vadd.f32 v4, v1;
	_ =	sdelay $0x1  }
0x21f: {  	v1 =	vadd.f32 v2, v1;
	_ =	sdelay $0x1  }
0x220: {  	[tilespmem:s2+$0x11410] =	vst v1  }
0x221: {  	v1 =	vld [tilespmem:s0+$0xFFFFFE20]  }
0x222: {  	v2 =	vld [tilespmem:s0+$0xFFFFFEA0];
	_ =	sdelay $0x1  }
0x223: {  	v3 =	vld [tilespmem:s0+$0xFFFFFF20];
	_ =	sdelay $0x1  }
0x224: {  	v4 =	vld [tilespmem:s0+$0xFFFFFFA0]  }
0x225: {  	v1 =	vadd.f32 v2, v1  }
0x226: {  	v2 =	vld [tilespmem:s0+$0x20]  }
0x227: {  	v1 =	vadd.f32 v3, v1  }
0x228: {  	v3 =	vld [tilespmem:s0+$0xA0]  }
0x229: {  	v1 =	vadd.f32 v4, v1  }
0x22a: {  	v4 =	vld [tilespmem:s0+$0x120]  }
0x22b: {  	v1 =	vadd.f32 v2, v1  }
0x22c: {  	v2 =	vld [tilespmem:s0+$0x1A0]  }
0x22d: {  	v1 =	vadd.f32 v3, v1;
	_ =	sdelay $0x1  }
0x22e: {  	v1 =	vadd.f32 v4, v1;
	_ =	sdelay $0x1  }
0x22f: {  	v1 =	vadd.f32 v2, v1;
	_ =	sdelay $0x1  }
0x230: {  	[tilespmem:s2+$0x11420] =	vst v1  }
0x231: {  	v1 =	vld [tilespmem:s0+$0xFFFFFE30]  }
0x232: {  	v2 =	vld [tilespmem:s0+$0xFFFFFEB0];
	_ =	sdelay $0x1  }
0x233: {  	v3 =	vld [tilespmem:s0+$0xFFFFFF30];
	_ =	sdelay $0x1  }
0x234: {  	v4 =	vld [tilespmem:s0+$0xFFFFFFB0]  }
0x235: {  	v1 =	vadd.f32 v2, v1  }
0x236: {  	v2 =	vld [tilespmem:s0+$0x30]  }
0x237: {  	v1 =	vadd.f32 v3, v1  }
0x238: {  	v3 =	vld [tilespmem:s0+$0xB0]  }
0x239: {  	v1 =	vadd.f32 v4, v1  }
0x23a: {  	v4 =	vld [tilespmem:s0+$0x130]  }
0x23b: {  	v1 =	vadd.f32 v2, v1  }
0x23c: {  	v2 =	vld [tilespmem:s0+$0x1B0]  }
0x23d: {  	v1 =	vadd.f32 v3, v1;
	_ =	sdelay $0x1  }
0x23e: {  	v1 =	vadd.f32 v4, v1;
	_ =	sdelay $0x1  }
0x23f: {  	v1 =	vadd.f32 v2, v1;
	_ =	sdelay $0x1  }
0x240: {  	[tilespmem:s2+$0x11430] =	vst v1  }
0x241: {  	v1 =	vld [tilespmem:s0+$0xFFFFFE40]  }
0x242: {  	v2 =	vld [tilespmem:s0+$0xFFFFFEC0];
	_ =	sdelay $0x1  }
0x243: {  	v3 =	vld [tilespmem:s0+$0xFFFFFF40];
	_ =	sdelay $0x1  }
0x244: {  	v4 =	vld [tilespmem:s0+$0xFFFFFFC0]  }
0x245: {  	v1 =	vadd.f32 v2, v1  }
0x246: {  	v2 =	vld [tilespmem:s0+$0x40]  }
0x247: {  	v1 =	vadd.f32 v3, v1  }
0x248: {  	v3 =	vld [tilespmem:s0+$0xC0]  }
0x249: {  	v1 =	vadd.f32 v4, v1  }
0x24a: {  	v4 =	vld [tilespmem:s0+$0x140]  }
0x24b: {  	v1 =	vadd.f32 v2, v1  }
0x24c: {  	v2 =	vld [tilespmem:s0+$0x1C0]  }
0x24d: {  	v1 =	vadd.f32 v3, v1;
	_ =	sdelay $0x1  }
0x24e: {  	v1 =	vadd.f32 v4, v1;
	_ =	sdelay $0x1  }
0x24f: {  	v1 =	vadd.f32 v2, v1;
	_ =	sdelay $0x1  }
0x250: {  	[tilespmem:s2+$0x11440] =	vst v1  }
0x251: {  	v1 =	vld [tilespmem:s0+$0xFFFFFE50]  }
0x252: {  	v2 =	vld [tilespmem:s0+$0xFFFFFED0]  }
0x253: {  	v3 =	vld [tilespmem:s0+$0xFFFFFF50]  }
0x254: {  	v4 =	vld [tilespmem:s0+$0xFFFFFFD0]  }
0x255: {  	v5 =	vld [tilespmem:s0+$0x50]  }
0x256: {  	v6 =	vld [tilespmem:s0+$0xD0]  }
0x257: {  	v1 =	vadd.f32 v2, v1;
	v2 =	vld [tilespmem:s0+$0x150]  }
0x258: {  	v7 =	vld [tilespmem:s0+$0x1D0]  }
0x259: {  	v1 =	vadd.f32 v3, v1;
	_ =	sdelay $0x1  }
0x25a: {  	v1 =	vadd.f32 v4, v1;
	_ =	sdelay $0x1  }
0x25b: {  	v1 =	vadd.f32 v5, v1;
	_ =	sdelay $0x1  }
0x25c: {  	v1 =	vadd.f32 v6, v1;
	_ =	sdelay $0x1  }
0x25d: {  	v1 =	vadd.f32 v2, v1;
	_ =	sdelay $0x1  }
0x25e: {  	v1 =	vadd.f32 v7, v1;
	_ =	sdelay $0x1  }
0x25f: {  	[tilespmem:s2+$0x11450] =	vst v1  }
0x260: {  	v1 =	vld [tilespmem:s0+$0xFFFFFE60]  }
0x261: {  	v2 =	vld [tilespmem:s0+$0xFFFFFEE0]  }
0x262: {  	v3 =	vld [tilespmem:s0+$0xFFFFFF60]  }
0x263: {  	v4 =	vld [tilespmem:s0+$0xFFFFFFE0]  }
0x264: {  	v5 =	vld [tilespmem:s0+$0x60]  }
0x265: {  	v6 =	vld [tilespmem:s0+$0xE0]  }
0x266: {  	v1 =	vadd.f32 v2, v1;
	v2 =	vld [tilespmem:s0+$0x160]  }
0x267: {  	v7 =	vld [tilespmem:s0+$0x1E0]  }
0x268: {  	v1 =	vadd.f32 v3, v1;
	_ =	sdelay $0x1  }
0x269: {  	v1 =	vadd.f32 v4, v1;
	_ =	sdelay $0x1  }
0x26a: {  	v1 =	vadd.f32 v5, v1;
	_ =	sdelay $0x1  }
0x26b: {  	v1 =	vadd.f32 v6, v1;
	_ =	sdelay $0x1  }
0x26c: {  	v1 =	vadd.f32 v2, v1;
	_ =	sdelay $0x1  }
0x26d: {  	v1 =	vadd.f32 v7, v1;
	_ =	sdelay $0x1  }
0x26e: {  	[tilespmem:s2+$0x11460] =	vst v1  }
0x26f: {  	v2 =	vld [tilespmem:s0+$0xFFFFFE70]  }
0x270: {  	v3 =	vld [tilespmem:s0+$0xFFFFFEF0]  }
0x271: {  	v5 =	vld [tilespmem:s0+$0xFFFFFF70]  }
0x272: {  	v6 =	vld [tilespmem:s0+$0xFFFFFFF0]  }
0x273: {  	v4 =	vld [tilespmem:s0+$0x70]  }
0x274: {  	v1 =	vld [tilespmem:s0+$0xF0]  }
.Ltmp3:
0x275: {  	v7 =	vadd.f32 v3, v2;
	v2 =	vld [tilespmem:s0+$0x170];
	(pc) =	sbr.rel @p2 .LBB2_5-.Ltmp3, $3  }
0x276: {  	v3 =	vld [tilespmem:s0+$0x1F0]  }
0x277: {  	v5 =	vadd.f32 v5, v7;
	_ =	sdelay $0x1  }
0x278: {  	v5 =	vadd.f32 v6, v5  }
0x279: {  	_ = 	snop  }
0x27a: {  	v4 =	vadd.f32 v4, v5;
	_ =	sdelay $0x1  }
0x27b: {  	v1 =	vadd.f32 v1, v4;
	_ =	sdelay $0x1  }
0x27c: {  	v1 =	vadd.f32 v2, v1;
	_ =	sdelay $0x1  }
0x27d: {  	v1 =	vadd.f32 v3, v1;
	_ =	sdelay $0x1  }
.Ltmp4:
0x27e: {  	s0 =	simm.s32 @!p0 $0x4;
	[tilespmem:s2+$0x11470] =	vst v1;
	(pc) =	sbr.rel @p1 .LBB2_8-.Ltmp4, $4  }
0x27f: {  	_ =	swait.ge @!p0 [sflag:s0], $0x1000  }
0x280: {  	[sflag:s0] =	ssyncset.done @!p0 $0x0  }
0x281: {  	s31 =	sadd.s32 $0x200, s31;
	[sflag:s0] =	ssyncadd.s32 @!p0 $0xFFFFF000  }
0x282: {  	[hbm4b:s31+s3] =	stream.linear.scatter [tilespmem:s24], [sflag:$0x4], $0x1000, $0x38;
	[tilespmem:$0x12400] =	vst v63  }
0x283: {  	s0 =	sadd.s32 s30, s8  }
0x284: {  	[tilespmem:s16], [sflag:$0x5] =	stream.linear.gather [hbm4b:s0+s3], $0x100, $0x38;
	[tilespmem:$0x12400] =	vst v63  }
0x285: {  	_ =	swait.ge [sflag:s10], $0x100  }
0x286: {  	[sflag:s10] =	ssyncset.done $0x0  }
0x287: {  	[sflag:s10] =	ssyncadd.s32 $0xFFFFFF00  }
0x288: {  	v1 =	vld [tilespmem:$0x100]  }
0x289: {  	v2 =	vld [tilespmem:$0x110]  }
0x28a: {  	v3 =	vld [tilespmem:$0x120]  }
0x28b: {  	v4 =	vld [tilespmem:$0x130]  }
0x28c: {  	v5 =	vld [tilespmem:$0x140]  }
0x28d: {  	v6 =	vld [tilespmem:$0x150];
	v1 =	vadd.s32 v0, v1  }
0x28e: {  	[tilespmem:$0x300] =	vst v1;
	v1 =	vadd.s32 v0, v2;
	v2 =	vld [tilespmem:$0x160]  }
0x28f: {  	[tilespmem:$0x310] =	vst v1;
	v1 =	vadd.s32 v0, v3;
	v3 =	vld [tilespmem:$0x170]  }
0x290: {  	v58 =	vld [tilespmem:$0x180];
	[tilespmem:$0x320] =	vst v1;
	v1 =	vadd.s32 v0, v4  }
0x291: {  	v59 =	vld [tilespmem:$0x190];
	[tilespmem:$0x330] =	vst v1;
	v1 =	vadd.s32 v0, v5  }
0x292: {  	v60 =	vld [tilespmem:$0x1A0];
	[tilespmem:$0x340] =	vst v1;
	v1 =	vadd.s32 v0, v6  }
0x293: {  	[tilespmem:$0x350] =	vst v1;
	v1 =	vadd.s32 v0, v2;
	v2 =	vld [tilespmem:$0x1B0]  }
0x294: {  	[tilespmem:$0x360] =	vst v1;
	v1 =	vadd.s32 v0, v3;
	v3 =	vld [tilespmem:$0x1C0]  }
0x295: {  	v61 =	vld [tilespmem:$0x1D0];
	[tilespmem:$0x370] =	vst v1;
	v1 =	vadd.s32 v0, v58  }
0x296: {  	v62 =	vld [tilespmem:$0x1E0];
	[tilespmem:$0x380] =	vst v1;
	v1 =	vadd.s32 v0, v59  }
0x297: {  	v63 =	vld [tilespmem:$0x1F0];
	[tilespmem:$0x390] =	vst v1;
	v1 =	vadd.s32 v0, v60  }
0x298: {  	[tilespmem:$0x3A0] =	vst v1;
	v1 =	vadd.s32 v0, v2  }
0x299: {  	[tilespmem:$0x3B0] =	vst v1;
	v1 =	vadd.s32 v0, v3  }
0x29a: {  	[tilespmem:$0x3C0] =	vst v1;
	v1 =	vadd.s32 v0, v61  }
0x29b: {  	[tilespmem:$0x3D0] =	vst v1;
	v1 =	vadd.s32 v0, v62  }
.Ltmp5:
0x29c: {  	[tilespmem:$0x3E0] =	vst v1;
	v1 =	vadd.s32 v0, v63;
	(pc) =	sbr.rel .LBB2_2-.Ltmp5, $4  }
0x29d: {  	[tilespmem:$0x3F0] =	vst v1  }
0x29e: {  	[tilespmem:s18], [sflag:$0x2] =	stream.indirect.gather [hbm4b:s1+s11], $0x80, s17, s11, $0xb8;
	[tilespmem:$0x12400] =	vst v63  }
0x29f: {  	s29 =	sadd.s32 $0x1, s29  }
0x2a0: {  	[tilespmem:s20], [sflag:$0x2] =	stream.indirect.gather [hbm4b:s1+s11], $0x80, s19, s11, $0xb8;
	[tilespmem:$0x12400] =	vst v63  }
.LBB2_9:
0x2a1: {  	_ =	sfence.sel $0x180000  }
0x2a2: {  	[bflag:$0x0] =	sbarrier.arrive $0xFFFF  }
0x2a3: {  	_ =	strace $0x90000047  }
0x2a4: {  	s0 =	stileid.u32;
	[bflag:$0x2] =	sbarrier.arrive $0xFFFF  }
0x2a5: {  	p0 =	sne.s32 s0, $0x0;
	s0 =	rddreg [dreg:$0x3]  }
0x2a6: {  	s0 =	sadd.s32 @!p0 $0x100000, s0  }
0x2a7: {  	[sflag:s0] =	ssyncadd.tile.s32 @!p0 $0x1;
	_ =	shalt  }
.Lfunc_end2:
_tile_overlayer_lowered:
.L_overlay_start_2:
0x2a8: {  	(tag) =	ssettag $0x2  }
0x2a9: {  	s0 =	rddreg [dreg:$0x0];
	s2 =	stileid.u32  }
0x2aa: {  	s1 =	rddreg [dreg:$0x1];
	p0 =	sne.s32 s2, $0x0  }
0x2ab: {  	s3 =	rddreg [dreg:$0x2];
	[bflag:$0x3] =	sbarrier.arrive $0xFFFF;
	s2 =	simm.s32 @!p0 $0x1C05  }
0x2ac: {  	[timem:s3], [sflag:s2] =	dma.local @!p0 [hbm:s0], s1  }
0x2ad: {  	s0 =	simm.s32 @!p0 $0x5  }
0x2ae: {  	_ =	swait.ge @!p0 [sflag:s0], s1  }
0x2af: {  	s1 =	ssub.s32 @!p0 $0x0, s1;
	[sflag:s0] =	ssyncset.done @!p0 $0x0  }
0x2b0: {  	[sflag:s0] =	ssyncadd.s32 @!p0 s1  }
0x2b1: {  	[bflag:$0x3] =	sbarrier.arrive $0xFFFF  }
0x2b2: {  	_ =	shalt  }

</sc_bundles>
